<compile_context>
chip_gen: v7x
topology: tpu7x:2x2x1
jax: 0.10.2.dev20260603
libtpu: 0.0.44.dev20260713+nightly
codegen_flags: <defaults>
</compile_context>

<pallas_src>
import functools

import numpy as np
import jax
import jax.numpy as jnp
from jax import lax
from jax.experimental import pallas as pl
from jax.experimental.pallas import tpu as pltpu
from jax.experimental.pallas import tpu_sc as plsc

DM = 256
NL = 4
NH = 8
NP = 4
NBATCH = 2
LQ = 1024
HH = 32
WW = 32
HW = HH * WW
LIN = NL * HW
DH = DM // NH
MAXG = (HH - 1) * (WW - 1)
DELTAS = (-1 - HH, -HH, 1 - HH, -1, 0, 1, -1 + HH, HH, 1 + HH)

TQ = 256

NGROUP = NBATCH * NH * LQ
NROWS = NBATCH * NL * HW * NH
NW = 32
GPT = NGROUP // NW
CH = 64
NCHUNK = GPT // CH


def _build_stencil() -> np.ndarray:
    t = np.arange(HW)
    a = np.zeros((HW, HW), np.float32)
    for d in DELTAS:
        n = np.clip(t + d, 0, MAXG)
        w = n // HH
        h = n - w * HH
        for dy in (-1, 0):
            for dx in (-1, 0):
                y = h + dy
                x = w + dx
                valid = (y >= 0) & (x >= 0)
                np.add.at(a, (t[valid], (y * WW + x)[valid]), 0.25)
    return a * (1.0 / (NL * NP * 9))


_A_NP = _build_stencil()


def _topk_body(q_ref, v_ref, idx_ref, locw_ref, loch_ref):
    q = q_ref[0, 0]
    v = v_ref[0, 0]
    corr = lax.dot_general(q, v, (((1,), (1,)), ((), ())),
                           preferred_element_type=jnp.float32)
    iota = lax.broadcasted_iota(jnp.int32, (TQ, HW), 1)
    cols = []
    for l in range(NL):
        c = corr[:, l * HW:(l + 1) * HW]
        for _ in range(NP):
            mx = jnp.max(c, axis=1, keepdims=True)
            ip = jnp.min(jnp.where(c == mx, iota, HW), axis=1, keepdims=True)
            cols.append(ip)
            c = jnp.where(iota == ip, -jnp.inf, c)
    idx16 = jnp.concatenate(cols, axis=1)
    idx_ref[0, 0] = idx16
    ws, hs = [], []
    for d in DELTAS:
        n = jnp.clip(idx16 + d, 0, MAXG)
        w = n // HH
        ws.append(w)
        hs.append(n - w * HH)
    scale = jnp.float32(1.0 / WW)
    locw_ref[0, 0] = jnp.concatenate(ws, axis=1).astype(jnp.float32) * scale
    loch_ref[0, 0] = jnp.concatenate(hs, axis=1).astype(jnp.float32) * scale


def _topk_call(qh, vh):
    grid = (NBATCH, NH, LQ // TQ)
    return pl.pallas_call(
        _topk_body,
        grid=grid,
        in_specs=[
            pl.BlockSpec((1, 1, TQ, DH), lambda b, m, i: (b, m, i, 0)),
            pl.BlockSpec((1, 1, LIN, DH), lambda b, m, i: (b, m, 0, 0)),
        ],
        out_specs=[
            pl.BlockSpec((1, 1, TQ, 16), lambda b, m, i: (b, m, i, 0)),
            pl.BlockSpec((1, 1, TQ, 144), lambda b, m, i: (b, m, i, 0)),
            pl.BlockSpec((1, 1, TQ, 144), lambda b, m, i: (b, m, i, 0)),
        ],
        out_shape=[
            jax.ShapeDtypeStruct((NBATCH, NH, LQ, 16), jnp.int32),
            jax.ShapeDtypeStruct((NBATCH, NH, LQ, 144), jnp.float32),
            jax.ShapeDtypeStruct((NBATCH, NH, LQ, 144), jnp.float32),
        ],
    )(qh, vh)


def _table_body(a_ref, v_ref, t_ref):
    t_ref[0, 0] = jnp.dot(a_ref[...], v_ref[0, 0],
                          preferred_element_type=jnp.float32)


def _table_call(a, vl):
    return pl.pallas_call(
        _table_body,
        grid=(NBATCH, NL),
        in_specs=[
            pl.BlockSpec((HW, HW), lambda b, l: (0, 0)),
            pl.BlockSpec((1, 1, HW, DM), lambda b, l: (b, l, 0, 0)),
        ],
        out_specs=pl.BlockSpec((1, 1, HW, DM), lambda b, l: (b, l, 0, 0)),
        out_shape=jax.ShapeDtypeStruct((NBATCH, NL, HW, DM), jnp.float32),
    )(a, vl)


def _proj_body(x_ref, w_ref, b_ref, o_ref):
    o_ref[...] = lax.dot_general(
        x_ref[...], w_ref[...], (((1,), (1,)), ((), ())),
        preferred_element_type=jnp.float32) + b_ref[...]


def _proj_call(x, w, b):
    n = x.shape[0]
    return pl.pallas_call(
        _proj_body,
        grid=(1,),
        in_specs=[
            pl.BlockSpec((n, DM), lambda i: (0, 0)),
            pl.BlockSpec((DM, DM), lambda i: (0, 0)),
            pl.BlockSpec((1, DM), lambda i: (0, 0)),
        ],
        out_specs=pl.BlockSpec((n, DM), lambda i: (0, 0)),
        out_shape=jax.ShapeDtypeStruct((n, DM), jnp.float32),
    )(x, w, b)


def _sc_gather(tbl2d, idx2d):
    mesh = plsc.VectorSubcoreMesh(core_axis_name="c", subcore_axis_name="s")

    @functools.partial(
        pl.kernel,
        mesh=mesh,
        compiler_params=pltpu.CompilerParams(use_tc_tiling_on_sc=False),
        out_type=jax.ShapeDtypeStruct((NGROUP, DH), jnp.float32),
        scratch_types=[
            pltpu.VMEM((CH, 16), jnp.int32),
            pltpu.VMEM((CH * 16 // 128, 128), jnp.int32),
            pltpu.VMEM((CH * 16, DH), jnp.float32),
            pltpu.VMEM((CH, DH), jnp.float32),
            pltpu.SemaphoreType.DMA,
        ],
    )
    def k(tbl_hbm, idx_hbm, out_hbm, idx_v, gidx_v, rows_v, out_v, sem):
        wid = lax.axis_index("s") * 2 + lax.axis_index("c")
        g0 = wid * GPT
        b = g0 >> 13
        m = (g0 >> 10) & 7
        lane = lax.iota(jnp.int32, 16)
        add = ((lane >> 2) << 13) + ((b << 15) + m)

        def chunk(ci, carry):
            base = g0 + ci * CH
            pltpu.sync_copy(idx_hbm.at[pl.ds(base, CH)], idx_v)
            for i in range(CH):
                gv = (idx_v[i, :] << 3) + add
                gidx_v[i // 8, pl.ds((i % 8) * 16, 16)] = gv
            handles = [
                pltpu.async_copy(tbl_hbm.at[gidx_v.at[j]],
                                 rows_v.at[pl.ds(j * 128, 128)], sem)
                for j in range(CH * 16 // 128)
            ]
            for h in handles:
                h.wait()

            def red(g, c2):
                r0 = g * 16
                acc0 = rows_v[r0, pl.ds(0, 16)]
                acc1 = rows_v[r0, pl.ds(16, 16)]
                for j in range(1, 16):
                    acc0 = acc0 + rows_v[r0 + j, pl.ds(0, 16)]
                    acc1 = acc1 + rows_v[r0 + j, pl.ds(16, 16)]
                out_v[g, pl.ds(0, 16)] = acc0
                out_v[g, pl.ds(16, 16)] = acc1
                return c2

            lax.fori_loop(0, CH, red, 0)
            pltpu.sync_copy(out_v, out_hbm.at[pl.ds(base, CH)])
            return carry

        lax.fori_loop(0, NCHUNK, chunk, 0)

    return k(tbl2d, idx2d)


def kernel(query, reference_points, input_flatten, input_spatial_shapes,
           input_level_start_index, W_out, b_out):
    qh = query.reshape(NBATCH, LQ, NH, DH).transpose(0, 2, 1, 3)
    vh = input_flatten.reshape(NBATCH, LIN, NH, DH).transpose(0, 2, 1, 3)
    idx, locw, loch = _topk_call(qh, vh)

    a = jnp.asarray(_A_NP)
    tbl = _table_call(a, input_flatten.reshape(NBATCH, NL, HW, DM))

    pre = _sc_gather(tbl.reshape(NROWS, DH), idx.reshape(NGROUP, 16))
    pre = pre.reshape(NBATCH, NH, LQ, DH).transpose(0, 2, 1, 3)
    pre = pre.reshape(NBATCH * LQ, DM)

    out = _proj_call(pre, W_out, b_out.reshape(1, DM))
    out = out.reshape(NBATCH, LQ, DM)

    def arrange(t):
        t = t.reshape(NBATCH, NH, LQ, 9, NL, NP)
        t = t.transpose(0, 2, 1, 4, 3, 5)
        return t.reshape(NBATCH, LQ, NH, NL, 9 * NP)

    loc = jnp.stack([arrange(locw), arrange(loch)], axis=-1)
    return out, loc

# --- scband reference (transcript-rebuilt; emitter-appended) ---
"""Pipeline reference for scband-msdeform-match-v2-header-attn-10136122818981 (READ-ONLY COPY).

The authoritative reference and input builder live on the scoring server;
editing this copy changes nothing except your own understanding.
"""

import jax, jax.numpy as jnp
import numpy as np

D_MODEL = 256
N_LEVELS = 4
N_HEADS = 8
N_POINTS = 4
NB = 2
LEN_Q = 1024
H = 32
W = 32
LEN_IN = N_LEVELS * H * W


def setup_inputs(seed: int = 0):
    key = jax.random.key(seed)
    k1, k2, k3, k4 = jax.random.split(key, 4)
    query = jax.random.normal(k1, (NB, LEN_Q, D_MODEL), dtype=jnp.float32)
    reference_points = jax.random.uniform(k2, (NB, LEN_Q, N_LEVELS, 2), dtype=jnp.float32)
    input_flatten = jax.random.normal(k3, (NB, LEN_IN, D_MODEL), dtype=jnp.float32)
    input_spatial_shapes = jnp.full((N_LEVELS, 2), H, dtype=jnp.int32)
    input_level_start_index = jnp.arange(N_LEVELS, dtype=jnp.int32) * (H * W)
    limit = float(np.sqrt(6.0 / (D_MODEL + D_MODEL)))
    W_out = jax.random.uniform(k4, (D_MODEL, D_MODEL), minval=-limit, maxval=limit, dtype=jnp.float32)
    b_out = jnp.zeros((D_MODEL,), dtype=jnp.float32)
    return {"query": query, "reference_points": reference_points, "input_flatten": input_flatten,
            "input_spatial_shapes": input_spatial_shapes, "input_level_start_index": input_level_start_index,
            "W_out": W_out, "b_out": b_out}


def _grid_sample_bilinear(im, grid):
    # torch F.grid_sample, mode='bilinear', padding_mode='zeros', align_corners=False
    B, C, Hh, Ww = im.shape
    Hg, Wg = grid.shape[1], grid.shape[2]
    x = (grid[..., 0] + 1.0) * Ww / 2.0 - 0.5
    y = (grid[..., 1] + 1.0) * Hh / 2.0 - 0.5
    x0 = jnp.floor(x)
    y0 = jnp.floor(y)
    x1 = x0 + 1.0
    y1 = y0 + 1.0
    flat = im.reshape(B, C, Hh * Ww)
    b_idx = jnp.arange(B)[:, None]

    def gather(ix, iy):
        valid = (ix >= 0) & (ix <= Ww - 1) & (iy >= 0) & (iy <= Hh - 1)
        ixc = jnp.clip(ix, 0, Ww - 1).astype(jnp.int32)
        iyc = jnp.clip(iy, 0, Hh - 1).astype(jnp.int32)
        idx = (iyc * Ww + ixc).reshape(B, Hg * Wg)
        g = flat[b_idx, :, idx]  # [B, Hg*Wg, C]
        g = g * valid.reshape(B, Hg * Wg, 1).astype(im.dtype)
        return jnp.transpose(g, (0, 2, 1))  # [B, C, Hg*Wg]

    Ia = gather(x0, y0)
    Ib = gather(x0, y1)
    Ic = gather(x1, y0)
    Id = gather(x1, y1)
    wa = ((x1 - x) * (y1 - y)).reshape(B, 1, Hg * Wg)
    wb = ((x1 - x) * (y - y0)).reshape(B, 1, Hg * Wg)
    wc = ((x - x0) * (y1 - y)).reshape(B, 1, Hg * Wg)
    wd = ((x - x0) * (y - y0)).reshape(B, 1, Hg * Wg)
    out = Ia * wa + Ib * wb + Ic * wc + Id * wd
    return out.reshape(B, C, Hg, Wg)


def _sample_offset(query, input_flatten, h, w, t):
    Nb, Lq, dim = query.shape
    dim_split = dim // N_HEADS
    offs = []
    for hd in range(N_HEADS):
        q = query[:, :, hd * dim_split:(hd + 1) * dim_split]
        v = input_flatten[:, :, hd * dim_split:(hd + 1) * dim_split]
        corr = (jnp.matmul(q, jnp.swapaxes(v, 1, 2)) / dim_split).reshape(Nb, Lq, t, h * w)
        prob = jax.nn.softmax(10.0 * corr, axis=-1)
        _, indices = jax.lax.top_k(prob, N_POINTS)
        neigh = jnp.concatenate([indices - 1 - h, indices - h, indices + 1 - h,
                                 indices - 1, indices, indices + 1,
                                 indices - 1 + h, indices + h, indices + 1 + h], axis=-1)
        max_grid = (h - 1) * (w - 1)
        neigh = jnp.clip(neigh, 0, max_grid)
        offsets_w = jnp.floor(neigh[..., None].astype(jnp.float32) / h)
        offsets_h = neigh[..., None].astype(jnp.float32) - offsets_w * h
        offsets = jnp.concatenate([offsets_w, offsets_h], axis=-1)
        offs.append(offsets.reshape(Nb, Lq, 1, N_LEVELS, N_POINTS * 9, 2))
    return jnp.concatenate(offs, axis=2)


def _ms_deform_attn_core(value, spatial_hw, sampling_locations, attention_weights):
    Nb, S, M, D = value.shape
    _, Lq, _, L, P, _ = sampling_locations.shape
    sampling_grids = 2.0 * sampling_locations - 1.0
    sampled = []
    start = 0
    for lid in range(L):
        Hl, Wl = spatial_hw[lid]
        value_l = value[:, start:start + Hl * Wl]  # [N, HW, M, D]
        start += Hl * Wl
        value_l = jnp.transpose(value_l, (0, 2, 3, 1)).reshape(Nb * M, D, Hl, Wl)
        grid_l = jnp.transpose(sampling_grids[:, :, :, lid], (0, 2, 1, 3, 4)).reshape(Nb * M, Lq, P, 2)
        sampled.append(_grid_sample_bilinear(value_l, grid_l))  # [N*M, D, Lq, P]
    sampled = jnp.stack(sampled, axis=-2).reshape(Nb * M, D, Lq, L * P)
    attw = jnp.transpose(attention_weights, (0, 2, 1, 3, 4)).reshape(Nb * M, 1, Lq, L * P)
    out = (sampled * attw).sum(-1).reshape(Nb, M, D, Lq)
    return jnp.transpose(out, (0, 3, 1, 2)).reshape(Nb, Lq, M * D)


def _forward(query, reference_points, input_flatten, input_spatial_shapes, W_out, b_out):
    Nb, Lq, _ = query.shape
    _, Lin, dim = input_flatten.shape
    h = H
    w = H
    t = Lin // (h * w)
    value = input_flatten.reshape(Nb, Lin, N_HEADS, D_MODEL // N_HEADS)
    sampling_offsets = _sample_offset(query, input_flatten, h, w, t)
    # buffer attention_weights = softmax(ones) -> uniform 1/(L*P*9)
    attention_weights = jnp.full((Nb, Lq, N_HEADS, N_LEVELS, N_POINTS * 9),
                                 1.0 / (N_LEVELS * N_POINTS * 9), dtype=jnp.float32)
    offset_normalizer = jnp.stack([input_spatial_shapes[:, 1].astype(jnp.float32),
                                   input_spatial_shapes[:, 0].astype(jnp.float32)], -1)
    sampling_locations = sampling_offsets / offset_normalizer[None, None, None, :, None, :]
    spatial_hw = [(H, H) for i in range(N_LEVELS)]
    output = _ms_deform_attn_core(value, spatial_hw, sampling_locations, attention_weights)
    output = output @ W_out.T + b_out
    return output, sampling_locations


def reference(query, reference_points, input_flatten, input_spatial_shapes, input_level_start_index, W_out, b_out):
    return _forward(query, reference_points, input_flatten, input_spatial_shapes, W_out, b_out)

if __name__ == "__main__":
    import jax
    _d = setup_inputs()
    print(jax.jit(kernel)(*tuple(_d.values())))

</pallas_src>

<mosaic_0001>
#map = affine_map<(d0, d1) -> (0, 0)>
module attributes {stable_mosaic.version = 14 : i64} {
  func.func @k(%arg0: i32, %arg1: i32, %arg2: memref<65536x32xf32, #tpu.memory_space<hbm>>, %arg3: memref<16384x16xi32, #tpu.memory_space<hbm>>, %arg4: memref<16384x32xf32, #tpu.memory_space<hbm>>, %arg5: memref<64x16xi32, #tpu.memory_space<vmem>>, %arg6: memref<8x128xi32, #tpu.memory_space<vmem>>, %arg7: memref<1024x32xf32, #tpu.memory_space<vmem>>, %arg8: memref<64x32xf32, #tpu.memory_space<vmem>>, %arg9: memref<!tpu.dma_semaphore, #tpu.memory_space<semaphore_mem>>) attributes {dimension_semantics = [#tpu.dimension_semantics<core_parallel>, #tpu.dimension_semantics<subcore_parallel>], iteration_bounds = array<i64: 2, 16>, scalar_prefetch = 0 : i64, scratch_operands = 5 : i64, tpu.core_type = #tpu.core_type<sc_vector_subcore>, window_params = [{transform_indices = #map}, {transform_indices = #map}, {transform_indices = #map}]} {
    %mul3A = arith.constant 2 : i32
    %mul3A_0 = arith.muli %arg1, %mul3A : i32
    %add3A = arith.addi %mul3A_0, %arg0 : i32
    %mul3A_1 = arith.constant 512 : i32
    %mul3A_2 = arith.muli %add3A, %mul3A_1 : i32
    %shift_right_arithmetic3A = arith.constant 13 : i32
    %shift_right_arithmetic3A_3 = arith.shrsi %mul3A_2, %shift_right_arithmetic3A : i32
    %shift_right_arithmetic3A_4 = arith.constant 10 : i32
    %shift_right_arithmetic3A_5 = arith.shrsi %mul3A_2, %shift_right_arithmetic3A_4 : i32
    %and3A = arith.constant 7 : i32
    %and3A_6 = arith.andi %shift_right_arithmetic3A_5, %and3A : i32
    %iota3A = tpu.iota {dimensions = array<i32: 0>} : vector<16xi32>
    %shift_right_arithmetic3A_7 = arith.constant 2 : i32
    %shift_right_arithmetic3A_8 = vector.broadcast %shift_right_arithmetic3A_7 : i32 to vector<16xi32>
    %shift_right_arithmetic3A_9 = arith.shrsi %iota3A, %shift_right_arithmetic3A_8 : vector<16xi32>
    %shift_left3A = arith.constant 13 : i32
    %shift_left3A_10 = vector.broadcast %shift_left3A : i32 to vector<16xi32>
    %shift_left3A_11 = arith.shli %shift_right_arithmetic3A_9, %shift_left3A_10 : vector<16xi32>
    %shift_left3A_12 = arith.constant 15 : i32
    %shift_left3A_13 = arith.shli %shift_right_arithmetic3A_3, %shift_left3A_12 : i32
    %add3A_14 = arith.addi %shift_left3A_13, %and3A_6 : i32
    %add3A_15 = vector.broadcast %add3A_14 : i32 to vector<16xi32>
    %add3A_16 = arith.addi %shift_left3A_11, %add3A_15 : vector<16xi32>
    %scan3A = arith.constant 0 : i32
    %scan3A_17 = arith.constant 0 : i32
    %scan3A_18 = arith.constant 8 : i32
    %scan3A_19 = arith.addi %scan3A_17, %scan3A_18 : i32
    %scan3A_20 = arith.constant 1 : i32
    scf.for %scan3A_22 = %scan3A_17 to %scan3A_19 step %scan3A_20  : i32 {
      %mul3A_23 = arith.constant 64 : i32
      %mul3A_24 = arith.muli %scan3A_22, %mul3A_23 : i32
      %add3A_25 = arith.addi %mul3A_2, %mul3A_24 : i32
      "tpu.region"() ({
        %run_scoped3A = tpu.sem_alloc : memref<!tpu.dma_semaphore, #tpu.memory_space<semaphore_mem>>
        %dma_start3A_1148 = arith.constant 0 : i32
        %dma_start3A_1149 = tpu.memref_slice %arg3[%add3A_25, %dma_start3A_1148] : memref<16384x16xi32, #tpu.memory_space<hbm>> -> memref<64x16xi32, #tpu.memory_space<hbm>>
        %dma_start3A_1150 = arith.constant 0 : i32
        %dma_start3A_1151 = tpu.memref_slice %arg3[%add3A_25, %dma_start3A_1150] : memref<16384x16xi32, #tpu.memory_space<hbm>> -> memref<64x16xi32, #tpu.memory_space<hbm>>
        tpu.enqueue_dma source(%dma_start3A_1151 : memref<64x16xi32, #tpu.memory_space<hbm>>) target(%arg5 : memref<64x16xi32, #tpu.memory_space<vmem>>) target_semaphore(%run_scoped3A : memref<!tpu.dma_semaphore, #tpu.memory_space<semaphore_mem>>)
        %dma_wait3A_1152 = arith.constant 0 : i32
        %dma_wait3A_1153 = tpu.memref_slice %arg3[%add3A_25, %dma_wait3A_1152] : memref<16384x16xi32, #tpu.memory_space<hbm>> -> memref<64x16xi32, #tpu.memory_space<hbm>>
        %dma_wait3A_1154 = arith.constant 0 : i32
        %dma_wait3A_1155 = tpu.memref_slice %arg3[%add3A_25, %dma_wait3A_1154] : memref<16384x16xi32, #tpu.memory_space<hbm>> -> memref<64x16xi32, #tpu.memory_space<hbm>>
        tpu.wait_dma2 semaphore(%run_scoped3A : memref<!tpu.dma_semaphore, #tpu.memory_space<semaphore_mem>>) src(%dma_wait3A_1155 : memref<64x16xi32, #tpu.memory_space<hbm>>) dst(%arg5 : memref<64x16xi32, #tpu.memory_space<vmem>>)
        tpu.yield
      }) : () -> ()
      %get3A = arith.constant 0 : i32
      %get3A_26 = arith.index_cast %get3A : i32 to index
      %get3A_27 = arith.constant 0 : index
      %get3A_28 = tpu.vector_load %arg5[%get3A_26, %get3A_27] {strides = array<i32>} : memref<64x16xi32, #tpu.memory_space<vmem>>, vector<1x16xi32>,
      %get3A_29 = vector.shape_cast %get3A_28 : vector<1x16xi32> to vector<16xi32>
      %shift_left3A_30 = arith.constant 3 : i32
      %shift_left3A_31 = vector.broadcast %shift_left3A_30 : i32 to vector<16xi32>
      %shift_left3A_32 = arith.shli %get3A_29, %shift_left3A_31 : vector<16xi32>
      %add3A_33 = arith.addi %shift_left3A_32, %add3A_16 : vector<16xi32>
      %swap3A = arith.constant 0 : i32
      %swap3A_34 = arith.index_cast %swap3A : i32 to index
      %swap3A_35 = arith.constant 0 : index
      %swap3A_36 = tpu.vector_load %arg6[%swap3A_34, %swap3A_35] {strides = array<i32>} : memref<8x128xi32, #tpu.memory_space<vmem>>, vector<1x16xi32>,
      %swap3A_37 = vector.shape_cast %swap3A_36 : vector<1x16xi32> to vector<16xi32>
      %swap3A_38 = vector.shape_cast %add3A_33 : vector<16xi32> to vector<1x16xi32>
      tpu.vector_store %arg6[%swap3A_34, %swap3A_35], %swap3A_38 {strides = array<i32>} : memref<8x128xi32, #tpu.memory_space<vmem>>, vector<1x16xi32>,
      %get3A_39 = arith.constant 1 : i32
      %get3A_40 = arith.index_cast %get3A_39 : i32 to index
      %get3A_41 = arith.constant 0 : index
      %get3A_42 = tpu.vector_load %arg5[%get3A_40, %get3A_41] {strides = array<i32>} : memref<64x16xi32, #tpu.memory_space<vmem>>, vector<1x16xi32>,
      %get3A_43 = vector.shape_cast %get3A_42 : vector<1x16xi32> to vector<16xi32>
      %shift_left3A_44 = arith.constant 3 : i32
      %shift_left3A_45 = vector.broadcast %shift_left3A_44 : i32 to vector<16xi32>
      %shift_left3A_46 = arith.shli %get3A_43, %shift_left3A_45 : vector<16xi32>
      %add3A_47 = arith.addi %shift_left3A_46, %add3A_16 : vector<16xi32>
      %swap3A_48 = arith.constant 0 : i32
      %swap3A_49 = arith.index_cast %swap3A_48 : i32 to index
      %swap3A_50 = arith.constant 16 : index
      %swap3A_51 = tpu.vector_load %arg6[%swap3A_49, %swap3A_50] {strides = array<i32>} : memref<8x128xi32, #tpu.memory_space<vmem>>, vector<1x16xi32>,
      %swap3A_52 = vector.shape_cast %swap3A_51 : vector<1x16xi32> to vector<16xi32>
      %swap3A_53 = vector.shape_cast %add3A_47 : vector<16xi32> to vector<1x16xi32>
      tpu.vector_store %arg6[%swap3A_49, %swap3A_50], %swap3A_53 {strides = array<i32>} : memref<8x128xi32, #tpu.memory_space<vmem>>, vector<1x16xi32>,
      %get3A_54 = arith.constant 2 : i32
      %get3A_55 = arith.index_cast %get3A_54 : i32 to index
      %get3A_56 = arith.constant 0 : index
      %get3A_57 = tpu.vector_load %arg5[%get3A_55, %get3A_56] {strides = array<i32>} : memref<64x16xi32, #tpu.memory_space<vmem>>, vector<1x16xi32>,
      %get3A_58 = vector.shape_cast %get3A_57 : vector<1x16xi32> to vector<16xi32>
      %shift_left3A_59 = arith.constant 3 : i32
      %shift_left3A_60 = vector.broadcast %shift_left3A_59 : i32 to vector<16xi32>
      %shift_left3A_61 = arith.shli %get3A_58, %shift_left3A_60 : vector<16xi32>
      %add3A_62 = arith.addi %shift_left3A_61, %add3A_16 : vector<16xi32>
      %swap3A_63 = arith.constant 0 : i32
      %swap3A_64 = arith.index_cast %swap3A_63 : i32 to index
      %swap3A_65 = arith.constant 32 : index
      %swap3A_66 = tpu.vector_load %arg6[%swap3A_64, %swap3A_65] {strides = array<i32>} : memref<8x128xi32, #tpu.memory_space<vmem>>, vector<1x16xi32>,
      %swap3A_67 = vector.shape_cast %swap3A_66 : vector<1x16xi32> to vector<16xi32>
      %swap3A_68 = vector.shape_cast %add3A_62 : vector<16xi32> to vector<1x16xi32>
      tpu.vector_store %arg6[%swap3A_64, %swap3A_65], %swap3A_68 {strides = array<i32>} : memref<8x128xi32, #tpu.memory_space<vmem>>, vector<1x16xi32>,
      %get3A_69 = arith.constant 3 : i32
      %get3A_70 = arith.index_cast %get3A_69 : i32 to index
      %get3A_71 = arith.constant 0 : index
      %get3A_72 = tpu.vector_load %arg5[%get3A_70, %get3A_71] {strides = array<i32>} : memref<64x16xi32, #tpu.memory_space<vmem>>, vector<1x16xi32>,
      %get3A_73 = vector.shape_cast %get3A_72 : vector<1x16xi32> to vector<16xi32>
      %shift_left3A_74 = arith.constant 3 : i32
      %shift_left3A_75 = vector.broadcast %shift_left3A_74 : i32 to vector<16xi32>
      %shift_left3A_76 = arith.shli %get3A_73, %shift_left3A_75 : vector<16xi32>
      %add3A_77 = arith.addi %shift_left3A_76, %add3A_16 : vector<16xi32>
      %swap3A_78 = arith.constant 0 : i32
      %swap3A_79 = arith.index_cast %swap3A_78 : i32 to index
      %swap3A_80 = arith.constant 48 : index
      %swap3A_81 = tpu.vector_load %arg6[%swap3A_79, %swap3A_80] {strides = array<i32>} : memref<8x128xi32, #tpu.memory_space<vmem>>, vector<1x16xi32>,
      %swap3A_82 = vector.shape_cast %swap3A_81 : vector<1x16xi32> to vector<16xi32>
      %swap3A_83 = vector.shape_cast %add3A_77 : vector<16xi32> to vector<1x16xi32>
      tpu.vector_store %arg6[%swap3A_79, %swap3A_80], %swap3A_83 {strides = array<i32>} : memref<8x128xi32, #tpu.memory_space<vmem>>, vector<1x16xi32>,
      %get3A_84 = arith.constant 4 : i32
      %get3A_85 = arith.index_cast %get3A_84 : i32 to index
      %get3A_86 = arith.constant 0 : index
      %get3A_87 = tpu.vector_load %arg5[%get3A_85, %get3A_86] {strides = array<i32>} : memref<64x16xi32, #tpu.memory_space<vmem>>, vector<1x16xi32>,
      %get3A_88 = vector.shape_cast %get3A_87 : vector<1x16xi32> to vector<16xi32>
      %shift_left3A_89 = arith.constant 3 : i32
      %shift_left3A_90 = vector.broadcast %shift_left3A_89 : i32 to vector<16xi32>
      %shift_left3A_91 = arith.shli %get3A_88, %shift_left3A_90 : vector<16xi32>
      %add3A_92 = arith.addi %shift_left3A_91, %add3A_16 : vector<16xi32>
      %swap3A_93 = arith.constant 0 : i32
      %swap3A_94 = arith.index_cast %swap3A_93 : i32 to index
      %swap3A_95 = arith.constant 64 : index
      %swap3A_96 = tpu.vector_load %arg6[%swap3A_94, %swap3A_95] {strides = array<i32>} : memref<8x128xi32, #tpu.memory_space<vmem>>, vector<1x16xi32>,
      %swap3A_97 = vector.shape_cast %swap3A_96 : vector<1x16xi32> to vector<16xi32>
      %swap3A_98 = vector.shape_cast %add3A_92 : vector<16xi32> to vector<1x16xi32>
      tpu.vector_store %arg6[%swap3A_94, %swap3A_95], %swap3A_98 {strides = array<i32>} : memref<8x128xi32, #tpu.memory_space<vmem>>, vector<1x16xi32>,
      %get3A_99 = arith.constant 5 : i32
      %get3A_100 = arith.index_cast %get3A_99 : i32 to index
      %get3A_101 = arith.constant 0 : index
      %get3A_102 = tpu.vector_load %arg5[%get3A_100, %get3A_101] {strides = array<i32>} : memref<64x16xi32, #tpu.memory_space<vmem>>, vector<1x16xi32>,
      %get3A_103 = vector.shape_cast %get3A_102 : vector<1x16xi32> to vector<16xi32>
      %shift_left3A_104 = arith.constant 3 : i32
      %shift_left3A_105 = vector.broadcast %shift_left3A_104 : i32 to vector<16xi32>
      %shift_left3A_106 = arith.shli %get3A_103, %shift_left3A_105 : vector<16xi32>
      %add3A_107 = arith.addi %shift_left3A_106, %add3A_16 : vector<16xi32>
      %swap3A_108 = arith.constant 0 : i32
      %swap3A_109 = arith.index_cast %swap3A_108 : i32 to index
      %swap3A_110 = arith.constant 80 : index
      %swap3A_111 = tpu.vector_load %arg6[%swap3A_109, %swap3A_110] {strides = array<i32>} : memref<8x128xi32, #tpu.memory_space<vmem>>, vector<1x16xi32>,
      %swap3A_112 = vector.shape_cast %swap3A_111 : vector<1x16xi32> to vector<16xi32>
      %swap3A_113 = vector.shape_cast %add3A_107 : vector<16xi32> to vector<1x16xi32>
      tpu.vector_store %arg6[%swap3A_109, %swap3A_110], %swap3A_113 {strides = array<i32>} : memref<8x128xi32, #tpu.memory_space<vmem>>, vector<1x16xi32>,
      %get3A_114 = arith.constant 6 : i32
      %get3A_115 = arith.index_cast %get3A_114 : i32 to index
      %get3A_116 = arith.constant 0 : index
      %get3A_117 = tpu.vector_load %arg5[%get3A_115, %get3A_116] {strides = array<i32>} : memref<64x16xi32, #tpu.memory_space<vmem>>, vector<1x16xi32>,
      %get3A_118 = vector.shape_cast %get3A_117 : vector<1x16xi32> to vector<16xi32>
      %shift_left3A_119 = arith.constant 3 : i32
      %shift_left3A_120 = vector.broadcast %shift_left3A_119 : i32 to vector<16xi32>
      %shift_left3A_121 = arith.shli %get3A_118, %shift_left3A_120 : vector<16xi32>
      %add3A_122 = arith.addi %shift_left3A_121, %add3A_16 : vector<16xi32>
      %swap3A_123 = arith.constant 0 : i32
      %swap3A_124 = arith.index_cast %swap3A_123 : i32 to index
      %swap3A_125 = arith.constant 96 : index
      %swap3A_126 = tpu.vector_load %arg6[%swap3A_124, %swap3A_125] {strides = array<i32>} : memref<8x128xi32, #tpu.memory_space<vmem>>, vector<1x16xi32>,
      %swap3A_127 = vector.shape_cast %swap3A_126 : vector<1x16xi32> to vector<16xi32>
      %swap3A_128 = vector.shape_cast %add3A_122 : vector<16xi32> to vector<1x16xi32>
      tpu.vector_store %arg6[%swap3A_124, %swap3A_125], %swap3A_128 {strides = array<i32>} : memref<8x128xi32, #tpu.memory_space<vmem>>, vector<1x16xi32>,
      %get3A_129 = arith.constant 7 : i32
      %get3A_130 = arith.index_cast %get3A_129 : i32 to index
      %get3A_131 = arith.constant 0 : index
      %get3A_132 = tpu.vector_load %arg5[%get3A_130, %get3A_131] {strides = array<i32>} : memref<64x16xi32, #tpu.memory_space<vmem>>, vector<1x16xi32>,
      %get3A_133 = vector.shape_cast %get3A_132 : vector<1x16xi32> to vector<16xi32>
      %shift_left3A_134 = arith.constant 3 : i32
      %shift_left3A_135 = vector.broadcast %shift_left3A_134 : i32 to vector<16xi32>
      %shift_left3A_136 = arith.shli %get3A_133, %shift_left3A_135 : vector<16xi32>
      %add3A_137 = arith.addi %shift_left3A_136, %add3A_16 : vector<16xi32>
      %swap3A_138 = arith.constant 0 : i32
      %swap3A_139 = arith.index_cast %swap3A_138 : i32 to index
      %swap3A_140 = arith.constant 112 : index
      %swap3A_141 = tpu.vector_load %arg6[%swap3A_139, %swap3A_140] {strides = array<i32>} : memref<8x128xi32, #tpu.memory_space<vmem>>, vector<1x16xi32>,
      %swap3A_142 = vector.shape_cast %swap3A_141 : vector<1x16xi32> to vector<16xi32>
      %swap3A_143 = vector.shape_cast %add3A_137 : vector<16xi32> to vector<1x16xi32>
      tpu.vector_store %arg6[%swap3A_139, %swap3A_140], %swap3A_143 {strides = array<i32>} : memref<8x128xi32, #tpu.memory_space<vmem>>, vector<1x16xi32>,
      %get3A_144 = arith.constant 8 : i32
      %get3A_145 = arith.index_cast %get3A_144 : i32 to index
      %get3A_146 = arith.constant 0 : index
      %get3A_147 = tpu.vector_load %arg5[%get3A_145, %get3A_146] {strides = array<i32>} : memref<64x16xi32, #tpu.memory_space<vmem>>, vector<1x16xi32>,
      %get3A_148 = vector.shape_cast %get3A_147 : vector<1x16xi32> to vector<16xi32>
      %shift_left3A_149 = arith.constant 3 : i32
      %shift_left3A_150 = vector.broadcast %shift_left3A_149 : i32 to vector<16xi32>
      %shift_left3A_151 = arith.shli %get3A_148, %shift_left3A_150 : vector<16xi32>
      %add3A_152 = arith.addi %shift_left3A_151, %add3A_16 : vector<16xi32>
      %swap3A_153 = arith.constant 1 : i32
      %swap3A_154 = arith.index_cast %swap3A_153 : i32 to index
      %swap3A_155 = arith.constant 0 : index
      %swap3A_156 = tpu.vector_load %arg6[%swap3A_154, %swap3A_155] {strides = array<i32>} : memref<8x128xi32, #tpu.memory_space<vmem>>, vector<1x16xi32>,
      %swap3A_157 = vector.shape_cast %swap3A_156 : vector<1x16xi32> to vector<16xi32>
      %swap3A_158 = vector.shape_cast %add3A_152 : vector<16xi32> to vector<1x16xi32>
      tpu.vector_store %arg6[%swap3A_154, %swap3A_155], %swap3A_158 {strides = array<i32>} : memref<8x128xi32, #tpu.memory_space<vmem>>, vector<1x16xi32>,
      %get3A_159 = arith.constant 9 : i32
      %get3A_160 = arith.index_cast %get3A_159 : i32 to index
      %get3A_161 = arith.constant 0 : index
      %get3A_162 = tpu.vector_load %arg5[%get3A_160, %get3A_161] {strides = array<i32>} : memref<64x16xi32, #tpu.memory_space<vmem>>, vector<1x16xi32>,
      %get3A_163 = vector.shape_cast %get3A_162 : vector<1x16xi32> to vector<16xi32>
      %shift_left3A_164 = arith.constant 3 : i32
      %shift_left3A_165 = vector.broadcast %shift_left3A_164 : i32 to vector<16xi32>
      %shift_left3A_166 = arith.shli %get3A_163, %shift_left3A_165 : vector<16xi32>
      %add3A_167 = arith.addi %shift_left3A_166, %add3A_16 : vector<16xi32>
      %swap3A_168 = arith.constant 1 : i32
      %swap3A_169 = arith.index_cast %swap3A_168 : i32 to index
      %swap3A_170 = arith.constant 16 : index
      %swap3A_171 = tpu.vector_load %arg6[%swap3A_169, %swap3A_170] {strides = array<i32>} : memref<8x128xi32, #tpu.memory_space<vmem>>, vector<1x16xi32>,
      %swap3A_172 = vector.shape_cast %swap3A_171 : vector<1x16xi32> to vector<16xi32>
      %swap3A_173 = vector.shape_cast %add3A_167 : vector<16xi32> to vector<1x16xi32>
      tpu.vector_store %arg6[%swap3A_169, %swap3A_170], %swap3A_173 {strides = array<i32>} : memref<8x128xi32, #tpu.memory_space<vmem>>, vector<1x16xi32>,
      %get3A_174 = arith.constant 10 : i32
      %get3A_175 = arith.index_cast %get3A_174 : i32 to index
      %get3A_176 = arith.constant 0 : index
      %get3A_177 = tpu.vector_load %arg5[%get3A_175, %get3A_176] {strides = array<i32>} : memref<64x16xi32, #tpu.memory_space<vmem>>, vector<1x16xi32>,
      %get3A_178 = vector.shape_cast %get3A_177 : vector<1x16xi32> to vector<16xi32>
      %shift_left3A_179 = arith.constant 3 : i32
      %shift_left3A_180 = vector.broadcast %shift_left3A_179 : i32 to vector<16xi32>
      %shift_left3A_181 = arith.shli %get3A_178, %shift_left3A_180 : vector<16xi32>
      %add3A_182 = arith.addi %shift_left3A_181, %add3A_16 : vector<16xi32>
      %swap3A_183 = arith.constant 1 : i32
      %swap3A_184 = arith.index_cast %swap3A_183 : i32 to index
      %swap3A_185 = arith.constant 32 : index
      %swap3A_186 = tpu.vector_load %arg6[%swap3A_184, %swap3A_185] {strides = array<i32>} : memref<8x128xi32, #tpu.memory_space<vmem>>, vector<1x16xi32>,
      %swap3A_187 = vector.shape_cast %swap3A_186 : vector<1x16xi32> to vector<16xi32>
      %swap3A_188 = vector.shape_cast %add3A_182 : vector<16xi32> to vector<1x16xi32>
      tpu.vector_store %arg6[%swap3A_184, %swap3A_185], %swap3A_188 {strides = array<i32>} : memref<8x128xi32, #tpu.memory_space<vmem>>, vector<1x16xi32>,
      %get3A_189 = arith.constant 11 : i32
      %get3A_190 = arith.index_cast %get3A_189 : i32 to index
      %get3A_191 = arith.constant 0 : index
      %get3A_192 = tpu.vector_load %arg5[%get3A_190, %get3A_191] {strides = array<i32>} : memref<64x16xi32, #tpu.memory_space<vmem>>, vector<1x16xi32>,
      %get3A_193 = vector.shape_cast %get3A_192 : vector<1x16xi32> to vector<16xi32>
      %shift_left3A_194 = arith.constant 3 : i32
      %shift_left3A_195 = vector.broadcast %shift_left3A_194 : i32 to vector<16xi32>
      %shift_left3A_196 = arith.shli %get3A_193, %shift_left3A_195 : vector<16xi32>
      %add3A_197 = arith.addi %shift_left3A_196, %add3A_16 : vector<16xi32>
      %swap3A_198 = arith.constant 1 : i32
      %swap3A_199 = arith.index_cast %swap3A_198 : i32 to index
      %swap3A_200 = arith.constant 48 : index
      %swap3A_201 = tpu.vector_load %arg6[%swap3A_199, %swap3A_200] {strides = array<i32>} : memref<8x128xi32, #tpu.memory_space<vmem>>, vector<1x16xi32>,
      %swap3A_202 = vector.shape_cast %swap3A_201 : vector<1x16xi32> to vector<16xi32>
      %swap3A_203 = vector.shape_cast %add3A_197 : vector<16xi32> to vector<1x16xi32>
      tpu.vector_store %arg6[%swap3A_199, %swap3A_200], %swap3A_203 {strides = array<i32>} : memref<8x128xi32, #tpu.memory_space<vmem>>, vector<1x16xi32>,
      %get3A_204 = arith.constant 12 : i32
      %get3A_205 = arith.index_cast %get3A_204 : i32 to index
      %get3A_206 = arith.constant 0 : index
      %get3A_207 = tpu.vector_load %arg5[%get3A_205, %get3A_206] {strides = array<i32>} : memref<64x16xi32, #tpu.memory_space<vmem>>, vector<1x16xi32>,
      %get3A_208 = vector.shape_cast %get3A_207 : vector<1x16xi32> to vector<16xi32>
      %shift_left3A_209 = arith.constant 3 : i32
      %shift_left3A_210 = vector.broadcast %shift_left3A_209 : i32 to vector<16xi32>
      %shift_left3A_211 = arith.shli %get3A_208, %shift_left3A_210 : vector<16xi32>
      %add3A_212 = arith.addi %shift_left3A_211, %add3A_16 : vector<16xi32>
      %swap3A_213 = arith.constant 1 : i32
      %swap3A_214 = arith.index_cast %swap3A_213 : i32 to index
      %swap3A_215 = arith.constant 64 : index
      %swap3A_216 = tpu.vector_load %arg6[%swap3A_214, %swap3A_215] {strides = array<i32>} : memref<8x128xi32, #tpu.memory_space<vmem>>, vector<1x16xi32>,
      %swap3A_217 = vector.shape_cast %swap3A_216 : vector<1x16xi32> to vector<16xi32>
      %swap3A_218 = vector.shape_cast %add3A_212 : vector<16xi32> to vector<1x16xi32>
      tpu.vector_store %arg6[%swap3A_214, %swap3A_215], %swap3A_218 {strides = array<i32>} : memref<8x128xi32, #tpu.memory_space<vmem>>, vector<1x16xi32>,
      %get3A_219 = arith.constant 13 : i32
      %get3A_220 = arith.index_cast %get3A_219 : i32 to index
      %get3A_221 = arith.constant 0 : index
      %get3A_222 = tpu.vector_load %arg5[%get3A_220, %get3A_221] {strides = array<i32>} : memref<64x16xi32, #tpu.memory_space<vmem>>, vector<1x16xi32>,
      %get3A_223 = vector.shape_cast %get3A_222 : vector<1x16xi32> to vector<16xi32>
      %shift_left3A_224 = arith.constant 3 : i32
      %shift_left3A_225 = vector.broadcast %shift_left3A_224 : i32 to vector<16xi32>
      %shift_left3A_226 = arith.shli %get3A_223, %shift_left3A_225 : vector<16xi32>
      %add3A_227 = arith.addi %shift_left3A_226, %add3A_16 : vector<16xi32>
      %swap3A_228 = arith.constant 1 : i32
      %swap3A_229 = arith.index_cast %swap3A_228 : i32 to index
      %swap3A_230 = arith.constant 80 : index
      %swap3A_231 = tpu.vector_load %arg6[%swap3A_229, %swap3A_230] {strides = array<i32>} : memref<8x128xi32, #tpu.memory_space<vmem>>, vector<1x16xi32>,
      %swap3A_232 = vector.shape_cast %swap3A_231 : vector<1x16xi32> to vector<16xi32>
      %swap3A_233 = vector.shape_cast %add3A_227 : vector<16xi32> to vector<1x16xi32>
      tpu.vector_store %arg6[%swap3A_229, %swap3A_230], %swap3A_233 {strides = array<i32>} : memref<8x128xi32, #tpu.memory_space<vmem>>, vector<1x16xi32>,
      %get3A_234 = arith.constant 14 : i32
      %get3A_235 = arith.index_cast %get3A_234 : i32 to index
      %get3A_236 = arith.constant 0 : index
      %get3A_237 = tpu.vector_load %arg5[%get3A_235, %get3A_236] {strides = array<i32>} : memref<64x16xi32, #tpu.memory_space<vmem>>, vector<1x16xi32>,
      %get3A_238 = vector.shape_cast %get3A_237 : vector<1x16xi32> to vector<16xi32>
      %shift_left3A_239 = arith.constant 3 : i32
      %shift_left3A_240 = vector.broadcast %shift_left3A_239 : i32 to vector<16xi32>
      %shift_left3A_241 = arith.shli %get3A_238, %shift_left3A_240 : vector<16xi32>
      %add3A_242 = arith.addi %shift_left3A_241, %add3A_16 : vector<16xi32>
      %swap3A_243 = arith.constant 1 : i32
      %swap3A_244 = arith.index_cast %swap3A_243 : i32 to index
      %swap3A_245 = arith.constant 96 : index
      %swap3A_246 = tpu.vector_load %arg6[%swap3A_244, %swap3A_245] {strides = array<i32>} : memref<8x128xi32, #tpu.memory_space<vmem>>, vector<1x16xi32>,
      %swap3A_247 = vector.shape_cast %swap3A_246 : vector<1x16xi32> to vector<16xi32>
      %swap3A_248 = vector.shape_cast %add3A_242 : vector<16xi32> to vector<1x16xi32>
      tpu.vector_store %arg6[%swap3A_244, %swap3A_245], %swap3A_248 {strides = array<i32>} : memref<8x128xi32, #tpu.memory_space<vmem>>, vector<1x16xi32>,
      %get3A_249 = arith.constant 15 : i32
      %get3A_250 = arith.index_cast %get3A_249 : i32 to index
      %get3A_251 = arith.constant 0 : index
      %get3A_252 = tpu.vector_load %arg5[%get3A_250, %get3A_251] {strides = array<i32>} : memref<64x16xi32, #tpu.memory_space<vmem>>, vector<1x16xi32>,
      %get3A_253 = vector.shape_cast %get3A_252 : vector<1x16xi32> to vector<16xi32>
      %shift_left3A_254 = arith.constant 3 : i32
      %shift_left3A_255 = vector.broadcast %shift_left3A_254 : i32 to vector<16xi32>
      %shift_left3A_256 = arith.shli %get3A_253, %shift_left3A_255 : vector<16xi32>
      %add3A_257 = arith.addi %shift_left3A_256, %add3A_16 : vector<16xi32>
      %swap3A_258 = arith.constant 1 : i32
      %swap3A_259 = arith.index_cast %swap3A_258 : i32 to index
      %swap3A_260 = arith.constant 112 : index
      %swap3A_261 = tpu.vector_load %arg6[%swap3A_259, %swap3A_260] {strides = array<i32>} : memref<8x128xi32, #tpu.memory_space<vmem>>, vector<1x16xi32>,
      %swap3A_262 = vector.shape_cast %swap3A_261 : vector<1x16xi32> to vector<16xi32>
      %swap3A_263 = vector.shape_cast %add3A_257 : vector<16xi32> to vector<1x16xi32>
      tpu.vector_store %arg6[%swap3A_259, %swap3A_260], %swap3A_263 {strides = array<i32>} : memref<8x128xi32, #tpu.memory_space<vmem>>, vector<1x16xi32>,
      %get3A_264 = arith.constant 16 : i32
      %get3A_265 = arith.index_cast %get3A_264 : i32 to index
      %get3A_266 = arith.constant 0 : index
      %get3A_267 = tpu.vector_load %arg5[%get3A_265, %get3A_266] {strides = array<i32>} : memref<64x16xi32, #tpu.memory_space<vmem>>, vector<1x16xi32>,
      %get3A_268 = vector.shape_cast %get3A_267 : vector<1x16xi32> to vector<16xi32>
      %shift_left3A_269 = arith.constant 3 : i32
      %shift_left3A_270 = vector.broadcast %shift_left3A_269 : i32 to vector<16xi32>
      %shift_left3A_271 = arith.shli %get3A_268, %shift_left3A_270 : vector<16xi32>
      %add3A_272 = arith.addi %shift_left3A_271, %add3A_16 : vector<16xi32>
      %swap3A_273 = arith.constant 2 : i32
      %swap3A_274 = arith.index_cast %swap3A_273 : i32 to index
      %swap3A_275 = arith.constant 0 : index
      %swap3A_276 = tpu.vector_load %arg6[%swap3A_274, %swap3A_275] {strides = array<i32>} : memref<8x128xi32, #tpu.memory_space<vmem>>, vector<1x16xi32>,
      %swap3A_277 = vector.shape_cast %swap3A_276 : vector<1x16xi32> to vector<16xi32>
      %swap3A_278 = vector.shape_cast %add3A_272 : vector<16xi32> to vector<1x16xi32>
      tpu.vector_store %arg6[%swap3A_274, %swap3A_275], %swap3A_278 {strides = array<i32>} : memref<8x128xi32, #tpu.memory_space<vmem>>, vector<1x16xi32>,
      %get3A_279 = arith.constant 17 : i32
      %get3A_280 = arith.index_cast %get3A_279 : i32 to index
      %get3A_281 = arith.constant 0 : index
      %get3A_282 = tpu.vector_load %arg5[%get3A_280, %get3A_281] {strides = array<i32>} : memref<64x16xi32, #tpu.memory_space<vmem>>, vector<1x16xi32>,
      %get3A_283 = vector.shape_cast %get3A_282 : vector<1x16xi32> to vector<16xi32>
      %shift_left3A_284 = arith.constant 3 : i32
      %shift_left3A_285 = vector.broadcast %shift_left3A_284 : i32 to vector<16xi32>
      %shift_left3A_286 = arith.shli %get3A_283, %shift_left3A_285 : vector<16xi32>
      %add3A_287 = arith.addi %shift_left3A_286, %add3A_16 : vector<16xi32>
      %swap3A_288 = arith.constant 2 : i32
      %swap3A_289 = arith.index_cast %swap3A_288 : i32 to index
      %swap3A_290 = arith.constant 16 : index
      %swap3A_291 = tpu.vector_load %arg6[%swap3A_289, %swap3A_290] {strides = array<i32>} : memref<8x128xi32, #tpu.memory_space<vmem>>, vector<1x16xi32>,
      %swap3A_292 = vector.shape_cast %swap3A_291 : vector<1x16xi32> to vector<16xi32>
      %swap3A_293 = vector.shape_cast %add3A_287 : vector<16xi32> to vector<1x16xi32>
      tpu.vector_store %arg6[%swap3A_289, %swap3A_290], %swap3A_293 {strides = array<i32>} : memref<8x128xi32, #tpu.memory_space<vmem>>, vector<1x16xi32>,
      %get3A_294 = arith.constant 18 : i32
      %get3A_295 = arith.index_cast %get3A_294 : i32 to index
      %get3A_296 = arith.constant 0 : index
      %get3A_297 = tpu.vector_load %arg5[%get3A_295, %get3A_296] {strides = array<i32>} : memref<64x16xi32, #tpu.memory_space<vmem>>, vector<1x16xi32>,
      %get3A_298 = vector.shape_cast %get3A_297 : vector<1x16xi32> to vector<16xi32>
      %shift_left3A_299 = arith.constant 3 : i32
      %shift_left3A_300 = vector.broadcast %shift_left3A_299 : i32 to vector<16xi32>
      %shift_left3A_301 = arith.shli %get3A_298, %shift_left3A_300 : vector<16xi32>
      %add3A_302 = arith.addi %shift_left3A_301, %add3A_16 : vector<16xi32>
      %swap3A_303 = arith.constant 2 : i32
      %swap3A_304 = arith.index_cast %swap3A_303 : i32 to index
      %swap3A_305 = arith.constant 32 : index
      %swap3A_306 = tpu.vector_load %arg6[%swap3A_304, %swap3A_305] {strides = array<i32>} : memref<8x128xi32, #tpu.memory_space<vmem>>, vector<1x16xi32>,
      %swap3A_307 = vector.shape_cast %swap3A_306 : vector<1x16xi32> to vector<16xi32>
      %swap3A_308 = vector.shape_cast %add3A_302 : vector<16xi32> to vector<1x16xi32>
      tpu.vector_store %arg6[%swap3A_304, %swap3A_305], %swap3A_308 {strides = array<i32>} : memref<8x128xi32, #tpu.memory_space<vmem>>, vector<1x16xi32>,
      %get3A_309 = arith.constant 19 : i32
      %get3A_310 = arith.index_cast %get3A_309 : i32 to index
      %get3A_311 = arith.constant 0 : index
      %get3A_312 = tpu.vector_load %arg5[%get3A_310, %get3A_311] {strides = array<i32>} : memref<64x16xi32, #tpu.memory_space<vmem>>, vector<1x16xi32>,
      %get3A_313 = vector.shape_cast %get3A_312 : vector<1x16xi32> to vector<16xi32>
      %shift_left3A_314 = arith.constant 3 : i32
      %shift_left3A_315 = vector.broadcast %shift_left3A_314 : i32 to vector<16xi32>
      %shift_left3A_316 = arith.shli %get3A_313, %shift_left3A_315 : vector<16xi32>
      %add3A_317 = arith.addi %shift_left3A_316, %add3A_16 : vector<16xi32>
      %swap3A_318 = arith.constant 2 : i32
      %swap3A_319 = arith.index_cast %swap3A_318 : i32 to index
      %swap3A_320 = arith.constant 48 : index
      %swap3A_321 = tpu.vector_load %arg6[%swap3A_319, %swap3A_320] {strides = array<i32>} : memref<8x128xi32, #tpu.memory_space<vmem>>, vector<1x16xi32>,
      %swap3A_322 = vector.shape_cast %swap3A_321 : vector<1x16xi32> to vector<16xi32>
      %swap3A_323 = vector.shape_cast %add3A_317 : vector<16xi32> to vector<1x16xi32>
      tpu.vector_store %arg6[%swap3A_319, %swap3A_320], %swap3A_323 {strides = array<i32>} : memref<8x128xi32, #tpu.memory_space<vmem>>, vector<1x16xi32>,
      %get3A_324 = arith.constant 20 : i32
      %get3A_325 = arith.index_cast %get3A_324 : i32 to index
      %get3A_326 = arith.constant 0 : index
      %get3A_327 = tpu.vector_load %arg5[%get3A_325, %get3A_326] {strides = array<i32>} : memref<64x16xi32, #tpu.memory_space<vmem>>, vector<1x16xi32>,
      %get3A_328 = vector.shape_cast %get3A_327 : vector<1x16xi32> to vector<16xi32>
      %shift_left3A_329 = arith.constant 3 : i32
      %shift_left3A_330 = vector.broadcast %shift_left3A_329 : i32 to vector<16xi32>
      %shift_left3A_331 = arith.shli %get3A_328, %shift_left3A_330 : vector<16xi32>
      %add3A_332 = arith.addi %shift_left3A_331, %add3A_16 : vector<16xi32>
      %swap3A_333 = arith.constant 2 : i32
      %swap3A_334 = arith.index_cast %swap3A_333 : i32 to index
      %swap3A_335 = arith.constant 64 : index
      %swap3A_336 = tpu.vector_load %arg6[%swap3A_334, %swap3A_335] {strides = array<i32>} : memref<8x128xi32, #tpu.memory_space<vmem>>, vector<1x16xi32>,
      %swap3A_337 = vector.shape_cast %swap3A_336 : vector<1x16xi32> to vector<16xi32>
      %swap3A_338 = vector.shape_cast %add3A_332 : vector<16xi32> to vector<1x16xi32>
      tpu.vector_store %arg6[%swap3A_334, %swap3A_335], %swap3A_338 {strides = array<i32>} : memref<8x128xi32, #tpu.memory_space<vmem>>, vector<1x16xi32>,
      %get3A_339 = arith.constant 21 : i32
      %get3A_340 = arith.index_cast %get3A_339 : i32 to index
      %get3A_341 = arith.constant 0 : index
      %get3A_342 = tpu.vector_load %arg5[%get3A_340, %get3A_341] {strides = array<i32>} : memref<64x16xi32, #tpu.memory_space<vmem>>, vector<1x16xi32>,
      %get3A_343 = vector.shape_cast %get3A_342 : vector<1x16xi32> to vector<16xi32>
      %shift_left3A_344 = arith.constant 3 : i32
      %shift_left3A_345 = vector.broadcast %shift_left3A_344 : i32 to vector<16xi32>
      %shift_left3A_346 = arith.shli %get3A_343, %shift_left3A_345 : vector<16xi32>
      %add3A_347 = arith.addi %shift_left3A_346, %add3A_16 : vector<16xi32>
      %swap3A_348 = arith.constant 2 : i32
      %swap3A_349 = arith.index_cast %swap3A_348 : i32 to index
      %swap3A_350 = arith.constant 80 : index
      %swap3A_351 = tpu.vector_load %arg6[%swap3A_349, %swap3A_350] {strides = array<i32>} : memref<8x128xi32, #tpu.memory_space<vmem>>, vector<1x16xi32>,
      %swap3A_352 = vector.shape_cast %swap3A_351 : vector<1x16xi32> to vector<16xi32>
      %swap3A_353 = vector.shape_cast %add3A_347 : vector<16xi32> to vector<1x16xi32>
      tpu.vector_store %arg6[%swap3A_349, %swap3A_350], %swap3A_353 {strides = array<i32>} : memref<8x128xi32, #tpu.memory_space<vmem>>, vector<1x16xi32>,
      %get3A_354 = arith.constant 22 : i32
      %get3A_355 = arith.index_cast %get3A_354 : i32 to index
      %get3A_356 = arith.constant 0 : index
      %get3A_357 = tpu.vector_load %arg5[%get3A_355, %get3A_356] {strides = array<i32>} : memref<64x16xi32, #tpu.memory_space<vmem>>, vector<1x16xi32>,
      %get3A_358 = vector.shape_cast %get3A_357 : vector<1x16xi32> to vector<16xi32>
      %shift_left3A_359 = arith.constant 3 : i32
      %shift_left3A_360 = vector.broadcast %shift_left3A_359 : i32 to vector<16xi32>
      %shift_left3A_361 = arith.shli %get3A_358, %shift_left3A_360 : vector<16xi32>
      %add3A_362 = arith.addi %shift_left3A_361, %add3A_16 : vector<16xi32>
      %swap3A_363 = arith.constant 2 : i32
      %swap3A_364 = arith.index_cast %swap3A_363 : i32 to index
      %swap3A_365 = arith.constant 96 : index
      %swap3A_366 = tpu.vector_load %arg6[%swap3A_364, %swap3A_365] {strides = array<i32>} : memref<8x128xi32, #tpu.memory_space<vmem>>, vector<1x16xi32>,
      %swap3A_367 = vector.shape_cast %swap3A_366 : vector<1x16xi32> to vector<16xi32>
      %swap3A_368 = vector.shape_cast %add3A_362 : vector<16xi32> to vector<1x16xi32>
      tpu.vector_store %arg6[%swap3A_364, %swap3A_365], %swap3A_368 {strides = array<i32>} : memref<8x128xi32, #tpu.memory_space<vmem>>, vector<1x16xi32>,
      %get3A_369 = arith.constant 23 : i32
      %get3A_370 = arith.index_cast %get3A_369 : i32 to index
      %get3A_371 = arith.constant 0 : index
      %get3A_372 = tpu.vector_load %arg5[%get3A_370, %get3A_371] {strides = array<i32>} : memref<64x16xi32, #tpu.memory_space<vmem>>, vector<1x16xi32>,
      %get3A_373 = vector.shape_cast %get3A_372 : vector<1x16xi32> to vector<16xi32>
      %shift_left3A_374 = arith.constant 3 : i32
      %shift_left3A_375 = vector.broadcast %shift_left3A_374 : i32 to vector<16xi32>
      %shift_left3A_376 = arith.shli %get3A_373, %shift_left3A_375 : vector<16xi32>
      %add3A_377 = arith.addi %shift_left3A_376, %add3A_16 : vector<16xi32>
      %swap3A_378 = arith.constant 2 : i32
      %swap3A_379 = arith.index_cast %swap3A_378 : i32 to index
      %swap3A_380 = arith.constant 112 : index
      %swap3A_381 = tpu.vector_load %arg6[%swap3A_379, %swap3A_380] {strides = array<i32>} : memref<8x128xi32, #tpu.memory_space<vmem>>, vector<1x16xi32>,
      %swap3A_382 = vector.shape_cast %swap3A_381 : vector<1x16xi32> to vector<16xi32>
      %swap3A_383 = vector.shape_cast %add3A_377 : vector<16xi32> to vector<1x16xi32>
      tpu.vector_store %arg6[%swap3A_379, %swap3A_380], %swap3A_383 {strides = array<i32>} : memref<8x128xi32, #tpu.memory_space<vmem>>, vector<1x16xi32>,
      %get3A_384 = arith.constant 24 : i32
      %get3A_385 = arith.index_cast %get3A_384 : i32 to index
      %get3A_386 = arith.constant 0 : index
      %get3A_387 = tpu.vector_load %arg5[%get3A_385, %get3A_386] {strides = array<i32>} : memref<64x16xi32, #tpu.memory_space<vmem>>, vector<1x16xi32>,
      %get3A_388 = vector.shape_cast %get3A_387 : vector<1x16xi32> to vector<16xi32>
      %shift_left3A_389 = arith.constant 3 : i32
      %shift_left3A_390 = vector.broadcast %shift_left3A_389 : i32 to vector<16xi32>
      %shift_left3A_391 = arith.shli %get3A_388, %shift_left3A_390 : vector<16xi32>
      %add3A_392 = arith.addi %shift_left3A_391, %add3A_16 : vector<16xi32>
      %swap3A_393 = arith.constant 3 : i32
      %swap3A_394 = arith.index_cast %swap3A_393 : i32 to index
      %swap3A_395 = arith.constant 0 : index
      %swap3A_396 = tpu.vector_load %arg6[%swap3A_394, %swap3A_395] {strides = array<i32>} : memref<8x128xi32, #tpu.memory_space<vmem>>, vector<1x16xi32>,
      %swap3A_397 = vector.shape_cast %swap3A_396 : vector<1x16xi32> to vector<16xi32>
      %swap3A_398 = vector.shape_cast %add3A_392 : vector<16xi32> to vector<1x16xi32>
      tpu.vector_store %arg6[%swap3A_394, %swap3A_395], %swap3A_398 {strides = array<i32>} : memref<8x128xi32, #tpu.memory_space<vmem>>, vector<1x16xi32>,
      %get3A_399 = arith.constant 25 : i32
      %get3A_400 = arith.index_cast %get3A_399 : i32 to index
      %get3A_401 = arith.constant 0 : index
      %get3A_402 = tpu.vector_load %arg5[%get3A_400, %get3A_401] {strides = array<i32>} : memref<64x16xi32, #tpu.memory_space<vmem>>, vector<1x16xi32>,
      %get3A_403 = vector.shape_cast %get3A_402 : vector<1x16xi32> to vector<16xi32>
      %shift_left3A_404 = arith.constant 3 : i32
      %shift_left3A_405 = vector.broadcast %shift_left3A_404 : i32 to vector<16xi32>
      %shift_left3A_406 = arith.shli %get3A_403, %shift_left3A_405 : vector<16xi32>
      %add3A_407 = arith.addi %shift_left3A_406, %add3A_16 : vector<16xi32>
      %swap3A_408 = arith.constant 3 : i32
      %swap3A_409 = arith.index_cast %swap3A_408 : i32 to index
      %swap3A_410 = arith.constant 16 : index
      %swap3A_411 = tpu.vector_load %arg6[%swap3A_409, %swap3A_410] {strides = array<i32>} : memref<8x128xi32, #tpu.memory_space<vmem>>, vector<1x16xi32>,
      %swap3A_412 = vector.shape_cast %swap3A_411 : vector<1x16xi32> to vector<16xi32>
      %swap3A_413 = vector.shape_cast %add3A_407 : vector<16xi32> to vector<1x16xi32>
      tpu.vector_store %arg6[%swap3A_409, %swap3A_410], %swap3A_413 {strides = array<i32>} : memref<8x128xi32, #tpu.memory_space<vmem>>, vector<1x16xi32>,
      %get3A_414 = arith.constant 26 : i32
      %get3A_415 = arith.index_cast %get3A_414 : i32 to index
      %get3A_416 = arith.constant 0 : index
      %get3A_417 = tpu.vector_load %arg5[%get3A_415, %get3A_416] {strides = array<i32>} : memref<64x16xi32, #tpu.memory_space<vmem>>, vector<1x16xi32>,
      %get3A_418 = vector.shape_cast %get3A_417 : vector<1x16xi32> to vector<16xi32>
      %shift_left3A_419 = arith.constant 3 : i32
      %shift_left3A_420 = vector.broadcast %shift_left3A_419 : i32 to vector<16xi32>
      %shift_left3A_421 = arith.shli %get3A_418, %shift_left3A_420 : vector<16xi32>
      %add3A_422 = arith.addi %shift_left3A_421, %add3A_16 : vector<16xi32>
      %swap3A_423 = arith.constant 3 : i32
      %swap3A_424 = arith.index_cast %swap3A_423 : i32 to index
      %swap3A_425 = arith.constant 32 : index
      %swap3A_426 = tpu.vector_load %arg6[%swap3A_424, %swap3A_425] {strides = array<i32>} : memref<8x128xi32, #tpu.memory_space<vmem>>, vector<1x16xi32>,
      %swap3A_427 = vector.shape_cast %swap3A_426 : vector<1x16xi32> to vector<16xi32>
      %swap3A_428 = vector.shape_cast %add3A_422 : vector<16xi32> to vector<1x16xi32>
      tpu.vector_store %arg6[%swap3A_424, %swap3A_425], %swap3A_428 {strides = array<i32>} : memref<8x128xi32, #tpu.memory_space<vmem>>, vector<1x16xi32>,
      %get3A_429 = arith.constant 27 : i32
      %get3A_430 = arith.index_cast %get3A_429 : i32 to index
      %get3A_431 = arith.constant 0 : index
      %get3A_432 = tpu.vector_load %arg5[%get3A_430, %get3A_431] {strides = array<i32>} : memref<64x16xi32, #tpu.memory_space<vmem>>, vector<1x16xi32>,
      %get3A_433 = vector.shape_cast %get3A_432 : vector<1x16xi32> to vector<16xi32>
      %shift_left3A_434 = arith.constant 3 : i32
      %shift_left3A_435 = vector.broadcast %shift_left3A_434 : i32 to vector<16xi32>
      %shift_left3A_436 = arith.shli %get3A_433, %shift_left3A_435 : vector<16xi32>
      %add3A_437 = arith.addi %shift_left3A_436, %add3A_16 : vector<16xi32>
      %swap3A_438 = arith.constant 3 : i32
      %swap3A_439 = arith.index_cast %swap3A_438 : i32 to index
      %swap3A_440 = arith.constant 48 : index
      %swap3A_441 = tpu.vector_load %arg6[%swap3A_439, %swap3A_440] {strides = array<i32>} : memref<8x128xi32, #tpu.memory_space<vmem>>, vector<1x16xi32>,
      %swap3A_442 = vector.shape_cast %swap3A_441 : vector<1x16xi32> to vector<16xi32>
      %swap3A_443 = vector.shape_cast %add3A_437 : vector<16xi32> to vector<1x16xi32>
      tpu.vector_store %arg6[%swap3A_439, %swap3A_440], %swap3A_443 {strides = array<i32>} : memref<8x128xi32, #tpu.memory_space<vmem>>, vector<1x16xi32>,
      %get3A_444 = arith.constant 28 : i32
      %get3A_445 = arith.index_cast %get3A_444 : i32 to index
      %get3A_446 = arith.constant 0 : index
      %get3A_447 = tpu.vector_load %arg5[%get3A_445, %get3A_446] {strides = array<i32>} : memref<64x16xi32, #tpu.memory_space<vmem>>, vector<1x16xi32>,
      %get3A_448 = vector.shape_cast %get3A_447 : vector<1x16xi32> to vector<16xi32>
      %shift_left3A_449 = arith.constant 3 : i32
      %shift_left3A_450 = vector.broadcast %shift_left3A_449 : i32 to vector<16xi32>
      %shift_left3A_451 = arith.shli %get3A_448, %shift_left3A_450 : vector<16xi32>
      %add3A_452 = arith.addi %shift_left3A_451, %add3A_16 : vector<16xi32>
      %swap3A_453 = arith.constant 3 : i32
      %swap3A_454 = arith.index_cast %swap3A_453 : i32 to index
      %swap3A_455 = arith.constant 64 : index
      %swap3A_456 = tpu.vector_load %arg6[%swap3A_454, %swap3A_455] {strides = array<i32>} : memref<8x128xi32, #tpu.memory_space<vmem>>, vector<1x16xi32>,
      %swap3A_457 = vector.shape_cast %swap3A_456 : vector<1x16xi32> to vector<16xi32>
      %swap3A_458 = vector.shape_cast %add3A_452 : vector<16xi32> to vector<1x16xi32>
      tpu.vector_store %arg6[%swap3A_454, %swap3A_455], %swap3A_458 {strides = array<i32>} : memref<8x128xi32, #tpu.memory_space<vmem>>, vector<1x16xi32>,
      %get3A_459 = arith.constant 29 : i32
      %get3A_460 = arith.index_cast %get3A_459 : i32 to index
      %get3A_461 = arith.constant 0 : index
      %get3A_462 = tpu.vector_load %arg5[%get3A_460, %get3A_461] {strides = array<i32>} : memref<64x16xi32, #tpu.memory_space<vmem>>, vector<1x16xi32>,
      %get3A_463 = vector.shape_cast %get3A_462 : vector<1x16xi32> to vector<16xi32>
      %shift_left3A_464 = arith.constant 3 : i32
      %shift_left3A_465 = vector.broadcast %shift_left3A_464 : i32 to vector<16xi32>
      %shift_left3A_466 = arith.shli %get3A_463, %shift_left3A_465 : vector<16xi32>
      %add3A_467 = arith.addi %shift_left3A_466, %add3A_16 : vector<16xi32>
      %swap3A_468 = arith.constant 3 : i32
      %swap3A_469 = arith.index_cast %swap3A_468 : i32 to index
      %swap3A_470 = arith.constant 80 : index
      %swap3A_471 = tpu.vector_load %arg6[%swap3A_469, %swap3A_470] {strides = array<i32>} : memref<8x128xi32, #tpu.memory_space<vmem>>, vector<1x16xi32>,
      %swap3A_472 = vector.shape_cast %swap3A_471 : vector<1x16xi32> to vector<16xi32>
      %swap3A_473 = vector.shape_cast %add3A_467 : vector<16xi32> to vector<1x16xi32>
      tpu.vector_store %arg6[%swap3A_469, %swap3A_470], %swap3A_473 {strides = array<i32>} : memref<8x128xi32, #tpu.memory_space<vmem>>, vector<1x16xi32>,
      %get3A_474 = arith.constant 30 : i32
      %get3A_475 = arith.index_cast %get3A_474 : i32 to index
      %get3A_476 = arith.constant 0 : index
      %get3A_477 = tpu.vector_load %arg5[%get3A_475, %get3A_476] {strides = array<i32>} : memref<64x16xi32, #tpu.memory_space<vmem>>, vector<1x16xi32>,
      %get3A_478 = vector.shape_cast %get3A_477 : vector<1x16xi32> to vector<16xi32>
      %shift_left3A_479 = arith.constant 3 : i32
      %shift_left3A_480 = vector.broadcast %shift_left3A_479 : i32 to vector<16xi32>
      %shift_left3A_481 = arith.shli %get3A_478, %shift_left3A_480 : vector<16xi32>
      %add3A_482 = arith.addi %shift_left3A_481, %add3A_16 : vector<16xi32>
      %swap3A_483 = arith.constant 3 : i32
      %swap3A_484 = arith.index_cast %swap3A_483 : i32 to index
      %swap3A_485 = arith.constant 96 : index
      %swap3A_486 = tpu.vector_load %arg6[%swap3A_484, %swap3A_485] {strides = array<i32>} : memref<8x128xi32, #tpu.memory_space<vmem>>, vector<1x16xi32>,
      %swap3A_487 = vector.shape_cast %swap3A_486 : vector<1x16xi32> to vector<16xi32>
      %swap3A_488 = vector.shape_cast %add3A_482 : vector<16xi32> to vector<1x16xi32>
      tpu.vector_store %arg6[%swap3A_484, %swap3A_485], %swap3A_488 {strides = array<i32>} : memref<8x128xi32, #tpu.memory_space<vmem>>, vector<1x16xi32>,
      %get3A_489 = arith.constant 31 : i32
      %get3A_490 = arith.index_cast %get3A_489 : i32 to index
      %get3A_491 = arith.constant 0 : index
      %get3A_492 = tpu.vector_load %arg5[%get3A_490, %get3A_491] {strides = array<i32>} : memref<64x16xi32, #tpu.memory_space<vmem>>, vector<1x16xi32>,
      %get3A_493 = vector.shape_cast %get3A_492 : vector<1x16xi32> to vector<16xi32>
      %shift_left3A_494 = arith.constant 3 : i32
      %shift_left3A_495 = vector.broadcast %shift_left3A_494 : i32 to vector<16xi32>
      %shift_left3A_496 = arith.shli %get3A_493, %shift_left3A_495 : vector<16xi32>
      %add3A_497 = arith.addi %shift_left3A_496, %add3A_16 : vector<16xi32>
      %swap3A_498 = arith.constant 3 : i32
      %swap3A_499 = arith.index_cast %swap3A_498 : i32 to index
      %swap3A_500 = arith.constant 112 : index
      %swap3A_501 = tpu.vector_load %arg6[%swap3A_499, %swap3A_500] {strides = array<i32>} : memref<8x128xi32, #tpu.memory_space<vmem>>, vector<1x16xi32>,
      %swap3A_502 = vector.shape_cast %swap3A_501 : vector<1x16xi32> to vector<16xi32>
      %swap3A_503 = vector.shape_cast %add3A_497 : vector<16xi32> to vector<1x16xi32>
      tpu.vector_store %arg6[%swap3A_499, %swap3A_500], %swap3A_503 {strides = array<i32>} : memref<8x128xi32, #tpu.memory_space<vmem>>, vector<1x16xi32>,
      %get3A_504 = arith.constant 32 : i32
      %get3A_505 = arith.index_cast %get3A_504 : i32 to index
      %get3A_506 = arith.constant 0 : index
      %get3A_507 = tpu.vector_load %arg5[%get3A_505, %get3A_506] {strides = array<i32>} : memref<64x16xi32, #tpu.memory_space<vmem>>, vector<1x16xi32>,
      %get3A_508 = vector.shape_cast %get3A_507 : vector<1x16xi32> to vector<16xi32>
      %shift_left3A_509 = arith.constant 3 : i32
      %shift_left3A_510 = vector.broadcast %shift_left3A_509 : i32 to vector<16xi32>
      %shift_left3A_511 = arith.shli %get3A_508, %shift_left3A_510 : vector<16xi32>
      %add3A_512 = arith.addi %shift_left3A_511, %add3A_16 : vector<16xi32>
      %swap3A_513 = arith.constant 4 : i32
      %swap3A_514 = arith.index_cast %swap3A_513 : i32 to index
      %swap3A_515 = arith.constant 0 : index
      %swap3A_516 = tpu.vector_load %arg6[%swap3A_514, %swap3A_515] {strides = array<i32>} : memref<8x128xi32, #tpu.memory_space<vmem>>, vector<1x16xi32>,
      %swap3A_517 = vector.shape_cast %swap3A_516 : vector<1x16xi32> to vector<16xi32>
      %swap3A_518 = vector.shape_cast %add3A_512 : vector<16xi32> to vector<1x16xi32>
      tpu.vector_store %arg6[%swap3A_514, %swap3A_515], %swap3A_518 {strides = array<i32>} : memref<8x128xi32, #tpu.memory_space<vmem>>, vector<1x16xi32>,
      %get3A_519 = arith.constant 33 : i32
      %get3A_520 = arith.index_cast %get3A_519 : i32 to index
      %get3A_521 = arith.constant 0 : index
      %get3A_522 = tpu.vector_load %arg5[%get3A_520, %get3A_521] {strides = array<i32>} : memref<64x16xi32, #tpu.memory_space<vmem>>, vector<1x16xi32>,
      %get3A_523 = vector.shape_cast %get3A_522 : vector<1x16xi32> to vector<16xi32>
      %shift_left3A_524 = arith.constant 3 : i32
      %shift_left3A_525 = vector.broadcast %shift_left3A_524 : i32 to vector<16xi32>
      %shift_left3A_526 = arith.shli %get3A_523, %shift_left3A_525 : vector<16xi32>
      %add3A_527 = arith.addi %shift_left3A_526, %add3A_16 : vector<16xi32>
      %swap3A_528 = arith.constant 4 : i32
      %swap3A_529 = arith.index_cast %swap3A_528 : i32 to index
      %swap3A_530 = arith.constant 16 : index
      %swap3A_531 = tpu.vector_load %arg6[%swap3A_529, %swap3A_530] {strides = array<i32>} : memref<8x128xi32, #tpu.memory_space<vmem>>, vector<1x16xi32>,
      %swap3A_532 = vector.shape_cast %swap3A_531 : vector<1x16xi32> to vector<16xi32>
      %swap3A_533 = vector.shape_cast %add3A_527 : vector<16xi32> to vector<1x16xi32>
      tpu.vector_store %arg6[%swap3A_529, %swap3A_530], %swap3A_533 {strides = array<i32>} : memref<8x128xi32, #tpu.memory_space<vmem>>, vector<1x16xi32>,
      %get3A_534 = arith.constant 34 : i32
      %get3A_535 = arith.index_cast %get3A_534 : i32 to index
      %get3A_536 = arith.constant 0 : index
      %get3A_537 = tpu.vector_load %arg5[%get3A_535, %get3A_536] {strides = array<i32>} : memref<64x16xi32, #tpu.memory_space<vmem>>, vector<1x16xi32>,
      %get3A_538 = vector.shape_cast %get3A_537 : vector<1x16xi32> to vector<16xi32>
      %shift_left3A_539 = arith.constant 3 : i32
      %shift_left3A_540 = vector.broadcast %shift_left3A_539 : i32 to vector<16xi32>
      %shift_left3A_541 = arith.shli %get3A_538, %shift_left3A_540 : vector<16xi32>
      %add3A_542 = arith.addi %shift_left3A_541, %add3A_16 : vector<16xi32>
      %swap3A_543 = arith.constant 4 : i32
      %swap3A_544 = arith.index_cast %swap3A_543 : i32 to index
      %swap3A_545 = arith.constant 32 : index
      %swap3A_546 = tpu.vector_load %arg6[%swap3A_544, %swap3A_545] {strides = array<i32>} : memref<8x128xi32, #tpu.memory_space<vmem>>, vector<1x16xi32>,
      %swap3A_547 = vector.shape_cast %swap3A_546 : vector<1x16xi32> to vector<16xi32>
      %swap3A_548 = vector.shape_cast %add3A_542 : vector<16xi32> to vector<1x16xi32>
      tpu.vector_store %arg6[%swap3A_544, %swap3A_545], %swap3A_548 {strides = array<i32>} : memref<8x128xi32, #tpu.memory_space<vmem>>, vector<1x16xi32>,
      %get3A_549 = arith.constant 35 : i32
      %get3A_550 = arith.index_cast %get3A_549 : i32 to index
      %get3A_551 = arith.constant 0 : index
      %get3A_552 = tpu.vector_load %arg5[%get3A_550, %get3A_551] {strides = array<i32>} : memref<64x16xi32, #tpu.memory_space<vmem>>, vector<1x16xi32>,
      %get3A_553 = vector.shape_cast %get3A_552 : vector<1x16xi32> to vector<16xi32>
      %shift_left3A_554 = arith.constant 3 : i32
      %shift_left3A_555 = vector.broadcast %shift_left3A_554 : i32 to vector<16xi32>
      %shift_left3A_556 = arith.shli %get3A_553, %shift_left3A_555 : vector<16xi32>
      %add3A_557 = arith.addi %shift_left3A_556, %add3A_16 : vector<16xi32>
      %swap3A_558 = arith.constant 4 : i32
      %swap3A_559 = arith.index_cast %swap3A_558 : i32 to index
      %swap3A_560 = arith.constant 48 : index
      %swap3A_561 = tpu.vector_load %arg6[%swap3A_559, %swap3A_560] {strides = array<i32>} : memref<8x128xi32, #tpu.memory_space<vmem>>, vector<1x16xi32>,
      %swap3A_562 = vector.shape_cast %swap3A_561 : vector<1x16xi32> to vector<16xi32>
      %swap3A_563 = vector.shape_cast %add3A_557 : vector<16xi32> to vector<1x16xi32>
      tpu.vector_store %arg6[%swap3A_559, %swap3A_560], %swap3A_563 {strides = array<i32>} : memref<8x128xi32, #tpu.memory_space<vmem>>, vector<1x16xi32>,
      %get3A_564 = arith.constant 36 : i32
      %get3A_565 = arith.index_cast %get3A_564 : i32 to index
      %get3A_566 = arith.constant 0 : index
      %get3A_567 = tpu.vector_load %arg5[%get3A_565, %get3A_566] {strides = array<i32>} : memref<64x16xi32, #tpu.memory_space<vmem>>, vector<1x16xi32>,
      %get3A_568 = vector.shape_cast %get3A_567 : vector<1x16xi32> to vector<16xi32>
      %shift_left3A_569 = arith.constant 3 : i32
      %shift_left3A_570 = vector.broadcast %shift_left3A_569 : i32 to vector<16xi32>
      %shift_left3A_571 = arith.shli %get3A_568, %shift_left3A_570 : vector<16xi32>
      %add3A_572 = arith.addi %shift_left3A_571, %add3A_16 : vector<16xi32>
      %swap3A_573 = arith.constant 4 : i32
      %swap3A_574 = arith.index_cast %swap3A_573 : i32 to index
      %swap3A_575 = arith.constant 64 : index
      %swap3A_576 = tpu.vector_load %arg6[%swap3A_574, %swap3A_575] {strides = array<i32>} : memref<8x128xi32, #tpu.memory_space<vmem>>, vector<1x16xi32>,
      %swap3A_577 = vector.shape_cast %swap3A_576 : vector<1x16xi32> to vector<16xi32>
      %swap3A_578 = vector.shape_cast %add3A_572 : vector<16xi32> to vector<1x16xi32>
      tpu.vector_store %arg6[%swap3A_574, %swap3A_575], %swap3A_578 {strides = array<i32>} : memref<8x128xi32, #tpu.memory_space<vmem>>, vector<1x16xi32>,
      %get3A_579 = arith.constant 37 : i32
      %get3A_580 = arith.index_cast %get3A_579 : i32 to index
      %get3A_581 = arith.constant 0 : index
      %get3A_582 = tpu.vector_load %arg5[%get3A_580, %get3A_581] {strides = array<i32>} : memref<64x16xi32, #tpu.memory_space<vmem>>, vector<1x16xi32>,
      %get3A_583 = vector.shape_cast %get3A_582 : vector<1x16xi32> to vector<16xi32>
      %shift_left3A_584 = arith.constant 3 : i32
      %shift_left3A_585 = vector.broadcast %shift_left3A_584 : i32 to vector<16xi32>
      %shift_left3A_586 = arith.shli %get3A_583, %shift_left3A_585 : vector<16xi32>
      %add3A_587 = arith.addi %shift_left3A_586, %add3A_16 : vector<16xi32>
      %swap3A_588 = arith.constant 4 : i32
      %swap3A_589 = arith.index_cast %swap3A_588 : i32 to index
      %swap3A_590 = arith.constant 80 : index
      %swap3A_591 = tpu.vector_load %arg6[%swap3A_589, %swap3A_590] {strides = array<i32>} : memref<8x128xi32, #tpu.memory_space<vmem>>, vector<1x16xi32>,
      %swap3A_592 = vector.shape_cast %swap3A_591 : vector<1x16xi32> to vector<16xi32>
      %swap3A_593 = vector.shape_cast %add3A_587 : vector<16xi32> to vector<1x16xi32>
      tpu.vector_store %arg6[%swap3A_589, %swap3A_590], %swap3A_593 {strides = array<i32>} : memref<8x128xi32, #tpu.memory_space<vmem>>, vector<1x16xi32>,
      %get3A_594 = arith.constant 38 : i32
      %get3A_595 = arith.index_cast %get3A_594 : i32 to index
      %get3A_596 = arith.constant 0 : index
      %get3A_597 = tpu.vector_load %arg5[%get3A_595, %get3A_596] {strides = array<i32>} : memref<64x16xi32, #tpu.memory_space<vmem>>, vector<1x16xi32>,
      %get3A_598 = vector.shape_cast %get3A_597 : vector<1x16xi32> to vector<16xi32>
      %shift_left3A_599 = arith.constant 3 : i32
      %shift_left3A_600 = vector.broadcast %shift_left3A_599 : i32 to vector<16xi32>
      %shift_left3A_601 = arith.shli %get3A_598, %shift_left3A_600 : vector<16xi32>
      %add3A_602 = arith.addi %shift_left3A_601, %add3A_16 : vector<16xi32>
      %swap3A_603 = arith.constant 4 : i32
      %swap3A_604 = arith.index_cast %swap3A_603 : i32 to index
      %swap3A_605 = arith.constant 96 : index
      %swap3A_606 = tpu.vector_load %arg6[%swap3A_604, %swap3A_605] {strides = array<i32>} : memref<8x128xi32, #tpu.memory_space<vmem>>, vector<1x16xi32>,
      %swap3A_607 = vector.shape_cast %swap3A_606 : vector<1x16xi32> to vector<16xi32>
      %swap3A_608 = vector.shape_cast %add3A_602 : vector<16xi32> to vector<1x16xi32>
      tpu.vector_store %arg6[%swap3A_604, %swap3A_605], %swap3A_608 {strides = array<i32>} : memref<8x128xi32, #tpu.memory_space<vmem>>, vector<1x16xi32>,
      %get3A_609 = arith.constant 39 : i32
      %get3A_610 = arith.index_cast %get3A_609 : i32 to index
      %get3A_611 = arith.constant 0 : index
      %get3A_612 = tpu.vector_load %arg5[%get3A_610, %get3A_611] {strides = array<i32>} : memref<64x16xi32, #tpu.memory_space<vmem>>, vector<1x16xi32>,
      %get3A_613 = vector.shape_cast %get3A_612 : vector<1x16xi32> to vector<16xi32>
      %shift_left3A_614 = arith.constant 3 : i32
      %shift_left3A_615 = vector.broadcast %shift_left3A_614 : i32 to vector<16xi32>
      %shift_left3A_616 = arith.shli %get3A_613, %shift_left3A_615 : vector<16xi32>
      %add3A_617 = arith.addi %shift_left3A_616, %add3A_16 : vector<16xi32>
      %swap3A_618 = arith.constant 4 : i32
      %swap3A_619 = arith.index_cast %swap3A_618 : i32 to index
      %swap3A_620 = arith.constant 112 : index
      %swap3A_621 = tpu.vector_load %arg6[%swap3A_619, %swap3A_620] {strides = array<i32>} : memref<8x128xi32, #tpu.memory_space<vmem>>, vector<1x16xi32>,
      %swap3A_622 = vector.shape_cast %swap3A_621 : vector<1x16xi32> to vector<16xi32>
      %swap3A_623 = vector.shape_cast %add3A_617 : vector<16xi32> to vector<1x16xi32>
      tpu.vector_store %arg6[%swap3A_619, %swap3A_620], %swap3A_623 {strides = array<i32>} : memref<8x128xi32, #tpu.memory_space<vmem>>, vector<1x16xi32>,
      %get3A_624 = arith.constant 40 : i32
      %get3A_625 = arith.index_cast %get3A_624 : i32 to index
      %get3A_626 = arith.constant 0 : index
      %get3A_627 = tpu.vector_load %arg5[%get3A_625, %get3A_626] {strides = array<i32>} : memref<64x16xi32, #tpu.memory_space<vmem>>, vector<1x16xi32>,
      %get3A_628 = vector.shape_cast %get3A_627 : vector<1x16xi32> to vector<16xi32>
      %shift_left3A_629 = arith.constant 3 : i32
      %shift_left3A_630 = vector.broadcast %shift_left3A_629 : i32 to vector<16xi32>
      %shift_left3A_631 = arith.shli %get3A_628, %shift_left3A_630 : vector<16xi32>
      %add3A_632 = arith.addi %shift_left3A_631, %add3A_16 : vector<16xi32>
      %swap3A_633 = arith.constant 5 : i32
      %swap3A_634 = arith.index_cast %swap3A_633 : i32 to index
      %swap3A_635 = arith.constant 0 : index
      %swap3A_636 = tpu.vector_load %arg6[%swap3A_634, %swap3A_635] {strides = array<i32>} : memref<8x128xi32, #tpu.memory_space<vmem>>, vector<1x16xi32>,
      %swap3A_637 = vector.shape_cast %swap3A_636 : vector<1x16xi32> to vector<16xi32>
      %swap3A_638 = vector.shape_cast %add3A_632 : vector<16xi32> to vector<1x16xi32>
      tpu.vector_store %arg6[%swap3A_634, %swap3A_635], %swap3A_638 {strides = array<i32>} : memref<8x128xi32, #tpu.memory_space<vmem>>, vector<1x16xi32>,
      %get3A_639 = arith.constant 41 : i32
      %get3A_640 = arith.index_cast %get3A_639 : i32 to index
      %get3A_641 = arith.constant 0 : index
      %get3A_642 = tpu.vector_load %arg5[%get3A_640, %get3A_641] {strides = array<i32>} : memref<64x16xi32, #tpu.memory_space<vmem>>, vector<1x16xi32>,
      %get3A_643 = vector.shape_cast %get3A_642 : vector<1x16xi32> to vector<16xi32>
      %shift_left3A_644 = arith.constant 3 : i32
      %shift_left3A_645 = vector.broadcast %shift_left3A_644 : i32 to vector<16xi32>
      %shift_left3A_646 = arith.shli %get3A_643, %shift_left3A_645 : vector<16xi32>
      %add3A_647 = arith.addi %shift_left3A_646, %add3A_16 : vector<16xi32>
      %swap3A_648 = arith.constant 5 : i32
      %swap3A_649 = arith.index_cast %swap3A_648 : i32 to index
      %swap3A_650 = arith.constant 16 : index
      %swap3A_651 = tpu.vector_load %arg6[%swap3A_649, %swap3A_650] {strides = array<i32>} : memref<8x128xi32, #tpu.memory_space<vmem>>, vector<1x16xi32>,
      %swap3A_652 = vector.shape_cast %swap3A_651 : vector<1x16xi32> to vector<16xi32>
      %swap3A_653 = vector.shape_cast %add3A_647 : vector<16xi32> to vector<1x16xi32>
      tpu.vector_store %arg6[%swap3A_649, %swap3A_650], %swap3A_653 {strides = array<i32>} : memref<8x128xi32, #tpu.memory_space<vmem>>, vector<1x16xi32>,
      %get3A_654 = arith.constant 42 : i32
      %get3A_655 = arith.index_cast %get3A_654 : i32 to index
      %get3A_656 = arith.constant 0 : index
      %get3A_657 = tpu.vector_load %arg5[%get3A_655, %get3A_656] {strides = array<i32>} : memref<64x16xi32, #tpu.memory_space<vmem>>, vector<1x16xi32>,
      %get3A_658 = vector.shape_cast %get3A_657 : vector<1x16xi32> to vector<16xi32>
      %shift_left3A_659 = arith.constant 3 : i32
      %shift_left3A_660 = vector.broadcast %shift_left3A_659 : i32 to vector<16xi32>
      %shift_left3A_661 = arith.shli %get3A_658, %shift_left3A_660 : vector<16xi32>
      %add3A_662 = arith.addi %shift_left3A_661, %add3A_16 : vector<16xi32>
      %swap3A_663 = arith.constant 5 : i32
      %swap3A_664 = arith.index_cast %swap3A_663 : i32 to index
      %swap3A_665 = arith.constant 32 : index
      %swap3A_666 = tpu.vector_load %arg6[%swap3A_664, %swap3A_665] {strides = array<i32>} : memref<8x128xi32, #tpu.memory_space<vmem>>, vector<1x16xi32>,
      %swap3A_667 = vector.shape_cast %swap3A_666 : vector<1x16xi32> to vector<16xi32>
      %swap3A_668 = vector.shape_cast %add3A_662 : vector<16xi32> to vector<1x16xi32>
      tpu.vector_store %arg6[%swap3A_664, %swap3A_665], %swap3A_668 {strides = array<i32>} : memref<8x128xi32, #tpu.memory_space<vmem>>, vector<1x16xi32>,
      %get3A_669 = arith.constant 43 : i32
      %get3A_670 = arith.index_cast %get3A_669 : i32 to index
      %get3A_671 = arith.constant 0 : index
      %get3A_672 = tpu.vector_load %arg5[%get3A_670, %get3A_671] {strides = array<i32>} : memref<64x16xi32, #tpu.memory_space<vmem>>, vector<1x16xi32>,
      %get3A_673 = vector.shape_cast %get3A_672 : vector<1x16xi32> to vector<16xi32>
      %shift_left3A_674 = arith.constant 3 : i32
      %shift_left3A_675 = vector.broadcast %shift_left3A_674 : i32 to vector<16xi32>
      %shift_left3A_676 = arith.shli %get3A_673, %shift_left3A_675 : vector<16xi32>
      %add3A_677 = arith.addi %shift_left3A_676, %add3A_16 : vector<16xi32>
      %swap3A_678 = arith.constant 5 : i32
      %swap3A_679 = arith.index_cast %swap3A_678 : i32 to index
      %swap3A_680 = arith.constant 48 : index
      %swap3A_681 = tpu.vector_load %arg6[%swap3A_679, %swap3A_680] {strides = array<i32>} : memref<8x128xi32, #tpu.memory_space<vmem>>, vector<1x16xi32>,
      %swap3A_682 = vector.shape_cast %swap3A_681 : vector<1x16xi32> to vector<16xi32>
      %swap3A_683 = vector.shape_cast %add3A_677 : vector<16xi32> to vector<1x16xi32>
      tpu.vector_store %arg6[%swap3A_679, %swap3A_680], %swap3A_683 {strides = array<i32>} : memref<8x128xi32, #tpu.memory_space<vmem>>, vector<1x16xi32>,
      %get3A_684 = arith.constant 44 : i32
      %get3A_685 = arith.index_cast %get3A_684 : i32 to index
      %get3A_686 = arith.constant 0 : index
      %get3A_687 = tpu.vector_load %arg5[%get3A_685, %get3A_686] {strides = array<i32>} : memref<64x16xi32, #tpu.memory_space<vmem>>, vector<1x16xi32>,
      %get3A_688 = vector.shape_cast %get3A_687 : vector<1x16xi32> to vector<16xi32>
      %shift_left3A_689 = arith.constant 3 : i32
      %shift_left3A_690 = vector.broadcast %shift_left3A_689 : i32 to vector<16xi32>
      %shift_left3A_691 = arith.shli %get3A_688, %shift_left3A_690 : vector<16xi32>
      %add3A_692 = arith.addi %shift_left3A_691, %add3A_16 : vector<16xi32>
      %swap3A_693 = arith.constant 5 : i32
      %swap3A_694 = arith.index_cast %swap3A_693 : i32 to index
      %swap3A_695 = arith.constant 64 : index
      %swap3A_696 = tpu.vector_load %arg6[%swap3A_694, %swap3A_695] {strides = array<i32>} : memref<8x128xi32, #tpu.memory_space<vmem>>, vector<1x16xi32>,
      %swap3A_697 = vector.shape_cast %swap3A_696 : vector<1x16xi32> to vector<16xi32>
      %swap3A_698 = vector.shape_cast %add3A_692 : vector<16xi32> to vector<1x16xi32>
      tpu.vector_store %arg6[%swap3A_694, %swap3A_695], %swap3A_698 {strides = array<i32>} : memref<8x128xi32, #tpu.memory_space<vmem>>, vector<1x16xi32>,
      %get3A_699 = arith.constant 45 : i32
      %get3A_700 = arith.index_cast %get3A_699 : i32 to index
      %get3A_701 = arith.constant 0 : index
      %get3A_702 = tpu.vector_load %arg5[%get3A_700, %get3A_701] {strides = array<i32>} : memref<64x16xi32, #tpu.memory_space<vmem>>, vector<1x16xi32>,
      %get3A_703 = vector.shape_cast %get3A_702 : vector<1x16xi32> to vector<16xi32>
      %shift_left3A_704 = arith.constant 3 : i32
      %shift_left3A_705 = vector.broadcast %shift_left3A_704 : i32 to vector<16xi32>
      %shift_left3A_706 = arith.shli %get3A_703, %shift_left3A_705 : vector<16xi32>
      %add3A_707 = arith.addi %shift_left3A_706, %add3A_16 : vector<16xi32>
      %swap3A_708 = arith.constant 5 : i32
      %swap3A_709 = arith.index_cast %swap3A_708 : i32 to index
      %swap3A_710 = arith.constant 80 : index
      %swap3A_711 = tpu.vector_load %arg6[%swap3A_709, %swap3A_710] {strides = array<i32>} : memref<8x128xi32, #tpu.memory_space<vmem>>, vector<1x16xi32>,
      %swap3A_712 = vector.shape_cast %swap3A_711 : vector<1x16xi32> to vector<16xi32>
      %swap3A_713 = vector.shape_cast %add3A_707 : vector<16xi32> to vector<1x16xi32>
      tpu.vector_store %arg6[%swap3A_709, %swap3A_710], %swap3A_713 {strides = array<i32>} : memref<8x128xi32, #tpu.memory_space<vmem>>, vector<1x16xi32>,
      %get3A_714 = arith.constant 46 : i32
      %get3A_715 = arith.index_cast %get3A_714 : i32 to index
      %get3A_716 = arith.constant 0 : index
      %get3A_717 = tpu.vector_load %arg5[%get3A_715, %get3A_716] {strides = array<i32>} : memref<64x16xi32, #tpu.memory_space<vmem>>, vector<1x16xi32>,
      %get3A_718 = vector.shape_cast %get3A_717 : vector<1x16xi32> to vector<16xi32>
      %shift_left3A_719 = arith.constant 3 : i32
      %shift_left3A_720 = vector.broadcast %shift_left3A_719 : i32 to vector<16xi32>
      %shift_left3A_721 = arith.shli %get3A_718, %shift_left3A_720 : vector<16xi32>
      %add3A_722 = arith.addi %shift_left3A_721, %add3A_16 : vector<16xi32>
      %swap3A_723 = arith.constant 5 : i32
      %swap3A_724 = arith.index_cast %swap3A_723 : i32 to index
      %swap3A_725 = arith.constant 96 : index
      %swap3A_726 = tpu.vector_load %arg6[%swap3A_724, %swap3A_725] {strides = array<i32>} : memref<8x128xi32, #tpu.memory_space<vmem>>, vector<1x16xi32>,
      %swap3A_727 = vector.shape_cast %swap3A_726 : vector<1x16xi32> to vector<16xi32>
      %swap3A_728 = vector.shape_cast %add3A_722 : vector<16xi32> to vector<1x16xi32>
      tpu.vector_store %arg6[%swap3A_724, %swap3A_725], %swap3A_728 {strides = array<i32>} : memref<8x128xi32, #tpu.memory_space<vmem>>, vector<1x16xi32>,
      %get3A_729 = arith.constant 47 : i32
      %get3A_730 = arith.index_cast %get3A_729 : i32 to index
      %get3A_731 = arith.constant 0 : index
      %get3A_732 = tpu.vector_load %arg5[%get3A_730, %get3A_731] {strides = array<i32>} : memref<64x16xi32, #tpu.memory_space<vmem>>, vector<1x16xi32>,
      %get3A_733 = vector.shape_cast %get3A_732 : vector<1x16xi32> to vector<16xi32>
      %shift_left3A_734 = arith.constant 3 : i32
      %shift_left3A_735 = vector.broadcast %shift_left3A_734 : i32 to vector<16xi32>
      %shift_left3A_736 = arith.shli %get3A_733, %shift_left3A_735 : vector<16xi32>
      %add3A_737 = arith.addi %shift_left3A_736, %add3A_16 : vector<16xi32>
      %swap3A_738 = arith.constant 5 : i32
      %swap3A_739 = arith.index_cast %swap3A_738 : i32 to index
      %swap3A_740 = arith.constant 112 : index
      %swap3A_741 = tpu.vector_load %arg6[%swap3A_739, %swap3A_740] {strides = array<i32>} : memref<8x128xi32, #tpu.memory_space<vmem>>, vector<1x16xi32>,
      %swap3A_742 = vector.shape_cast %swap3A_741 : vector<1x16xi32> to vector<16xi32>
      %swap3A_743 = vector.shape_cast %add3A_737 : vector<16xi32> to vector<1x16xi32>
      tpu.vector_store %arg6[%swap3A_739, %swap3A_740], %swap3A_743 {strides = array<i32>} : memref<8x128xi32, #tpu.memory_space<vmem>>, vector<1x16xi32>,
      %get3A_744 = arith.constant 48 : i32
      %get3A_745 = arith.index_cast %get3A_744 : i32 to index
      %get3A_746 = arith.constant 0 : index
      %get3A_747 = tpu.vector_load %arg5[%get3A_745, %get3A_746] {strides = array<i32>} : memref<64x16xi32, #tpu.memory_space<vmem>>, vector<1x16xi32>,
      %get3A_748 = vector.shape_cast %get3A_747 : vector<1x16xi32> to vector<16xi32>
      %shift_left3A_749 = arith.constant 3 : i32
      %shift_left3A_750 = vector.broadcast %shift_left3A_749 : i32 to vector<16xi32>
      %shift_left3A_751 = arith.shli %get3A_748, %shift_left3A_750 : vector<16xi32>
      %add3A_752 = arith.addi %shift_left3A_751, %add3A_16 : vector<16xi32>
      %swap3A_753 = arith.constant 6 : i32
      %swap3A_754 = arith.index_cast %swap3A_753 : i32 to index
      %swap3A_755 = arith.constant 0 : index
      %swap3A_756 = tpu.vector_load %arg6[%swap3A_754, %swap3A_755] {strides = array<i32>} : memref<8x128xi32, #tpu.memory_space<vmem>>, vector<1x16xi32>,
      %swap3A_757 = vector.shape_cast %swap3A_756 : vector<1x16xi32> to vector<16xi32>
      %swap3A_758 = vector.shape_cast %add3A_752 : vector<16xi32> to vector<1x16xi32>
      tpu.vector_store %arg6[%swap3A_754, %swap3A_755], %swap3A_758 {strides = array<i32>} : memref<8x128xi32, #tpu.memory_space<vmem>>, vector<1x16xi32>,
      %get3A_759 = arith.constant 49 : i32
      %get3A_760 = arith.index_cast %get3A_759 : i32 to index
      %get3A_761 = arith.constant 0 : index
      %get3A_762 = tpu.vector_load %arg5[%get3A_760, %get3A_761] {strides = array<i32>} : memref<64x16xi32, #tpu.memory_space<vmem>>, vector<1x16xi32>,
      %get3A_763 = vector.shape_cast %get3A_762 : vector<1x16xi32> to vector<16xi32>
      %shift_left3A_764 = arith.constant 3 : i32
      %shift_left3A_765 = vector.broadcast %shift_left3A_764 : i32 to vector<16xi32>
      %shift_left3A_766 = arith.shli %get3A_763, %shift_left3A_765 : vector<16xi32>
      %add3A_767 = arith.addi %shift_left3A_766, %add3A_16 : vector<16xi32>
      %swap3A_768 = arith.constant 6 : i32
      %swap3A_769 = arith.index_cast %swap3A_768 : i32 to index
      %swap3A_770 = arith.constant 16 : index
      %swap3A_771 = tpu.vector_load %arg6[%swap3A_769, %swap3A_770] {strides = array<i32>} : memref<8x128xi32, #tpu.memory_space<vmem>>, vector<1x16xi32>,
      %swap3A_772 = vector.shape_cast %swap3A_771 : vector<1x16xi32> to vector<16xi32>
      %swap3A_773 = vector.shape_cast %add3A_767 : vector<16xi32> to vector<1x16xi32>
      tpu.vector_store %arg6[%swap3A_769, %swap3A_770], %swap3A_773 {strides = array<i32>} : memref<8x128xi32, #tpu.memory_space<vmem>>, vector<1x16xi32>,
      %get3A_774 = arith.constant 50 : i32
      %get3A_775 = arith.index_cast %get3A_774 : i32 to index
      %get3A_776 = arith.constant 0 : index
      %get3A_777 = tpu.vector_load %arg5[%get3A_775, %get3A_776] {strides = array<i32>} : memref<64x16xi32, #tpu.memory_space<vmem>>, vector<1x16xi32>,
      %get3A_778 = vector.shape_cast %get3A_777 : vector<1x16xi32> to vector<16xi32>
      %shift_left3A_779 = arith.constant 3 : i32
      %shift_left3A_780 = vector.broadcast %shift_left3A_779 : i32 to vector<16xi32>
      %shift_left3A_781 = arith.shli %get3A_778, %shift_left3A_780 : vector<16xi32>
      %add3A_782 = arith.addi %shift_left3A_781, %add3A_16 : vector<16xi32>
      %swap3A_783 = arith.constant 6 : i32
      %swap3A_784 = arith.index_cast %swap3A_783 : i32 to index
      %swap3A_785 = arith.constant 32 : index
      %swap3A_786 = tpu.vector_load %arg6[%swap3A_784, %swap3A_785] {strides = array<i32>} : memref<8x128xi32, #tpu.memory_space<vmem>>, vector<1x16xi32>,
      %swap3A_787 = vector.shape_cast %swap3A_786 : vector<1x16xi32> to vector<16xi32>
      %swap3A_788 = vector.shape_cast %add3A_782 : vector<16xi32> to vector<1x16xi32>
      tpu.vector_store %arg6[%swap3A_784, %swap3A_785], %swap3A_788 {strides = array<i32>} : memref<8x128xi32, #tpu.memory_space<vmem>>, vector<1x16xi32>,
      %get3A_789 = arith.constant 51 : i32
      %get3A_790 = arith.index_cast %get3A_789 : i32 to index
      %get3A_791 = arith.constant 0 : index
      %get3A_792 = tpu.vector_load %arg5[%get3A_790, %get3A_791] {strides = array<i32>} : memref<64x16xi32, #tpu.memory_space<vmem>>, vector<1x16xi32>,
      %get3A_793 = vector.shape_cast %get3A_792 : vector<1x16xi32> to vector<16xi32>
      %shift_left3A_794 = arith.constant 3 : i32
      %shift_left3A_795 = vector.broadcast %shift_left3A_794 : i32 to vector<16xi32>
      %shift_left3A_796 = arith.shli %get3A_793, %shift_left3A_795 : vector<16xi32>
      %add3A_797 = arith.addi %shift_left3A_796, %add3A_16 : vector<16xi32>
      %swap3A_798 = arith.constant 6 : i32
      %swap3A_799 = arith.index_cast %swap3A_798 : i32 to index
      %swap3A_800 = arith.constant 48 : index
      %swap3A_801 = tpu.vector_load %arg6[%swap3A_799, %swap3A_800] {strides = array<i32>} : memref<8x128xi32, #tpu.memory_space<vmem>>, vector<1x16xi32>,
      %swap3A_802 = vector.shape_cast %swap3A_801 : vector<1x16xi32> to vector<16xi32>
      %swap3A_803 = vector.shape_cast %add3A_797 : vector<16xi32> to vector<1x16xi32>
      tpu.vector_store %arg6[%swap3A_799, %swap3A_800], %swap3A_803 {strides = array<i32>} : memref<8x128xi32, #tpu.memory_space<vmem>>, vector<1x16xi32>,
      %get3A_804 = arith.constant 52 : i32
      %get3A_805 = arith.index_cast %get3A_804 : i32 to index
      %get3A_806 = arith.constant 0 : index
      %get3A_807 = tpu.vector_load %arg5[%get3A_805, %get3A_806] {strides = array<i32>} : memref<64x16xi32, #tpu.memory_space<vmem>>, vector<1x16xi32>,
      %get3A_808 = vector.shape_cast %get3A_807 : vector<1x16xi32> to vector<16xi32>
      %shift_left3A_809 = arith.constant 3 : i32
      %shift_left3A_810 = vector.broadcast %shift_left3A_809 : i32 to vector<16xi32>
      %shift_left3A_811 = arith.shli %get3A_808, %shift_left3A_810 : vector<16xi32>
      %add3A_812 = arith.addi %shift_left3A_811, %add3A_16 : vector<16xi32>
      %swap3A_813 = arith.constant 6 : i32
      %swap3A_814 = arith.index_cast %swap3A_813 : i32 to index
      %swap3A_815 = arith.constant 64 : index
      %swap3A_816 = tpu.vector_load %arg6[%swap3A_814, %swap3A_815] {strides = array<i32>} : memref<8x128xi32, #tpu.memory_space<vmem>>, vector<1x16xi32>,
      %swap3A_817 = vector.shape_cast %swap3A_816 : vector<1x16xi32> to vector<16xi32>
      %swap3A_818 = vector.shape_cast %add3A_812 : vector<16xi32> to vector<1x16xi32>
      tpu.vector_store %arg6[%swap3A_814, %swap3A_815], %swap3A_818 {strides = array<i32>} : memref<8x128xi32, #tpu.memory_space<vmem>>, vector<1x16xi32>,
      %get3A_819 = arith.constant 53 : i32
      %get3A_820 = arith.index_cast %get3A_819 : i32 to index
      %get3A_821 = arith.constant 0 : index
      %get3A_822 = tpu.vector_load %arg5[%get3A_820, %get3A_821] {strides = array<i32>} : memref<64x16xi32, #tpu.memory_space<vmem>>, vector<1x16xi32>,
      %get3A_823 = vector.shape_cast %get3A_822 : vector<1x16xi32> to vector<16xi32>
      %shift_left3A_824 = arith.constant 3 : i32
      %shift_left3A_825 = vector.broadcast %shift_left3A_824 : i32 to vector<16xi32>
      %shift_left3A_826 = arith.shli %get3A_823, %shift_left3A_825 : vector<16xi32>
      %add3A_827 = arith.addi %shift_left3A_826, %add3A_16 : vector<16xi32>
      %swap3A_828 = arith.constant 6 : i32
      %swap3A_829 = arith.index_cast %swap3A_828 : i32 to index
      %swap3A_830 = arith.constant 80 : index
      %swap3A_831 = tpu.vector_load %arg6[%swap3A_829, %swap3A_830] {strides = array<i32>} : memref<8x128xi32, #tpu.memory_space<vmem>>, vector<1x16xi32>,
      %swap3A_832 = vector.shape_cast %swap3A_831 : vector<1x16xi32> to vector<16xi32>
      %swap3A_833 = vector.shape_cast %add3A_827 : vector<16xi32> to vector<1x16xi32>
      tpu.vector_store %arg6[%swap3A_829, %swap3A_830], %swap3A_833 {strides = array<i32>} : memref<8x128xi32, #tpu.memory_space<vmem>>, vector<1x16xi32>,
      %get3A_834 = arith.constant 54 : i32
      %get3A_835 = arith.index_cast %get3A_834 : i32 to index
      %get3A_836 = arith.constant 0 : index
      %get3A_837 = tpu.vector_load %arg5[%get3A_835, %get3A_836] {strides = array<i32>} : memref<64x16xi32, #tpu.memory_space<vmem>>, vector<1x16xi32>,
      %get3A_838 = vector.shape_cast %get3A_837 : vector<1x16xi32> to vector<16xi32>
      %shift_left3A_839 = arith.constant 3 : i32
      %shift_left3A_840 = vector.broadcast %shift_left3A_839 : i32 to vector<16xi32>
      %shift_left3A_841 = arith.shli %get3A_838, %shift_left3A_840 : vector<16xi32>
      %add3A_842 = arith.addi %shift_left3A_841, %add3A_16 : vector<16xi32>
      %swap3A_843 = arith.constant 6 : i32
      %swap3A_844 = arith.index_cast %swap3A_843 : i32 to index
      %swap3A_845 = arith.constant 96 : index
      %swap3A_846 = tpu.vector_load %arg6[%swap3A_844, %swap3A_845] {strides = array<i32>} : memref<8x128xi32, #tpu.memory_space<vmem>>, vector<1x16xi32>,
      %swap3A_847 = vector.shape_cast %swap3A_846 : vector<1x16xi32> to vector<16xi32>
      %swap3A_848 = vector.shape_cast %add3A_842 : vector<16xi32> to vector<1x16xi32>
      tpu.vector_store %arg6[%swap3A_844, %swap3A_845], %swap3A_848 {strides = array<i32>} : memref<8x128xi32, #tpu.memory_space<vmem>>, vector<1x16xi32>,
      %get3A_849 = arith.constant 55 : i32
      %get3A_850 = arith.index_cast %get3A_849 : i32 to index
      %get3A_851 = arith.constant 0 : index
      %get3A_852 = tpu.vector_load %arg5[%get3A_850, %get3A_851] {strides = array<i32>} : memref<64x16xi32, #tpu.memory_space<vmem>>, vector<1x16xi32>,
      %get3A_853 = vector.shape_cast %get3A_852 : vector<1x16xi32> to vector<16xi32>
      %shift_left3A_854 = arith.constant 3 : i32
      %shift_left3A_855 = vector.broadcast %shift_left3A_854 : i32 to vector<16xi32>
      %shift_left3A_856 = arith.shli %get3A_853, %shift_left3A_855 : vector<16xi32>
      %add3A_857 = arith.addi %shift_left3A_856, %add3A_16 : vector<16xi32>
      %swap3A_858 = arith.constant 6 : i32
      %swap3A_859 = arith.index_cast %swap3A_858 : i32 to index
      %swap3A_860 = arith.constant 112 : index
      %swap3A_861 = tpu.vector_load %arg6[%swap3A_859, %swap3A_860] {strides = array<i32>} : memref<8x128xi32, #tpu.memory_space<vmem>>, vector<1x16xi32>,
      %swap3A_862 = vector.shape_cast %swap3A_861 : vector<1x16xi32> to vector<16xi32>
      %swap3A_863 = vector.shape_cast %add3A_857 : vector<16xi32> to vector<1x16xi32>
      tpu.vector_store %arg6[%swap3A_859, %swap3A_860], %swap3A_863 {strides = array<i32>} : memref<8x128xi32, #tpu.memory_space<vmem>>, vector<1x16xi32>,
      %get3A_864 = arith.constant 56 : i32
      %get3A_865 = arith.index_cast %get3A_864 : i32 to index
      %get3A_866 = arith.constant 0 : index
      %get3A_867 = tpu.vector_load %arg5[%get3A_865, %get3A_866] {strides = array<i32>} : memref<64x16xi32, #tpu.memory_space<vmem>>, vector<1x16xi32>,
      %get3A_868 = vector.shape_cast %get3A_867 : vector<1x16xi32> to vector<16xi32>
      %shift_left3A_869 = arith.constant 3 : i32
      %shift_left3A_870 = vector.broadcast %shift_left3A_869 : i32 to vector<16xi32>
      %shift_left3A_871 = arith.shli %get3A_868, %shift_left3A_870 : vector<16xi32>
      %add3A_872 = arith.addi %shift_left3A_871, %add3A_16 : vector<16xi32>
      %swap3A_873 = arith.constant 7 : i32
      %swap3A_874 = arith.index_cast %swap3A_873 : i32 to index
      %swap3A_875 = arith.constant 0 : index
      %swap3A_876 = tpu.vector_load %arg6[%swap3A_874, %swap3A_875] {strides = array<i32>} : memref<8x128xi32, #tpu.memory_space<vmem>>, vector<1x16xi32>,
      %swap3A_877 = vector.shape_cast %swap3A_876 : vector<1x16xi32> to vector<16xi32>
      %swap3A_878 = vector.shape_cast %add3A_872 : vector<16xi32> to vector<1x16xi32>
      tpu.vector_store %arg6[%swap3A_874, %swap3A_875], %swap3A_878 {strides = array<i32>} : memref<8x128xi32, #tpu.memory_space<vmem>>, vector<1x16xi32>,
      %get3A_879 = arith.constant 57 : i32
      %get3A_880 = arith.index_cast %get3A_879 : i32 to index
      %get3A_881 = arith.constant 0 : index
      %get3A_882 = tpu.vector_load %arg5[%get3A_880, %get3A_881] {strides = array<i32>} : memref<64x16xi32, #tpu.memory_space<vmem>>, vector<1x16xi32>,
      %get3A_883 = vector.shape_cast %get3A_882 : vector<1x16xi32> to vector<16xi32>
      %shift_left3A_884 = arith.constant 3 : i32
      %shift_left3A_885 = vector.broadcast %shift_left3A_884 : i32 to vector<16xi32>
      %shift_left3A_886 = arith.shli %get3A_883, %shift_left3A_885 : vector<16xi32>
      %add3A_887 = arith.addi %shift_left3A_886, %add3A_16 : vector<16xi32>
      %swap3A_888 = arith.constant 7 : i32
      %swap3A_889 = arith.index_cast %swap3A_888 : i32 to index
      %swap3A_890 = arith.constant 16 : index
      %swap3A_891 = tpu.vector_load %arg6[%swap3A_889, %swap3A_890] {strides = array<i32>} : memref<8x128xi32, #tpu.memory_space<vmem>>, vector<1x16xi32>,
      %swap3A_892 = vector.shape_cast %swap3A_891 : vector<1x16xi32> to vector<16xi32>
      %swap3A_893 = vector.shape_cast %add3A_887 : vector<16xi32> to vector<1x16xi32>
      tpu.vector_store %arg6[%swap3A_889, %swap3A_890], %swap3A_893 {strides = array<i32>} : memref<8x128xi32, #tpu.memory_space<vmem>>, vector<1x16xi32>,
      %get3A_894 = arith.constant 58 : i32
      %get3A_895 = arith.index_cast %get3A_894 : i32 to index
      %get3A_896 = arith.constant 0 : index
      %get3A_897 = tpu.vector_load %arg5[%get3A_895, %get3A_896] {strides = array<i32>} : memref<64x16xi32, #tpu.memory_space<vmem>>, vector<1x16xi32>,
      %get3A_898 = vector.shape_cast %get3A_897 : vector<1x16xi32> to vector<16xi32>
      %shift_left3A_899 = arith.constant 3 : i32
      %shift_left3A_900 = vector.broadcast %shift_left3A_899 : i32 to vector<16xi32>
      %shift_left3A_901 = arith.shli %get3A_898, %shift_left3A_900 : vector<16xi32>
      %add3A_902 = arith.addi %shift_left3A_901, %add3A_16 : vector<16xi32>
      %swap3A_903 = arith.constant 7 : i32
      %swap3A_904 = arith.index_cast %swap3A_903 : i32 to index
      %swap3A_905 = arith.constant 32 : index
      %swap3A_906 = tpu.vector_load %arg6[%swap3A_904, %swap3A_905] {strides = array<i32>} : memref<8x128xi32, #tpu.memory_space<vmem>>, vector<1x16xi32>,
      %swap3A_907 = vector.shape_cast %swap3A_906 : vector<1x16xi32> to vector<16xi32>
      %swap3A_908 = vector.shape_cast %add3A_902 : vector<16xi32> to vector<1x16xi32>
      tpu.vector_store %arg6[%swap3A_904, %swap3A_905], %swap3A_908 {strides = array<i32>} : memref<8x128xi32, #tpu.memory_space<vmem>>, vector<1x16xi32>,
      %get3A_909 = arith.constant 59 : i32
      %get3A_910 = arith.index_cast %get3A_909 : i32 to index
      %get3A_911 = arith.constant 0 : index
      %get3A_912 = tpu.vector_load %arg5[%get3A_910, %get3A_911] {strides = array<i32>} : memref<64x16xi32, #tpu.memory_space<vmem>>, vector<1x16xi32>,
      %get3A_913 = vector.shape_cast %get3A_912 : vector<1x16xi32> to vector<16xi32>
      %shift_left3A_914 = arith.constant 3 : i32
      %shift_left3A_915 = vector.broadcast %shift_left3A_914 : i32 to vector<16xi32>
      %shift_left3A_916 = arith.shli %get3A_913, %shift_left3A_915 : vector<16xi32>
      %add3A_917 = arith.addi %shift_left3A_916, %add3A_16 : vector<16xi32>
      %swap3A_918 = arith.constant 7 : i32
      %swap3A_919 = arith.index_cast %swap3A_918 : i32 to index
      %swap3A_920 = arith.constant 48 : index
      %swap3A_921 = tpu.vector_load %arg6[%swap3A_919, %swap3A_920] {strides = array<i32>} : memref<8x128xi32, #tpu.memory_space<vmem>>, vector<1x16xi32>,
      %swap3A_922 = vector.shape_cast %swap3A_921 : vector<1x16xi32> to vector<16xi32>
      %swap3A_923 = vector.shape_cast %add3A_917 : vector<16xi32> to vector<1x16xi32>
      tpu.vector_store %arg6[%swap3A_919, %swap3A_920], %swap3A_923 {strides = array<i32>} : memref<8x128xi32, #tpu.memory_space<vmem>>, vector<1x16xi32>,
      %get3A_924 = arith.constant 60 : i32
      %get3A_925 = arith.index_cast %get3A_924 : i32 to index
      %get3A_926 = arith.constant 0 : index
      %get3A_927 = tpu.vector_load %arg5[%get3A_925, %get3A_926] {strides = array<i32>} : memref<64x16xi32, #tpu.memory_space<vmem>>, vector<1x16xi32>,
      %get3A_928 = vector.shape_cast %get3A_927 : vector<1x16xi32> to vector<16xi32>
      %shift_left3A_929 = arith.constant 3 : i32
      %shift_left3A_930 = vector.broadcast %shift_left3A_929 : i32 to vector<16xi32>
      %shift_left3A_931 = arith.shli %get3A_928, %shift_left3A_930 : vector<16xi32>
      %add3A_932 = arith.addi %shift_left3A_931, %add3A_16 : vector<16xi32>
      %swap3A_933 = arith.constant 7 : i32
      %swap3A_934 = arith.index_cast %swap3A_933 : i32 to index
      %swap3A_935 = arith.constant 64 : index
      %swap3A_936 = tpu.vector_load %arg6[%swap3A_934, %swap3A_935] {strides = array<i32>} : memref<8x128xi32, #tpu.memory_space<vmem>>, vector<1x16xi32>,
      %swap3A_937 = vector.shape_cast %swap3A_936 : vector<1x16xi32> to vector<16xi32>
      %swap3A_938 = vector.shape_cast %add3A_932 : vector<16xi32> to vector<1x16xi32>
      tpu.vector_store %arg6[%swap3A_934, %swap3A_935], %swap3A_938 {strides = array<i32>} : memref<8x128xi32, #tpu.memory_space<vmem>>, vector<1x16xi32>,
      %get3A_939 = arith.constant 61 : i32
      %get3A_940 = arith.index_cast %get3A_939 : i32 to index
      %get3A_941 = arith.constant 0 : index
      %get3A_942 = tpu.vector_load %arg5[%get3A_940, %get3A_941] {strides = array<i32>} : memref<64x16xi32, #tpu.memory_space<vmem>>, vector<1x16xi32>,
      %get3A_943 = vector.shape_cast %get3A_942 : vector<1x16xi32> to vector<16xi32>
      %shift_left3A_944 = arith.constant 3 : i32
      %shift_left3A_945 = vector.broadcast %shift_left3A_944 : i32 to vector<16xi32>
      %shift_left3A_946 = arith.shli %get3A_943, %shift_left3A_945 : vector<16xi32>
      %add3A_947 = arith.addi %shift_left3A_946, %add3A_16 : vector<16xi32>
      %swap3A_948 = arith.constant 7 : i32
      %swap3A_949 = arith.index_cast %swap3A_948 : i32 to index
      %swap3A_950 = arith.constant 80 : index
      %swap3A_951 = tpu.vector_load %arg6[%swap3A_949, %swap3A_950] {strides = array<i32>} : memref<8x128xi32, #tpu.memory_space<vmem>>, vector<1x16xi32>,
      %swap3A_952 = vector.shape_cast %swap3A_951 : vector<1x16xi32> to vector<16xi32>
      %swap3A_953 = vector.shape_cast %add3A_947 : vector<16xi32> to vector<1x16xi32>
      tpu.vector_store %arg6[%swap3A_949, %swap3A_950], %swap3A_953 {strides = array<i32>} : memref<8x128xi32, #tpu.memory_space<vmem>>, vector<1x16xi32>,
      %get3A_954 = arith.constant 62 : i32
      %get3A_955 = arith.index_cast %get3A_954 : i32 to index
      %get3A_956 = arith.constant 0 : index
      %get3A_957 = tpu.vector_load %arg5[%get3A_955, %get3A_956] {strides = array<i32>} : memref<64x16xi32, #tpu.memory_space<vmem>>, vector<1x16xi32>,
      %get3A_958 = vector.shape_cast %get3A_957 : vector<1x16xi32> to vector<16xi32>
      %shift_left3A_959 = arith.constant 3 : i32
      %shift_left3A_960 = vector.broadcast %shift_left3A_959 : i32 to vector<16xi32>
      %shift_left3A_961 = arith.shli %get3A_958, %shift_left3A_960 : vector<16xi32>
      %add3A_962 = arith.addi %shift_left3A_961, %add3A_16 : vector<16xi32>
      %swap3A_963 = arith.constant 7 : i32
      %swap3A_964 = arith.index_cast %swap3A_963 : i32 to index
      %swap3A_965 = arith.constant 96 : index
      %swap3A_966 = tpu.vector_load %arg6[%swap3A_964, %swap3A_965] {strides = array<i32>} : memref<8x128xi32, #tpu.memory_space<vmem>>, vector<1x16xi32>,
      %swap3A_967 = vector.shape_cast %swap3A_966 : vector<1x16xi32> to vector<16xi32>
      %swap3A_968 = vector.shape_cast %add3A_962 : vector<16xi32> to vector<1x16xi32>
      tpu.vector_store %arg6[%swap3A_964, %swap3A_965], %swap3A_968 {strides = array<i32>} : memref<8x128xi32, #tpu.memory_space<vmem>>, vector<1x16xi32>,
      %get3A_969 = arith.constant 63 : i32
      %get3A_970 = arith.index_cast %get3A_969 : i32 to index
      %get3A_971 = arith.constant 0 : index
      %get3A_972 = tpu.vector_load %arg5[%get3A_970, %get3A_971] {strides = array<i32>} : memref<64x16xi32, #tpu.memory_space<vmem>>, vector<1x16xi32>,
      %get3A_973 = vector.shape_cast %get3A_972 : vector<1x16xi32> to vector<16xi32>
      %shift_left3A_974 = arith.constant 3 : i32
      %shift_left3A_975 = vector.broadcast %shift_left3A_974 : i32 to vector<16xi32>
      %shift_left3A_976 = arith.shli %get3A_973, %shift_left3A_975 : vector<16xi32>
      %add3A_977 = arith.addi %shift_left3A_976, %add3A_16 : vector<16xi32>
      %swap3A_978 = arith.constant 7 : i32
      %swap3A_979 = arith.index_cast %swap3A_978 : i32 to index
      %swap3A_980 = arith.constant 112 : index
      %swap3A_981 = tpu.vector_load %arg6[%swap3A_979, %swap3A_980] {strides = array<i32>} : memref<8x128xi32, #tpu.memory_space<vmem>>, vector<1x16xi32>,
      %swap3A_982 = vector.shape_cast %swap3A_981 : vector<1x16xi32> to vector<16xi32>
      %swap3A_983 = vector.shape_cast %add3A_977 : vector<16xi32> to vector<1x16xi32>
      tpu.vector_store %arg6[%swap3A_979, %swap3A_980], %swap3A_983 {strides = array<i32>} : memref<8x128xi32, #tpu.memory_space<vmem>>, vector<1x16xi32>,
      %dma_start3A = arith.constant 0 : i32
      %dma_start3A_984 = arith.constant 0 : i32
      %dma_start3A_985 = arith.constant 0 : i32
      %dma_start3A_986 = tpu.memref_slice %arg7[%dma_start3A_984, %dma_start3A_985] : memref<1024x32xf32, #tpu.memory_space<vmem>> -> memref<128x32xf32, #tpu.memory_space<vmem>>
      %dma_start3A_987 = arith.constant 0 : i32
      %dma_start3A_988 = tpu.memref_slice %arg6[%dma_start3A, %dma_start3A_987] : memref<8x128xi32, #tpu.memory_space<vmem>> -> memref<1x128xi32, #tpu.memory_space<vmem>>
      %dma_start3A_989 = tpu.memref_squeeze %dma_start3A_988 : memref<1x128xi32, #tpu.memory_space<vmem>> -> memref<128xi32, #tpu.memory_space<vmem>>
      %dma_start3A_990 = arith.constant 0 : i32
      %dma_start3A_991 = arith.constant 0 : i32
      %dma_start3A_992 = tpu.memref_slice %arg2[%dma_start3A_990, %dma_start3A_991] : memref<65536x32xf32, #tpu.memory_space<hbm>> -> memref<65536x32xf32, #tpu.memory_space<hbm>>
      tpu.enqueue_indirect_dma source(%dma_start3A_992 : memref<65536x32xf32, #tpu.memory_space<hbm>>) target(%dma_start3A_986 : memref<128x32xf32, #tpu.memory_space<vmem>>) offsets(%dma_start3A_989 : memref<128xi32, #tpu.memory_space<vmem>>) semaphore(%arg9 : memref<!tpu.dma_semaphore, #tpu.memory_space<semaphore_mem>>)
      %dma_start3A_993 = arith.constant 1 : i32
      %dma_start3A_994 = arith.constant 128 : i32
      %dma_start3A_995 = arith.constant 0 : i32
      %dma_start3A_996 = tpu.memref_slice %arg7[%dma_start3A_994, %dma_start3A_995] : memref<1024x32xf32, #tpu.memory_space<vmem>> -> memref<128x32xf32, #tpu.memory_space<vmem>>
      %dma_start3A_997 = arith.constant 0 : i32
      %dma_start3A_998 = tpu.memref_slice %arg6[%dma_start3A_993, %dma_start3A_997] : memref<8x128xi32, #tpu.memory_space<vmem>> -> memref<1x128xi32, #tpu.memory_space<vmem>>
      %dma_start3A_999 = tpu.memref_squeeze %dma_start3A_998 : memref<1x128xi32, #tpu.memory_space<vmem>> -> memref<128xi32, #tpu.memory_space<vmem>>
      %dma_start3A_1000 = arith.constant 0 : i32
      %dma_start3A_1001 = arith.constant 0 : i32
      %dma_start3A_1002 = tpu.memref_slice %arg2[%dma_start3A_1000, %dma_start3A_1001] : memref<65536x32xf32, #tpu.memory_space<hbm>> -> memref<65536x32xf32, #tpu.memory_space<hbm>>
      tpu.enqueue_indirect_dma source(%dma_start3A_1002 : memref<65536x32xf32, #tpu.memory_space<hbm>>) target(%dma_start3A_996 : memref<128x32xf32, #tpu.memory_space<vmem>>) offsets(%dma_start3A_999 : memref<128xi32, #tpu.memory_space<vmem>>) semaphore(%arg9 : memref<!tpu.dma_semaphore, #tpu.memory_space<semaphore_mem>>)
      %dma_start3A_1003 = arith.constant 2 : i32
      %dma_start3A_1004 = arith.constant 256 : i32
      %dma_start3A_1005 = arith.constant 0 : i32
      %dma_start3A_1006 = tpu.memref_slice %arg7[%dma_start3A_1004, %dma_start3A_1005] : memref<1024x32xf32, #tpu.memory_space<vmem>> -> memref<128x32xf32, #tpu.memory_space<vmem>>
      %dma_start3A_1007 = arith.constant 0 : i32
      %dma_start3A_1008 = tpu.memref_slice %arg6[%dma_start3A_1003, %dma_start3A_1007] : memref<8x128xi32, #tpu.memory_space<vmem>> -> memref<1x128xi32, #tpu.memory_space<vmem>>
      %dma_start3A_1009 = tpu.memref_squeeze %dma_start3A_1008 : memref<1x128xi32, #tpu.memory_space<vmem>> -> memref<128xi32, #tpu.memory_space<vmem>>
      %dma_start3A_1010 = arith.constant 0 : i32
      %dma_start3A_1011 = arith.constant 0 : i32
      %dma_start3A_1012 = tpu.memref_slice %arg2[%dma_start3A_1010, %dma_start3A_1011] : memref<65536x32xf32, #tpu.memory_space<hbm>> -> memref<65536x32xf32, #tpu.memory_space<hbm>>
      tpu.enqueue_indirect_dma source(%dma_start3A_1012 : memref<65536x32xf32, #tpu.memory_space<hbm>>) target(%dma_start3A_1006 : memref<128x32xf32, #tpu.memory_space<vmem>>) offsets(%dma_start3A_1009 : memref<128xi32, #tpu.memory_space<vmem>>) semaphore(%arg9 : memref<!tpu.dma_semaphore, #tpu.memory_space<semaphore_mem>>)
      %dma_start3A_1013 = arith.constant 3 : i32
      %dma_start3A_1014 = arith.constant 384 : i32
      %dma_start3A_1015 = arith.constant 0 : i32
      %dma_start3A_1016 = tpu.memref_slice %arg7[%dma_start3A_1014, %dma_start3A_1015] : memref<1024x32xf32, #tpu.memory_space<vmem>> -> memref<128x32xf32, #tpu.memory_space<vmem>>
      %dma_start3A_1017 = arith.constant 0 : i32
      %dma_start3A_1018 = tpu.memref_slice %arg6[%dma_start3A_1013, %dma_start3A_1017] : memref<8x128xi32, #tpu.memory_space<vmem>> -> memref<1x128xi32, #tpu.memory_space<vmem>>
      %dma_start3A_1019 = tpu.memref_squeeze %dma_start3A_1018 : memref<1x128xi32, #tpu.memory_space<vmem>> -> memref<128xi32, #tpu.memory_space<vmem>>
      %dma_start3A_1020 = arith.constant 0 : i32
      %dma_start3A_1021 = arith.constant 0 : i32
      %dma_start3A_1022 = tpu.memref_slice %arg2[%dma_start3A_1020, %dma_start3A_1021] : memref<65536x32xf32, #tpu.memory_space<hbm>> -> memref<65536x32xf32, #tpu.memory_space<hbm>>
      tpu.enqueue_indirect_dma source(%dma_start3A_1022 : memref<65536x32xf32, #tpu.memory_space<hbm>>) target(%dma_start3A_1016 : memref<128x32xf32, #tpu.memory_space<vmem>>) offsets(%dma_start3A_1019 : memref<128xi32, #tpu.memory_space<vmem>>) semaphore(%arg9 : memref<!tpu.dma_semaphore, #tpu.memory_space<semaphore_mem>>)
      %dma_start3A_1023 = arith.constant 4 : i32
      %dma_start3A_1024 = arith.constant 512 : i32
      %dma_start3A_1025 = arith.constant 0 : i32
      %dma_start3A_1026 = tpu.memref_slice %arg7[%dma_start3A_1024, %dma_start3A_1025] : memref<1024x32xf32, #tpu.memory_space<vmem>> -> memref<128x32xf32, #tpu.memory_space<vmem>>
      %dma_start3A_1027 = arith.constant 0 : i32
      %dma_start3A_1028 = tpu.memref_slice %arg6[%dma_start3A_1023, %dma_start3A_1027] : memref<8x128xi32, #tpu.memory_space<vmem>> -> memref<1x128xi32, #tpu.memory_space<vmem>>
      %dma_start3A_1029 = tpu.memref_squeeze %dma_start3A_1028 : memref<1x128xi32, #tpu.memory_space<vmem>> -> memref<128xi32, #tpu.memory_space<vmem>>
      %dma_start3A_1030 = arith.constant 0 : i32
      %dma_start3A_1031 = arith.constant 0 : i32
      %dma_start3A_1032 = tpu.memref_slice %arg2[%dma_start3A_1030, %dma_start3A_1031] : memref<65536x32xf32, #tpu.memory_space<hbm>> -> memref<65536x32xf32, #tpu.memory_space<hbm>>
      tpu.enqueue_indirect_dma source(%dma_start3A_1032 : memref<65536x32xf32, #tpu.memory_space<hbm>>) target(%dma_start3A_1026 : memref<128x32xf32, #tpu.memory_space<vmem>>) offsets(%dma_start3A_1029 : memref<128xi32, #tpu.memory_space<vmem>>) semaphore(%arg9 : memref<!tpu.dma_semaphore, #tpu.memory_space<semaphore_mem>>)
      %dma_start3A_1033 = arith.constant 5 : i32
      %dma_start3A_1034 = arith.constant 640 : i32
      %dma_start3A_1035 = arith.constant 0 : i32
      %dma_start3A_1036 = tpu.memref_slice %arg7[%dma_start3A_1034, %dma_start3A_1035] : memref<1024x32xf32, #tpu.memory_space<vmem>> -> memref<128x32xf32, #tpu.memory_space<vmem>>
      %dma_start3A_1037 = arith.constant 0 : i32
      %dma_start3A_1038 = tpu.memref_slice %arg6[%dma_start3A_1033, %dma_start3A_1037] : memref<8x128xi32, #tpu.memory_space<vmem>> -> memref<1x128xi32, #tpu.memory_space<vmem>>
      %dma_start3A_1039 = tpu.memref_squeeze %dma_start3A_1038 : memref<1x128xi32, #tpu.memory_space<vmem>> -> memref<128xi32, #tpu.memory_space<vmem>>
      %dma_start3A_1040 = arith.constant 0 : i32
      %dma_start3A_1041 = arith.constant 0 : i32
      %dma_start3A_1042 = tpu.memref_slice %arg2[%dma_start3A_1040, %dma_start3A_1041] : memref<65536x32xf32, #tpu.memory_space<hbm>> -> memref<65536x32xf32, #tpu.memory_space<hbm>>
      tpu.enqueue_indirect_dma source(%dma_start3A_1042 : memref<65536x32xf32, #tpu.memory_space<hbm>>) target(%dma_start3A_1036 : memref<128x32xf32, #tpu.memory_space<vmem>>) offsets(%dma_start3A_1039 : memref<128xi32, #tpu.memory_space<vmem>>) semaphore(%arg9 : memref<!tpu.dma_semaphore, #tpu.memory_space<semaphore_mem>>)
      %dma_start3A_1043 = arith.constant 6 : i32
      %dma_start3A_1044 = arith.constant 768 : i32
      %dma_start3A_1045 = arith.constant 0 : i32
      %dma_start3A_1046 = tpu.memref_slice %arg7[%dma_start3A_1044, %dma_start3A_1045] : memref<1024x32xf32, #tpu.memory_space<vmem>> -> memref<128x32xf32, #tpu.memory_space<vmem>>
      %dma_start3A_1047 = arith.constant 0 : i32
      %dma_start3A_1048 = tpu.memref_slice %arg6[%dma_start3A_1043, %dma_start3A_1047] : memref<8x128xi32, #tpu.memory_space<vmem>> -> memref<1x128xi32, #tpu.memory_space<vmem>>
      %dma_start3A_1049 = tpu.memref_squeeze %dma_start3A_1048 : memref<1x128xi32, #tpu.memory_space<vmem>> -> memref<128xi32, #tpu.memory_space<vmem>>
      %dma_start3A_1050 = arith.constant 0 : i32
      %dma_start3A_1051 = arith.constant 0 : i32
      %dma_start3A_1052 = tpu.memref_slice %arg2[%dma_start3A_1050, %dma_start3A_1051] : memref<65536x32xf32, #tpu.memory_space<hbm>> -> memref<65536x32xf32, #tpu.memory_space<hbm>>
      tpu.enqueue_indirect_dma source(%dma_start3A_1052 : memref<65536x32xf32, #tpu.memory_space<hbm>>) target(%dma_start3A_1046 : memref<128x32xf32, #tpu.memory_space<vmem>>) offsets(%dma_start3A_1049 : memref<128xi32, #tpu.memory_space<vmem>>) semaphore(%arg9 : memref<!tpu.dma_semaphore, #tpu.memory_space<semaphore_mem>>)
      %dma_start3A_1053 = arith.constant 7 : i32
      %dma_start3A_1054 = arith.constant 896 : i32
      %dma_start3A_1055 = arith.constant 0 : i32
      %dma_start3A_1056 = tpu.memref_slice %arg7[%dma_start3A_1054, %dma_start3A_1055] : memref<1024x32xf32, #tpu.memory_space<vmem>> -> memref<128x32xf32, #tpu.memory_space<vmem>>
      %dma_start3A_1057 = arith.constant 0 : i32
      %dma_start3A_1058 = tpu.memref_slice %arg6[%dma_start3A_1053, %dma_start3A_1057] : memref<8x128xi32, #tpu.memory_space<vmem>> -> memref<1x128xi32, #tpu.memory_space<vmem>>
      %dma_start3A_1059 = tpu.memref_squeeze %dma_start3A_1058 : memref<1x128xi32, #tpu.memory_space<vmem>> -> memref<128xi32, #tpu.memory_space<vmem>>
      %dma_start3A_1060 = arith.constant 0 : i32
      %dma_start3A_1061 = arith.constant 0 : i32
      %dma_start3A_1062 = tpu.memref_slice %arg2[%dma_start3A_1060, %dma_start3A_1061] : memref<65536x32xf32, #tpu.memory_space<hbm>> -> memref<65536x32xf32, #tpu.memory_space<hbm>>
      tpu.enqueue_indirect_dma source(%dma_start3A_1062 : memref<65536x32xf32, #tpu.memory_space<hbm>>) target(%dma_start3A_1056 : memref<128x32xf32, #tpu.memory_space<vmem>>) offsets(%dma_start3A_1059 : memref<128xi32, #tpu.memory_space<vmem>>) semaphore(%arg9 : memref<!tpu.dma_semaphore, #tpu.memory_space<semaphore_mem>>)
      %dma_wait3A = arith.constant 0 : i32
      %dma_wait3A_1063 = arith.constant 0 : i32
      %dma_wait3A_1064 = arith.constant 0 : i32
      %dma_wait3A_1065 = tpu.memref_slice %arg7[%dma_wait3A_1063, %dma_wait3A_1064] : memref<1024x32xf32, #tpu.memory_space<vmem>> -> memref<128x32xf32, #tpu.memory_space<vmem>>
      %dma_wait3A_1066 = arith.constant 0 : i32
      %dma_wait3A_1067 = tpu.memref_slice %arg6[%dma_wait3A, %dma_wait3A_1066] : memref<8x128xi32, #tpu.memory_space<vmem>> -> memref<1x128xi32, #tpu.memory_space<vmem>>
      %dma_wait3A_1068 = tpu.memref_squeeze %dma_wait3A_1067 : memref<1x128xi32, #tpu.memory_space<vmem>> -> memref<128xi32, #tpu.memory_space<vmem>>
      %dma_wait3A_1069 = arith.constant 0 : i32
      %dma_wait3A_1070 = arith.constant 0 : i32
      %dma_wait3A_1071 = tpu.memref_slice %arg2[%dma_wait3A_1069, %dma_wait3A_1070] : memref<65536x32xf32, #tpu.memory_space<hbm>> -> memref<65536x32xf32, #tpu.memory_space<hbm>>
      tpu.wait_indirect_dma semaphore(%arg9 : memref<!tpu.dma_semaphore, #tpu.memory_space<semaphore_mem>>) src(%dma_wait3A_1071 : memref<65536x32xf32, #tpu.memory_space<hbm>>) dst(%dma_wait3A_1065 : memref<128x32xf32, #tpu.memory_space<vmem>>)
      %dma_wait3A_1072 = arith.constant 1 : i32
      %dma_wait3A_1073 = arith.constant 128 : i32
      %dma_wait3A_1074 = arith.constant 0 : i32
      %dma_wait3A_1075 = tpu.memref_slice %arg7[%dma_wait3A_1073, %dma_wait3A_1074] : memref<1024x32xf32, #tpu.memory_space<vmem>> -> memref<128x32xf32, #tpu.memory_space<vmem>>
      %dma_wait3A_1076 = arith.constant 0 : i32
      %dma_wait3A_1077 = tpu.memref_slice %arg6[%dma_wait3A_1072, %dma_wait3A_1076] : memref<8x128xi32, #tpu.memory_space<vmem>> -> memref<1x128xi32, #tpu.memory_space<vmem>>
      %dma_wait3A_1078 = tpu.memref_squeeze %dma_wait3A_1077 : memref<1x128xi32, #tpu.memory_space<vmem>> -> memref<128xi32, #tpu.memory_space<vmem>>
      %dma_wait3A_1079 = arith.constant 0 : i32
      %dma_wait3A_1080 = arith.constant 0 : i32
      %dma_wait3A_1081 = tpu.memref_slice %arg2[%dma_wait3A_1079, %dma_wait3A_1080] : memref<65536x32xf32, #tpu.memory_space<hbm>> -> memref<65536x32xf32, #tpu.memory_space<hbm>>
      tpu.wait_indirect_dma semaphore(%arg9 : memref<!tpu.dma_semaphore, #tpu.memory_space<semaphore_mem>>) src(%dma_wait3A_1081 : memref<65536x32xf32, #tpu.memory_space<hbm>>) dst(%dma_wait3A_1075 : memref<128x32xf32, #tpu.memory_space<vmem>>)
      %dma_wait3A_1082 = arith.constant 2 : i32
      %dma_wait3A_1083 = arith.constant 256 : i32
      %dma_wait3A_1084 = arith.constant 0 : i32
      %dma_wait3A_1085 = tpu.memref_slice %arg7[%dma_wait3A_1083, %dma_wait3A_1084] : memref<1024x32xf32, #tpu.memory_space<vmem>> -> memref<128x32xf32, #tpu.memory_space<vmem>>
      %dma_wait3A_1086 = arith.constant 0 : i32
      %dma_wait3A_1087 = tpu.memref_slice %arg6[%dma_wait3A_1082, %dma_wait3A_1086] : memref<8x128xi32, #tpu.memory_space<vmem>> -> memref<1x128xi32, #tpu.memory_space<vmem>>
      %dma_wait3A_1088 = tpu.memref_squeeze %dma_wait3A_1087 : memref<1x128xi32, #tpu.memory_space<vmem>> -> memref<128xi32, #tpu.memory_space<vmem>>
      %dma_wait3A_1089 = arith.constant 0 : i32
      %dma_wait3A_1090 = arith.constant 0 : i32
      %dma_wait3A_1091 = tpu.memref_slice %arg2[%dma_wait3A_1089, %dma_wait3A_1090] : memref<65536x32xf32, #tpu.memory_space<hbm>> -> memref<65536x32xf32, #tpu.memory_space<hbm>>
      tpu.wait_indirect_dma semaphore(%arg9 : memref<!tpu.dma_semaphore, #tpu.memory_space<semaphore_mem>>) src(%dma_wait3A_1091 : memref<65536x32xf32, #tpu.memory_space<hbm>>) dst(%dma_wait3A_1085 : memref<128x32xf32, #tpu.memory_space<vmem>>)
      %dma_wait3A_1092 = arith.constant 3 : i32
      %dma_wait3A_1093 = arith.constant 384 : i32
      %dma_wait3A_1094 = arith.constant 0 : i32
      %dma_wait3A_1095 = tpu.memref_slice %arg7[%dma_wait3A_1093, %dma_wait3A_1094] : memref<1024x32xf32, #tpu.memory_space<vmem>> -> memref<128x32xf32, #tpu.memory_space<vmem>>
      %dma_wait3A_1096 = arith.constant 0 : i32
      %dma_wait3A_1097 = tpu.memref_slice %arg6[%dma_wait3A_1092, %dma_wait3A_1096] : memref<8x128xi32, #tpu.memory_space<vmem>> -> memref<1x128xi32, #tpu.memory_space<vmem>>
      %dma_wait3A_1098 = tpu.memref_squeeze %dma_wait3A_1097 : memref<1x128xi32, #tpu.memory_space<vmem>> -> memref<128xi32, #tpu.memory_space<vmem>>
      %dma_wait3A_1099 = arith.constant 0 : i32
      %dma_wait3A_1100 = arith.constant 0 : i32
      %dma_wait3A_1101 = tpu.memref_slice %arg2[%dma_wait3A_1099, %dma_wait3A_1100] : memref<65536x32xf32, #tpu.memory_space<hbm>> -> memref<65536x32xf32, #tpu.memory_space<hbm>>
      tpu.wait_indirect_dma semaphore(%arg9 : memref<!tpu.dma_semaphore, #tpu.memory_space<semaphore_mem>>) src(%dma_wait3A_1101 : memref<65536x32xf32, #tpu.memory_space<hbm>>) dst(%dma_wait3A_1095 : memref<128x32xf32, #tpu.memory_space<vmem>>)
      %dma_wait3A_1102 = arith.constant 4 : i32
      %dma_wait3A_1103 = arith.constant 512 : i32
      %dma_wait3A_1104 = arith.constant 0 : i32
      %dma_wait3A_1105 = tpu.memref_slice %arg7[%dma_wait3A_1103, %dma_wait3A_1104] : memref<1024x32xf32, #tpu.memory_space<vmem>> -> memref<128x32xf32, #tpu.memory_space<vmem>>
      %dma_wait3A_1106 = arith.constant 0 : i32
      %dma_wait3A_1107 = tpu.memref_slice %arg6[%dma_wait3A_1102, %dma_wait3A_1106] : memref<8x128xi32, #tpu.memory_space<vmem>> -> memref<1x128xi32, #tpu.memory_space<vmem>>
      %dma_wait3A_1108 = tpu.memref_squeeze %dma_wait3A_1107 : memref<1x128xi32, #tpu.memory_space<vmem>> -> memref<128xi32, #tpu.memory_space<vmem>>
      %dma_wait3A_1109 = arith.constant 0 : i32
      %dma_wait3A_1110 = arith.constant 0 : i32
      %dma_wait3A_1111 = tpu.memref_slice %arg2[%dma_wait3A_1109, %dma_wait3A_1110] : memref<65536x32xf32, #tpu.memory_space<hbm>> -> memref<65536x32xf32, #tpu.memory_space<hbm>>
      tpu.wait_indirect_dma semaphore(%arg9 : memref<!tpu.dma_semaphore, #tpu.memory_space<semaphore_mem>>) src(%dma_wait3A_1111 : memref<65536x32xf32, #tpu.memory_space<hbm>>) dst(%dma_wait3A_1105 : memref<128x32xf32, #tpu.memory_space<vmem>>)
      %dma_wait3A_1112 = arith.constant 5 : i32
      %dma_wait3A_1113 = arith.constant 640 : i32
      %dma_wait3A_1114 = arith.constant 0 : i32
      %dma_wait3A_1115 = tpu.memref_slice %arg7[%dma_wait3A_1113, %dma_wait3A_1114] : memref<1024x32xf32, #tpu.memory_space<vmem>> -> memref<128x32xf32, #tpu.memory_space<vmem>>
      %dma_wait3A_1116 = arith.constant 0 : i32
      %dma_wait3A_1117 = tpu.memref_slice %arg6[%dma_wait3A_1112, %dma_wait3A_1116] : memref<8x128xi32, #tpu.memory_space<vmem>> -> memref<1x128xi32, #tpu.memory_space<vmem>>
      %dma_wait3A_1118 = tpu.memref_squeeze %dma_wait3A_1117 : memref<1x128xi32, #tpu.memory_space<vmem>> -> memref<128xi32, #tpu.memory_space<vmem>>
      %dma_wait3A_1119 = arith.constant 0 : i32
      %dma_wait3A_1120 = arith.constant 0 : i32
      %dma_wait3A_1121 = tpu.memref_slice %arg2[%dma_wait3A_1119, %dma_wait3A_1120] : memref<65536x32xf32, #tpu.memory_space<hbm>> -> memref<65536x32xf32, #tpu.memory_space<hbm>>
      tpu.wait_indirect_dma semaphore(%arg9 : memref<!tpu.dma_semaphore, #tpu.memory_space<semaphore_mem>>) src(%dma_wait3A_1121 : memref<65536x32xf32, #tpu.memory_space<hbm>>) dst(%dma_wait3A_1115 : memref<128x32xf32, #tpu.memory_space<vmem>>)
      %dma_wait3A_1122 = arith.constant 6 : i32
      %dma_wait3A_1123 = arith.constant 768 : i32
      %dma_wait3A_1124 = arith.constant 0 : i32
      %dma_wait3A_1125 = tpu.memref_slice %arg7[%dma_wait3A_1123, %dma_wait3A_1124] : memref<1024x32xf32, #tpu.memory_space<vmem>> -> memref<128x32xf32, #tpu.memory_space<vmem>>
      %dma_wait3A_1126 = arith.constant 0 : i32
      %dma_wait3A_1127 = tpu.memref_slice %arg6[%dma_wait3A_1122, %dma_wait3A_1126] : memref<8x128xi32, #tpu.memory_space<vmem>> -> memref<1x128xi32, #tpu.memory_space<vmem>>
      %dma_wait3A_1128 = tpu.memref_squeeze %dma_wait3A_1127 : memref<1x128xi32, #tpu.memory_space<vmem>> -> memref<128xi32, #tpu.memory_space<vmem>>
      %dma_wait3A_1129 = arith.constant 0 : i32
      %dma_wait3A_1130 = arith.constant 0 : i32
      %dma_wait3A_1131 = tpu.memref_slice %arg2[%dma_wait3A_1129, %dma_wait3A_1130] : memref<65536x32xf32, #tpu.memory_space<hbm>> -> memref<65536x32xf32, #tpu.memory_space<hbm>>
      tpu.wait_indirect_dma semaphore(%arg9 : memref<!tpu.dma_semaphore, #tpu.memory_space<semaphore_mem>>) src(%dma_wait3A_1131 : memref<65536x32xf32, #tpu.memory_space<hbm>>) dst(%dma_wait3A_1125 : memref<128x32xf32, #tpu.memory_space<vmem>>)
      %dma_wait3A_1132 = arith.constant 7 : i32
      %dma_wait3A_1133 = arith.constant 896 : i32
      %dma_wait3A_1134 = arith.constant 0 : i32
      %dma_wait3A_1135 = tpu.memref_slice %arg7[%dma_wait3A_1133, %dma_wait3A_1134] : memref<1024x32xf32, #tpu.memory_space<vmem>> -> memref<128x32xf32, #tpu.memory_space<vmem>>
      %dma_wait3A_1136 = arith.constant 0 : i32
      %dma_wait3A_1137 = tpu.memref_slice %arg6[%dma_wait3A_1132, %dma_wait3A_1136] : memref<8x128xi32, #tpu.memory_space<vmem>> -> memref<1x128xi32, #tpu.memory_space<vmem>>
      %dma_wait3A_1138 = tpu.memref_squeeze %dma_wait3A_1137 : memref<1x128xi32, #tpu.memory_space<vmem>> -> memref<128xi32, #tpu.memory_space<vmem>>
      %dma_wait3A_1139 = arith.constant 0 : i32
      %dma_wait3A_1140 = arith.constant 0 : i32
      %dma_wait3A_1141 = tpu.memref_slice %arg2[%dma_wait3A_1139, %dma_wait3A_1140] : memref<65536x32xf32, #tpu.memory_space<hbm>> -> memref<65536x32xf32, #tpu.memory_space<hbm>>
      tpu.wait_indirect_dma semaphore(%arg9 : memref<!tpu.dma_semaphore, #tpu.memory_space<semaphore_mem>>) src(%dma_wait3A_1141 : memref<65536x32xf32, #tpu.memory_space<hbm>>) dst(%dma_wait3A_1135 : memref<128x32xf32, #tpu.memory_space<vmem>>)
      %scan3A_1142 = arith.constant 0 : i32
      %scan3A_1143 = arith.constant 0 : i32
      %scan3A_1144 = arith.constant 64 : i32
      %scan3A_1145 = arith.addi %scan3A_1143, %scan3A_1144 : i32
      %scan3A_1146 = arith.constant 1 : i32
      scf.for %scan3A_1148 = %scan3A_1143 to %scan3A_1145 step %scan3A_1146  : i32 {
        %mul3A_1149 = arith.constant 16 : i32
        %mul3A_1150 = arith.muli %scan3A_1148, %mul3A_1149 : i32
        %get3A_1151 = arith.index_cast %mul3A_1150 : i32 to index
        %get3A_1152 = arith.constant 0 : index
        %get3A_1153 = tpu.vector_load %arg7[%get3A_1151, %get3A_1152] {strides = array<i32>} : memref<1024x32xf32, #tpu.memory_space<vmem>>, vector<1x16xf32>,
        %get3A_1154 = vector.shape_cast %get3A_1153 : vector<1x16xf32> to vector<16xf32>
        %get3A_1155 = arith.index_cast %mul3A_1150 : i32 to index
        %get3A_1156 = arith.constant 16 : index
        %get3A_1157 = tpu.vector_load %arg7[%get3A_1155, %get3A_1156] {strides = array<i32>} : memref<1024x32xf32, #tpu.memory_space<vmem>>, vector<1x16xf32>,
        %get3A_1158 = vector.shape_cast %get3A_1157 : vector<1x16xf32> to vector<16xf32>
        %add3A_1159 = arith.constant 1 : i32
        %add3A_1160 = arith.addi %mul3A_1150, %add3A_1159 : i32
        %get3A_1161 = arith.index_cast %add3A_1160 : i32 to index
        %get3A_1162 = arith.constant 0 : index
        %get3A_1163 = tpu.vector_load %arg7[%get3A_1161, %get3A_1162] {strides = array<i32>} : memref<1024x32xf32, #tpu.memory_space<vmem>>, vector<1x16xf32>,
        %get3A_1164 = vector.shape_cast %get3A_1163 : vector<1x16xf32> to vector<16xf32>
        %add3A_1165 = arith.addf %get3A_1154, %get3A_1164 : vector<16xf32>
        %add3A_1166 = arith.constant 1 : i32
        %add3A_1167 = arith.addi %mul3A_1150, %add3A_1166 : i32
        %get3A_1168 = arith.index_cast %add3A_1167 : i32 to index
        %get3A_1169 = arith.constant 16 : index
        %get3A_1170 = tpu.vector_load %arg7[%get3A_1168, %get3A_1169] {strides = array<i32>} : memref<1024x32xf32, #tpu.memory_space<vmem>>, vector<1x16xf32>,
        %get3A_1171 = vector.shape_cast %get3A_1170 : vector<1x16xf32> to vector<16xf32>
        %add3A_1172 = arith.addf %get3A_1158, %get3A_1171 : vector<16xf32>
        %add3A_1173 = arith.constant 2 : i32
        %add3A_1174 = arith.addi %mul3A_1150, %add3A_1173 : i32
        %get3A_1175 = arith.index_cast %add3A_1174 : i32 to index
        %get3A_1176 = arith.constant 0 : index
        %get3A_1177 = tpu.vector_load %arg7[%get3A_1175, %get3A_1176] {strides = array<i32>} : memref<1024x32xf32, #tpu.memory_space<vmem>>, vector<1x16xf32>,
        %get3A_1178 = vector.shape_cast %get3A_1177 : vector<1x16xf32> to vector<16xf32>
        %add3A_1179 = arith.addf %add3A_1165, %get3A_1178 : vector<16xf32>
        %add3A_1180 = arith.constant 2 : i32
        %add3A_1181 = arith.addi %mul3A_1150, %add3A_1180 : i32
        %get3A_1182 = arith.index_cast %add3A_1181 : i32 to index
        %get3A_1183 = arith.constant 16 : index
        %get3A_1184 = tpu.vector_load %arg7[%get3A_1182, %get3A_1183] {strides = array<i32>} : memref<1024x32xf32, #tpu.memory_space<vmem>>, vector<1x16xf32>,
        %get3A_1185 = vector.shape_cast %get3A_1184 : vector<1x16xf32> to vector<16xf32>
        %add3A_1186 = arith.addf %add3A_1172, %get3A_1185 : vector<16xf32>
        %add3A_1187 = arith.constant 3 : i32
        %add3A_1188 = arith.addi %mul3A_1150, %add3A_1187 : i32
        %get3A_1189 = arith.index_cast %add3A_1188 : i32 to index
        %get3A_1190 = arith.constant 0 : index
        %get3A_1191 = tpu.vector_load %arg7[%get3A_1189, %get3A_1190] {strides = array<i32>} : memref<1024x32xf32, #tpu.memory_space<vmem>>, vector<1x16xf32>,
        %get3A_1192 = vector.shape_cast %get3A_1191 : vector<1x16xf32> to vector<16xf32>
        %add3A_1193 = arith.addf %add3A_1179, %get3A_1192 : vector<16xf32>
        %add3A_1194 = arith.constant 3 : i32
        %add3A_1195 = arith.addi %mul3A_1150, %add3A_1194 : i32
        %get3A_1196 = arith.index_cast %add3A_1195 : i32 to index
        %get3A_1197 = arith.constant 16 : index
        %get3A_1198 = tpu.vector_load %arg7[%get3A_1196, %get3A_1197] {strides = array<i32>} : memref<1024x32xf32, #tpu.memory_space<vmem>>, vector<1x16xf32>,
        %get3A_1199 = vector.shape_cast %get3A_1198 : vector<1x16xf32> to vector<16xf32>
        %add3A_1200 = arith.addf %add3A_1186, %get3A_1199 : vector<16xf32>
        %add3A_1201 = arith.constant 4 : i32
        %add3A_1202 = arith.addi %mul3A_1150, %add3A_1201 : i32
        %get3A_1203 = arith.index_cast %add3A_1202 : i32 to index
        %get3A_1204 = arith.constant 0 : index
        %get3A_1205 = tpu.vector_load %arg7[%get3A_1203, %get3A_1204] {strides = array<i32>} : memref<1024x32xf32, #tpu.memory_space<vmem>>, vector<1x16xf32>,
        %get3A_1206 = vector.shape_cast %get3A_1205 : vector<1x16xf32> to vector<16xf32>
        %add3A_1207 = arith.addf %add3A_1193, %get3A_1206 : vector<16xf32>
        %add3A_1208 = arith.constant 4 : i32
        %add3A_1209 = arith.addi %mul3A_1150, %add3A_1208 : i32
        %get3A_1210 = arith.index_cast %add3A_1209 : i32 to index
        %get3A_1211 = arith.constant 16 : index
        %get3A_1212 = tpu.vector_load %arg7[%get3A_1210, %get3A_1211] {strides = array<i32>} : memref<1024x32xf32, #tpu.memory_space<vmem>>, vector<1x16xf32>,
        %get3A_1213 = vector.shape_cast %get3A_1212 : vector<1x16xf32> to vector<16xf32>
        %add3A_1214 = arith.addf %add3A_1200, %get3A_1213 : vector<16xf32>
        %add3A_1215 = arith.constant 5 : i32
        %add3A_1216 = arith.addi %mul3A_1150, %add3A_1215 : i32
        %get3A_1217 = arith.index_cast %add3A_1216 : i32 to index
        %get3A_1218 = arith.constant 0 : index
        %get3A_1219 = tpu.vector_load %arg7[%get3A_1217, %get3A_1218] {strides = array<i32>} : memref<1024x32xf32, #tpu.memory_space<vmem>>, vector<1x16xf32>,
        %get3A_1220 = vector.shape_cast %get3A_1219 : vector<1x16xf32> to vector<16xf32>
        %add3A_1221 = arith.addf %add3A_1207, %get3A_1220 : vector<16xf32>
        %add3A_1222 = arith.constant 5 : i32
        %add3A_1223 = arith.addi %mul3A_1150, %add3A_1222 : i32
        %get3A_1224 = arith.index_cast %add3A_1223 : i32 to index
        %get3A_1225 = arith.constant 16 : index
        %get3A_1226 = tpu.vector_load %arg7[%get3A_1224, %get3A_1225] {strides = array<i32>} : memref<1024x32xf32, #tpu.memory_space<vmem>>, vector<1x16xf32>,
        %get3A_1227 = vector.shape_cast %get3A_1226 : vector<1x16xf32> to vector<16xf32>
        %add3A_1228 = arith.addf %add3A_1214, %get3A_1227 : vector<16xf32>
        %add3A_1229 = arith.constant 6 : i32
        %add3A_1230 = arith.addi %mul3A_1150, %add3A_1229 : i32
        %get3A_1231 = arith.index_cast %add3A_1230 : i32 to index
        %get3A_1232 = arith.constant 0 : index
        %get3A_1233 = tpu.vector_load %arg7[%get3A_1231, %get3A_1232] {strides = array<i32>} : memref<1024x32xf32, #tpu.memory_space<vmem>>, vector<1x16xf32>,
        %get3A_1234 = vector.shape_cast %get3A_1233 : vector<1x16xf32> to vector<16xf32>
        %add3A_1235 = arith.addf %add3A_1221, %get3A_1234 : vector<16xf32>
        %add3A_1236 = arith.constant 6 : i32
        %add3A_1237 = arith.addi %mul3A_1150, %add3A_1236 : i32
        %get3A_1238 = arith.index_cast %add3A_1237 : i32 to index
        %get3A_1239 = arith.constant 16 : index
        %get3A_1240 = tpu.vector_load %arg7[%get3A_1238, %get3A_1239] {strides = array<i32>} : memref<1024x32xf32, #tpu.memory_space<vmem>>, vector<1x16xf32>,
        %get3A_1241 = vector.shape_cast %get3A_1240 : vector<1x16xf32> to vector<16xf32>
        %add3A_1242 = arith.addf %add3A_1228, %get3A_1241 : vector<16xf32>
        %add3A_1243 = arith.constant 7 : i32
        %add3A_1244 = arith.addi %mul3A_1150, %add3A_1243 : i32
        %get3A_1245 = arith.index_cast %add3A_1244 : i32 to index
        %get3A_1246 = arith.constant 0 : index
        %get3A_1247 = tpu.vector_load %arg7[%get3A_1245, %get3A_1246] {strides = array<i32>} : memref<1024x32xf32, #tpu.memory_space<vmem>>, vector<1x16xf32>,
        %get3A_1248 = vector.shape_cast %get3A_1247 : vector<1x16xf32> to vector<16xf32>
        %add3A_1249 = arith.addf %add3A_1235, %get3A_1248 : vector<16xf32>
        %add3A_1250 = arith.constant 7 : i32
        %add3A_1251 = arith.addi %mul3A_1150, %add3A_1250 : i32
        %get3A_1252 = arith.index_cast %add3A_1251 : i32 to index
        %get3A_1253 = arith.constant 16 : index
        %get3A_1254 = tpu.vector_load %arg7[%get3A_1252, %get3A_1253] {strides = array<i32>} : memref<1024x32xf32, #tpu.memory_space<vmem>>, vector<1x16xf32>,
        %get3A_1255 = vector.shape_cast %get3A_1254 : vector<1x16xf32> to vector<16xf32>
        %add3A_1256 = arith.addf %add3A_1242, %get3A_1255 : vector<16xf32>
        %add3A_1257 = arith.constant 8 : i32
        %add3A_1258 = arith.addi %mul3A_1150, %add3A_1257 : i32
        %get3A_1259 = arith.index_cast %add3A_1258 : i32 to index
        %get3A_1260 = arith.constant 0 : index
        %get3A_1261 = tpu.vector_load %arg7[%get3A_1259, %get3A_1260] {strides = array<i32>} : memref<1024x32xf32, #tpu.memory_space<vmem>>, vector<1x16xf32>,
        %get3A_1262 = vector.shape_cast %get3A_1261 : vector<1x16xf32> to vector<16xf32>
        %add3A_1263 = arith.addf %add3A_1249, %get3A_1262 : vector<16xf32>
        %add3A_1264 = arith.constant 8 : i32
        %add3A_1265 = arith.addi %mul3A_1150, %add3A_1264 : i32
        %get3A_1266 = arith.index_cast %add3A_1265 : i32 to index
        %get3A_1267 = arith.constant 16 : index
        %get3A_1268 = tpu.vector_load %arg7[%get3A_1266, %get3A_1267] {strides = array<i32>} : memref<1024x32xf32, #tpu.memory_space<vmem>>, vector<1x16xf32>,
        %get3A_1269 = vector.shape_cast %get3A_1268 : vector<1x16xf32> to vector<16xf32>
        %add3A_1270 = arith.addf %add3A_1256, %get3A_1269 : vector<16xf32>
        %add3A_1271 = arith.constant 9 : i32
        %add3A_1272 = arith.addi %mul3A_1150, %add3A_1271 : i32
        %get3A_1273 = arith.index_cast %add3A_1272 : i32 to index
        %get3A_1274 = arith.constant 0 : index
        %get3A_1275 = tpu.vector_load %arg7[%get3A_1273, %get3A_1274] {strides = array<i32>} : memref<1024x32xf32, #tpu.memory_space<vmem>>, vector<1x16xf32>,
        %get3A_1276 = vector.shape_cast %get3A_1275 : vector<1x16xf32> to vector<16xf32>
        %add3A_1277 = arith.addf %add3A_1263, %get3A_1276 : vector<16xf32>
        %add3A_1278 = arith.constant 9 : i32
        %add3A_1279 = arith.addi %mul3A_1150, %add3A_1278 : i32
        %get3A_1280 = arith.index_cast %add3A_1279 : i32 to index
        %get3A_1281 = arith.constant 16 : index
        %get3A_1282 = tpu.vector_load %arg7[%get3A_1280, %get3A_1281] {strides = array<i32>} : memref<1024x32xf32, #tpu.memory_space<vmem>>, vector<1x16xf32>,
        %get3A_1283 = vector.shape_cast %get3A_1282 : vector<1x16xf32> to vector<16xf32>
        %add3A_1284 = arith.addf %add3A_1270, %get3A_1283 : vector<16xf32>
        %add3A_1285 = arith.constant 10 : i32
        %add3A_1286 = arith.addi %mul3A_1150, %add3A_1285 : i32
        %get3A_1287 = arith.index_cast %add3A_1286 : i32 to index
        %get3A_1288 = arith.constant 0 : index
        %get3A_1289 = tpu.vector_load %arg7[%get3A_1287, %get3A_1288] {strides = array<i32>} : memref<1024x32xf32, #tpu.memory_space<vmem>>, vector<1x16xf32>,
        %get3A_1290 = vector.shape_cast %get3A_1289 : vector<1x16xf32> to vector<16xf32>
        %add3A_1291 = arith.addf %add3A_1277, %get3A_1290 : vector<16xf32>
        %add3A_1292 = arith.constant 10 : i32
        %add3A_1293 = arith.addi %mul3A_1150, %add3A_1292 : i32
        %get3A_1294 = arith.index_cast %add3A_1293 : i32 to index
        %get3A_1295 = arith.constant 16 : index
        %get3A_1296 = tpu.vector_load %arg7[%get3A_1294, %get3A_1295] {strides = array<i32>} : memref<1024x32xf32, #tpu.memory_space<vmem>>, vector<1x16xf32>,
        %get3A_1297 = vector.shape_cast %get3A_1296 : vector<1x16xf32> to vector<16xf32>
        %add3A_1298 = arith.addf %add3A_1284, %get3A_1297 : vector<16xf32>
        %add3A_1299 = arith.constant 11 : i32
        %add3A_1300 = arith.addi %mul3A_1150, %add3A_1299 : i32
        %get3A_1301 = arith.index_cast %add3A_1300 : i32 to index
        %get3A_1302 = arith.constant 0 : index
        %get3A_1303 = tpu.vector_load %arg7[%get3A_1301, %get3A_1302] {strides = array<i32>} : memref<1024x32xf32, #tpu.memory_space<vmem>>, vector<1x16xf32>,
        %get3A_1304 = vector.shape_cast %get3A_1303 : vector<1x16xf32> to vector<16xf32>
        %add3A_1305 = arith.addf %add3A_1291, %get3A_1304 : vector<16xf32>
        %add3A_1306 = arith.constant 11 : i32
        %add3A_1307 = arith.addi %mul3A_1150, %add3A_1306 : i32
        %get3A_1308 = arith.index_cast %add3A_1307 : i32 to index
        %get3A_1309 = arith.constant 16 : index
        %get3A_1310 = tpu.vector_load %arg7[%get3A_1308, %get3A_1309] {strides = array<i32>} : memref<1024x32xf32, #tpu.memory_space<vmem>>, vector<1x16xf32>,
        %get3A_1311 = vector.shape_cast %get3A_1310 : vector<1x16xf32> to vector<16xf32>
        %add3A_1312 = arith.addf %add3A_1298, %get3A_1311 : vector<16xf32>
        %add3A_1313 = arith.constant 12 : i32
        %add3A_1314 = arith.addi %mul3A_1150, %add3A_1313 : i32
        %get3A_1315 = arith.index_cast %add3A_1314 : i32 to index
        %get3A_1316 = arith.constant 0 : index
        %get3A_1317 = tpu.vector_load %arg7[%get3A_1315, %get3A_1316] {strides = array<i32>} : memref<1024x32xf32, #tpu.memory_space<vmem>>, vector<1x16xf32>,
        %get3A_1318 = vector.shape_cast %get3A_1317 : vector<1x16xf32> to vector<16xf32>
        %add3A_1319 = arith.addf %add3A_1305, %get3A_1318 : vector<16xf32>
        %add3A_1320 = arith.constant 12 : i32
        %add3A_1321 = arith.addi %mul3A_1150, %add3A_1320 : i32
        %get3A_1322 = arith.index_cast %add3A_1321 : i32 to index
        %get3A_1323 = arith.constant 16 : index
        %get3A_1324 = tpu.vector_load %arg7[%get3A_1322, %get3A_1323] {strides = array<i32>} : memref<1024x32xf32, #tpu.memory_space<vmem>>, vector<1x16xf32>,
        %get3A_1325 = vector.shape_cast %get3A_1324 : vector<1x16xf32> to vector<16xf32>
        %add3A_1326 = arith.addf %add3A_1312, %get3A_1325 : vector<16xf32>
        %add3A_1327 = arith.constant 13 : i32
        %add3A_1328 = arith.addi %mul3A_1150, %add3A_1327 : i32
        %get3A_1329 = arith.index_cast %add3A_1328 : i32 to index
        %get3A_1330 = arith.constant 0 : index
        %get3A_1331 = tpu.vector_load %arg7[%get3A_1329, %get3A_1330] {strides = array<i32>} : memref<1024x32xf32, #tpu.memory_space<vmem>>, vector<1x16xf32>,
        %get3A_1332 = vector.shape_cast %get3A_1331 : vector<1x16xf32> to vector<16xf32>
        %add3A_1333 = arith.addf %add3A_1319, %get3A_1332 : vector<16xf32>
        %add3A_1334 = arith.constant 13 : i32
        %add3A_1335 = arith.addi %mul3A_1150, %add3A_1334 : i32
        %get3A_1336 = arith.index_cast %add3A_1335 : i32 to index
        %get3A_1337 = arith.constant 16 : index
        %get3A_1338 = tpu.vector_load %arg7[%get3A_1336, %get3A_1337] {strides = array<i32>} : memref<1024x32xf32, #tpu.memory_space<vmem>>, vector<1x16xf32>,
        %get3A_1339 = vector.shape_cast %get3A_1338 : vector<1x16xf32> to vector<16xf32>
        %add3A_1340 = arith.addf %add3A_1326, %get3A_1339 : vector<16xf32>
        %add3A_1341 = arith.constant 14 : i32
        %add3A_1342 = arith.addi %mul3A_1150, %add3A_1341 : i32
        %get3A_1343 = arith.index_cast %add3A_1342 : i32 to index
        %get3A_1344 = arith.constant 0 : index
        %get3A_1345 = tpu.vector_load %arg7[%get3A_1343, %get3A_1344] {strides = array<i32>} : memref<1024x32xf32, #tpu.memory_space<vmem>>, vector<1x16xf32>,
        %get3A_1346 = vector.shape_cast %get3A_1345 : vector<1x16xf32> to vector<16xf32>
        %add3A_1347 = arith.addf %add3A_1333, %get3A_1346 : vector<16xf32>
        %add3A_1348 = arith.constant 14 : i32
        %add3A_1349 = arith.addi %mul3A_1150, %add3A_1348 : i32
        %get3A_1350 = arith.index_cast %add3A_1349 : i32 to index
        %get3A_1351 = arith.constant 16 : index
        %get3A_1352 = tpu.vector_load %arg7[%get3A_1350, %get3A_1351] {strides = array<i32>} : memref<1024x32xf32, #tpu.memory_space<vmem>>, vector<1x16xf32>,
        %get3A_1353 = vector.shape_cast %get3A_1352 : vector<1x16xf32> to vector<16xf32>
        %add3A_1354 = arith.addf %add3A_1340, %get3A_1353 : vector<16xf32>
        %add3A_1355 = arith.constant 15 : i32
        %add3A_1356 = arith.addi %mul3A_1150, %add3A_1355 : i32
        %get3A_1357 = arith.index_cast %add3A_1356 : i32 to index
        %get3A_1358 = arith.constant 0 : index
        %get3A_1359 = tpu.vector_load %arg7[%get3A_1357, %get3A_1358] {strides = array<i32>} : memref<1024x32xf32, #tpu.memory_space<vmem>>, vector<1x16xf32>,
        %get3A_1360 = vector.shape_cast %get3A_1359 : vector<1x16xf32> to vector<16xf32>
        %add3A_1361 = arith.addf %add3A_1347, %get3A_1360 : vector<16xf32>
        %add3A_1362 = arith.constant 15 : i32
        %add3A_1363 = arith.addi %mul3A_1150, %add3A_1362 : i32
        %get3A_1364 = arith.index_cast %add3A_1363 : i32 to index
        %get3A_1365 = arith.constant 16 : index
        %get3A_1366 = tpu.vector_load %arg7[%get3A_1364, %get3A_1365] {strides = array<i32>} : memref<1024x32xf32, #tpu.memory_space<vmem>>, vector<1x16xf32>,
        %get3A_1367 = vector.shape_cast %get3A_1366 : vector<1x16xf32> to vector<16xf32>
        %add3A_1368 = arith.addf %add3A_1354, %get3A_1367 : vector<16xf32>
        %swap3A_1369 = arith.index_cast %scan3A_1148 : i32 to index
        %swap3A_1370 = arith.constant 0 : index
        %swap3A_1371 = tpu.vector_load %arg8[%swap3A_1369, %swap3A_1370] {strides = array<i32>} : memref<64x32xf32, #tpu.memory_space<vmem>>, vector<1x16xf32>,
        %swap3A_1372 = vector.shape_cast %swap3A_1371 : vector<1x16xf32> to vector<16xf32>
        %swap3A_1373 = vector.shape_cast %add3A_1361 : vector<16xf32> to vector<1x16xf32>
        tpu.vector_store %arg8[%swap3A_1369, %swap3A_1370], %swap3A_1373 {strides = array<i32>} : memref<64x32xf32, #tpu.memory_space<vmem>>, vector<1x16xf32>,
        %swap3A_1374 = arith.index_cast %scan3A_1148 : i32 to index
        %swap3A_1375 = arith.constant 16 : index
        %swap3A_1376 = tpu.vector_load %arg8[%swap3A_1374, %swap3A_1375] {strides = array<i32>} : memref<64x32xf32, #tpu.memory_space<vmem>>, vector<1x16xf32>,
        %swap3A_1377 = vector.shape_cast %swap3A_1376 : vector<1x16xf32> to vector<16xf32>
        %swap3A_1378 = vector.shape_cast %add3A_1368 : vector<16xf32> to vector<1x16xf32>
        tpu.vector_store %arg8[%swap3A_1374, %swap3A_1375], %swap3A_1378 {strides = array<i32>} : memref<64x32xf32, #tpu.memory_space<vmem>>, vector<1x16xf32>,
      }
      %scan3A_1147 = arith.constant 64 : i32
      "tpu.region"() ({
        %run_scoped3A = tpu.sem_alloc : memref<!tpu.dma_semaphore, #tpu.memory_space<semaphore_mem>>
        %dma_start3A_1148 = arith.constant 0 : i32
        %dma_start3A_1149 = tpu.memref_slice %arg4[%add3A_25, %dma_start3A_1148] : memref<16384x32xf32, #tpu.memory_space<hbm>> -> memref<64x32xf32, #tpu.memory_space<hbm>>
        %dma_start3A_1150 = arith.constant 0 : i32
        %dma_start3A_1151 = tpu.memref_slice %arg4[%add3A_25, %dma_start3A_1150] : memref<16384x32xf32, #tpu.memory_space<hbm>> -> memref<64x32xf32, #tpu.memory_space<hbm>>
        tpu.enqueue_dma source(%arg8 : memref<64x32xf32, #tpu.memory_space<vmem>>) target(%dma_start3A_1151 : memref<64x32xf32, #tpu.memory_space<hbm>>) target_semaphore(%run_scoped3A : memref<!tpu.dma_semaphore, #tpu.memory_space<semaphore_mem>>)
        %dma_wait3A_1152 = arith.constant 0 : i32
        %dma_wait3A_1153 = tpu.memref_slice %arg4[%add3A_25, %dma_wait3A_1152] : memref<16384x32xf32, #tpu.memory_space<hbm>> -> memref<64x32xf32, #tpu.memory_space<hbm>>
        %dma_wait3A_1154 = arith.constant 0 : i32
        %dma_wait3A_1155 = tpu.memref_slice %arg4[%add3A_25, %dma_wait3A_1154] : memref<16384x32xf32, #tpu.memory_space<hbm>> -> memref<64x32xf32, #tpu.memory_space<hbm>>
        tpu.wait_dma2 semaphore(%run_scoped3A : memref<!tpu.dma_semaphore, #tpu.memory_space<semaphore_mem>>) src(%arg8 : memref<64x32xf32, #tpu.memory_space<vmem>>) dst(%dma_wait3A_1155 : memref<64x32xf32, #tpu.memory_space<hbm>>)
        tpu.yield
      }) : () -> ()
    }
    %scan3A_21 = arith.constant 8 : i32
    return
  }
}

module attributes {stable_mosaic.version = 14 : i64} {
  func.func @_topk_body(%arg0: i32, %arg1: i32, %arg2: i32, %arg3: memref<1x1x256x32xf32, #tpu.memory_space<vmem>>, %arg4: memref<1x1x4096x32xf32, #tpu.memory_space<vmem>>, %arg5: memref<1x1x256x16xi32, #tpu.memory_space<vmem>>, %arg6: memref<1x1x256x144xf32, #tpu.memory_space<vmem>>, %arg7: memref<1x1x256x144xf32, #tpu.memory_space<vmem>>) attributes {dimension_semantics = [#tpu.dimension_semantics<arbitrary>, #tpu.dimension_semantics<arbitrary>, #tpu.dimension_semantics<arbitrary>], iteration_bounds = array<i64: 2, 8, 4>, scalar_prefetch = 0 : i64, scratch_operands = 0 : i64, tpu.core_type = #tpu.core_type<tc>, window_params = [{transform_indices = @transform_0, window_bounds = array<i64: 1, 1, 256, 32>}, {transform_indices = @transform_1, window_bounds = array<i64: 1, 1, 4096, 32>}, {transform_indices = @transform_2, window_bounds = array<i64: 1, 1, 256, 16>}, {transform_indices = @transform_3, window_bounds = array<i64: 1, 1, 256, 144>}, {transform_indices = @transform_4, window_bounds = array<i64: 1, 1, 256, 144>}]} {
    %get3A = arith.constant 0 : index
    %get3A_0 = arith.constant 0 : index
    %get3A_1 = arith.constant 0 : index
    %get3A_2 = arith.constant 0 : index
    %get3A_3 = vector.load %arg3[%get3A, %get3A_0, %get3A_1, %get3A_2] : memref<1x1x256x32xf32, #tpu.memory_space<vmem>>, vector<1x1x256x32xf32>
    %get3A_4 = vector.shape_cast %get3A_3 : vector<1x1x256x32xf32> to vector<256x32xf32>
    %get3A_5 = arith.constant 0 : index
    %get3A_6 = arith.constant 0 : index
    %get3A_7 = arith.constant 0 : index
    %get3A_8 = arith.constant 0 : index
    %get3A_9 = vector.load %arg4[%get3A_5, %get3A_6, %get3A_7, %get3A_8] : memref<1x1x4096x32xf32, #tpu.memory_space<vmem>>, vector<1x1x4096x32xf32>
    %get3A_10 = vector.shape_cast %get3A_9 : vector<1x1x4096x32xf32> to vector<4096x32xf32>
    %dot_general3A = arith.constant dense<0.000000e+00> : vector<256x4096xf32>
    %dot_general3A_11 = tpu.matmul %get3A_4, %get3A_10, %dot_general3A {dimension_numbers = #tpu.dot_dimension_numbers<[1], [1], [0], [0], [0, 0, 1, 0], [], []>, transpose_lhs_hint = false} : vector<256x32xf32>, vector<4096x32xf32>, vector<256x4096xf32> -> vector<256x4096xf32>
    %iota3A = tpu.iota {dimensions = array<i32: 1>} : vector<256x1024xi32>
    %slice3A = vector.extract_strided_slice %dot_general3A_11 {offsets = [0, 0], sizes = [256, 1024], strides = [1, 1]} : vector<256x4096xf32> to vector<256x1024xf32>
    %reduce_max3A = arith.constant dense<0xFF800000> : vector<256xf32>
    %reduce_max3A_12 = vector.multi_reduction <maximumf>, %slice3A, %reduce_max3A [1] : vector<256x1024xf32> to vector<256xf32>
    %broadcast_in_dim3A = vector.shape_cast %reduce_max3A_12 : vector<256xf32> to vector<256x1xf32>
    %eq3A = vector.broadcast %broadcast_in_dim3A : vector<256x1xf32> to vector<256x1024xf32>
    %eq3A_13 = arith.cmpf oeq, %slice3A, %eq3A : vector<256x1024xf32>
    %jit3A = arith.constant 1024 : i32
    %broadcast_in_dim3A_14 = vector.broadcast %jit3A : i32 to vector<256x1024xi32>
    %select_n3A = arith.select %eq3A_13, %iota3A, %broadcast_in_dim3A_14 : vector<256x1024xi1>, vector<256x1024xi32>
    %reduce_min3A = arith.constant dense<2147483647> : vector<256xi32>
    %reduce_min3A_15 = vector.multi_reduction <minsi>, %select_n3A, %reduce_min3A [1] : vector<256x1024xi32> to vector<256xi32>
    %broadcast_in_dim3A_16 = vector.shape_cast %reduce_min3A_15 : vector<256xi32> to vector<256x1xi32>
    %eq3A_17 = vector.broadcast %broadcast_in_dim3A_16 : vector<256x1xi32> to vector<256x1024xi32>
    %eq3A_18 = arith.cmpi eq, %iota3A, %eq3A_17 : vector<256x1024xi32>
    %jit3A_19 = arith.constant 0xFF800000 : f32
    %broadcast_in_dim3A_20 = vector.broadcast %jit3A_19 : f32 to vector<256x1024xf32>
    %select_n3A_21 = arith.select %eq3A_18, %broadcast_in_dim3A_20, %slice3A : vector<256x1024xi1>, vector<256x1024xf32>
    %reduce_max3A_22 = arith.constant dense<0xFF800000> : vector<256xf32>
    %reduce_max3A_23 = vector.multi_reduction <maximumf>, %select_n3A_21, %reduce_max3A_22 [1] : vector<256x1024xf32> to vector<256xf32>
    %broadcast_in_dim3A_24 = vector.shape_cast %reduce_max3A_23 : vector<256xf32> to vector<256x1xf32>
    %eq3A_25 = vector.broadcast %broadcast_in_dim3A_24 : vector<256x1xf32> to vector<256x1024xf32>
    %eq3A_26 = arith.cmpf oeq, %select_n3A_21, %eq3A_25 : vector<256x1024xf32>
    %jit3A_27 = arith.constant 1024 : i32
    %broadcast_in_dim3A_28 = vector.broadcast %jit3A_27 : i32 to vector<256x1024xi32>
    %select_n3A_29 = arith.select %eq3A_26, %iota3A, %broadcast_in_dim3A_28 : vector<256x1024xi1>, vector<256x1024xi32>
    %reduce_min3A_30 = arith.constant dense<2147483647> : vector<256xi32>
    %reduce_min3A_31 = vector.multi_reduction <minsi>, %select_n3A_29, %reduce_min3A_30 [1] : vector<256x1024xi32> to vector<256xi32>
    %broadcast_in_dim3A_32 = vector.shape_cast %reduce_min3A_31 : vector<256xi32> to vector<256x1xi32>
    %eq3A_33 = vector.broadcast %broadcast_in_dim3A_32 : vector<256x1xi32> to vector<256x1024xi32>
    %eq3A_34 = arith.cmpi eq, %iota3A, %eq3A_33 : vector<256x1024xi32>
    %jit3A_35 = arith.constant 0xFF800000 : f32
    %broadcast_in_dim3A_36 = vector.broadcast %jit3A_35 : f32 to vector<256x1024xf32>
    %select_n3A_37 = arith.select %eq3A_34, %broadcast_in_dim3A_36, %select_n3A_21 : vector<256x1024xi1>, vector<256x1024xf32>
    %reduce_max3A_38 = arith.constant dense<0xFF800000> : vector<256xf32>
    %reduce_max3A_39 = vector.multi_reduction <maximumf>, %select_n3A_37, %reduce_max3A_38 [1] : vector<256x1024xf32> to vector<256xf32>
    %broadcast_in_dim3A_40 = vector.shape_cast %reduce_max3A_39 : vector<256xf32> to vector<256x1xf32>
    %eq3A_41 = vector.broadcast %broadcast_in_dim3A_40 : vector<256x1xf32> to vector<256x1024xf32>
    %eq3A_42 = arith.cmpf oeq, %select_n3A_37, %eq3A_41 : vector<256x1024xf32>
    %jit3A_43 = arith.constant 1024 : i32
    %broadcast_in_dim3A_44 = vector.broadcast %jit3A_43 : i32 to vector<256x1024xi32>
    %select_n3A_45 = arith.select %eq3A_42, %iota3A, %broadcast_in_dim3A_44 : vector<256x1024xi1>, vector<256x1024xi32>
    %reduce_min3A_46 = arith.constant dense<2147483647> : vector<256xi32>
    %reduce_min3A_47 = vector.multi_reduction <minsi>, %select_n3A_45, %reduce_min3A_46 [1] : vector<256x1024xi32> to vector<256xi32>
    %broadcast_in_dim3A_48 = vector.shape_cast %reduce_min3A_47 : vector<256xi32> to vector<256x1xi32>
    %eq3A_49 = vector.broadcast %broadcast_in_dim3A_48 : vector<256x1xi32> to vector<256x1024xi32>
    %eq3A_50 = arith.cmpi eq, %iota3A, %eq3A_49 : vector<256x1024xi32>
    %jit3A_51 = arith.constant 0xFF800000 : f32
    %broadcast_in_dim3A_52 = vector.broadcast %jit3A_51 : f32 to vector<256x1024xf32>
    %select_n3A_53 = arith.select %eq3A_50, %broadcast_in_dim3A_52, %select_n3A_37 : vector<256x1024xi1>, vector<256x1024xf32>
    %reduce_max3A_54 = arith.constant dense<0xFF800000> : vector<256xf32>
    %reduce_max3A_55 = vector.multi_reduction <maximumf>, %select_n3A_53, %reduce_max3A_54 [1] : vector<256x1024xf32> to vector<256xf32>
    %broadcast_in_dim3A_56 = vector.shape_cast %reduce_max3A_55 : vector<256xf32> to vector<256x1xf32>
    %eq3A_57 = vector.broadcast %broadcast_in_dim3A_56 : vector<256x1xf32> to vector<256x1024xf32>
    %eq3A_58 = arith.cmpf oeq, %select_n3A_53, %eq3A_57 : vector<256x1024xf32>
    %jit3A_59 = arith.constant 1024 : i32
    %broadcast_in_dim3A_60 = vector.broadcast %jit3A_59 : i32 to vector<256x1024xi32>
    %select_n3A_61 = arith.select %eq3A_58, %iota3A, %broadcast_in_dim3A_60 : vector<256x1024xi1>, vector<256x1024xi32>
    %reduce_min3A_62 = arith.constant dense<2147483647> : vector<256xi32>
    %reduce_min3A_63 = vector.multi_reduction <minsi>, %select_n3A_61, %reduce_min3A_62 [1] : vector<256x1024xi32> to vector<256xi32>
    %broadcast_in_dim3A_64 = vector.shape_cast %reduce_min3A_63 : vector<256xi32> to vector<256x1xi32>
    %slice3A_65 = vector.extract_strided_slice %dot_general3A_11 {offsets = [0, 1024], sizes = [256, 1024], strides = [1, 1]} : vector<256x4096xf32> to vector<256x1024xf32>
    %reduce_max3A_66 = arith.constant dense<0xFF800000> : vector<256xf32>
    %reduce_max3A_67 = vector.multi_reduction <maximumf>, %slice3A_65, %reduce_max3A_66 [1] : vector<256x1024xf32> to vector<256xf32>
    %broadcast_in_dim3A_68 = vector.shape_cast %reduce_max3A_67 : vector<256xf32> to vector<256x1xf32>
    %eq3A_69 = vector.broadcast %broadcast_in_dim3A_68 : vector<256x1xf32> to vector<256x1024xf32>
    %eq3A_70 = arith.cmpf oeq, %slice3A_65, %eq3A_69 : vector<256x1024xf32>
    %jit3A_71 = arith.constant 1024 : i32
    %broadcast_in_dim3A_72 = vector.broadcast %jit3A_71 : i32 to vector<256x1024xi32>
    %select_n3A_73 = arith.select %eq3A_70, %iota3A, %broadcast_in_dim3A_72 : vector<256x1024xi1>, vector<256x1024xi32>
    %reduce_min3A_74 = arith.constant dense<2147483647> : vector<256xi32>
    %reduce_min3A_75 = vector.multi_reduction <minsi>, %select_n3A_73, %reduce_min3A_74 [1] : vector<256x1024xi32> to vector<256xi32>
    %broadcast_in_dim3A_76 = vector.shape_cast %reduce_min3A_75 : vector<256xi32> to vector<256x1xi32>
    %eq3A_77 = vector.broadcast %broadcast_in_dim3A_76 : vector<256x1xi32> to vector<256x1024xi32>
    %eq3A_78 = arith.cmpi eq, %iota3A, %eq3A_77 : vector<256x1024xi32>
    %jit3A_79 = arith.constant 0xFF800000 : f32
    %broadcast_in_dim3A_80 = vector.broadcast %jit3A_79 : f32 to vector<256x1024xf32>
    %select_n3A_81 = arith.select %eq3A_78, %broadcast_in_dim3A_80, %slice3A_65 : vector<256x1024xi1>, vector<256x1024xf32>
    %reduce_max3A_82 = arith.constant dense<0xFF800000> : vector<256xf32>
    %reduce_max3A_83 = vector.multi_reduction <maximumf>, %select_n3A_81, %reduce_max3A_82 [1] : vector<256x1024xf32> to vector<256xf32>
    %broadcast_in_dim3A_84 = vector.shape_cast %reduce_max3A_83 : vector<256xf32> to vector<256x1xf32>
    %eq3A_85 = vector.broadcast %broadcast_in_dim3A_84 : vector<256x1xf32> to vector<256x1024xf32>
    %eq3A_86 = arith.cmpf oeq, %select_n3A_81, %eq3A_85 : vector<256x1024xf32>
    %jit3A_87 = arith.constant 1024 : i32
    %broadcast_in_dim3A_88 = vector.broadcast %jit3A_87 : i32 to vector<256x1024xi32>
    %select_n3A_89 = arith.select %eq3A_86, %iota3A, %broadcast_in_dim3A_88 : vector<256x1024xi1>, vector<256x1024xi32>
    %reduce_min3A_90 = arith.constant dense<2147483647> : vector<256xi32>
    %reduce_min3A_91 = vector.multi_reduction <minsi>, %select_n3A_89, %reduce_min3A_90 [1] : vector<256x1024xi32> to vector<256xi32>
    %broadcast_in_dim3A_92 = vector.shape_cast %reduce_min3A_91 : vector<256xi32> to vector<256x1xi32>
    %eq3A_93 = vector.broadcast %broadcast_in_dim3A_92 : vector<256x1xi32> to vector<256x1024xi32>
    %eq3A_94 = arith.cmpi eq, %iota3A, %eq3A_93 : vector<256x1024xi32>
    %jit3A_95 = arith.constant 0xFF800000 : f32
    %broadcast_in_dim3A_96 = vector.broadcast %jit3A_95 : f32 to vector<256x1024xf32>
    %select_n3A_97 = arith.select %eq3A_94, %broadcast_in_dim3A_96, %select_n3A_81 : vector<256x1024xi1>, vector<256x1024xf32>
    %reduce_max3A_98 = arith.constant dense<0xFF800000> : vector<256xf32>
    %reduce_max3A_99 = vector.multi_reduction <maximumf>, %select_n3A_97, %reduce_max3A_98 [1] : vector<256x1024xf32> to vector<256xf32>
    %broadcast_in_dim3A_100 = vector.shape_cast %reduce_max3A_99 : vector<256xf32> to vector<256x1xf32>
    %eq3A_101 = vector.broadcast %broadcast_in_dim3A_100 : vector<256x1xf32> to vector<256x1024xf32>
    %eq3A_102 = arith.cmpf oeq, %select_n3A_97, %eq3A_101 : vector<256x1024xf32>
    %jit3A_103 = arith.constant 1024 : i32
    %broadcast_in_dim3A_104 = vector.broadcast %jit3A_103 : i32 to vector<256x1024xi32>
    %select_n3A_105 = arith.select %eq3A_102, %iota3A, %broadcast_in_dim3A_104 : vector<256x1024xi1>, vector<256x1024xi32>
    %reduce_min3A_106 = arith.constant dense<2147483647> : vector<256xi32>
    %reduce_min3A_107 = vector.multi_reduction <minsi>, %select_n3A_105, %reduce_min3A_106 [1] : vector<256x1024xi32> to vector<256xi32>
    %broadcast_in_dim3A_108 = vector.shape_cast %reduce_min3A_107 : vector<256xi32> to vector<256x1xi32>
    %eq3A_109 = vector.broadcast %broadcast_in_dim3A_108 : vector<256x1xi32> to vector<256x1024xi32>
    %eq3A_110 = arith.cmpi eq, %iota3A, %eq3A_109 : vector<256x1024xi32>
    %jit3A_111 = arith.constant 0xFF800000 : f32
    %broadcast_in_dim3A_112 = vector.broadcast %jit3A_111 : f32 to vector<256x1024xf32>
    %select_n3A_113 = arith.select %eq3A_110, %broadcast_in_dim3A_112, %select_n3A_97 : vector<256x1024xi1>, vector<256x1024xf32>
    %reduce_max3A_114 = arith.constant dense<0xFF800000> : vector<256xf32>
    %reduce_max3A_115 = vector.multi_reduction <maximumf>, %select_n3A_113, %reduce_max3A_114 [1] : vector<256x1024xf32> to vector<256xf32>
    %broadcast_in_dim3A_116 = vector.shape_cast %reduce_max3A_115 : vector<256xf32> to vector<256x1xf32>
    %eq3A_117 = vector.broadcast %broadcast_in_dim3A_116 : vector<256x1xf32> to vector<256x1024xf32>
    %eq3A_118 = arith.cmpf oeq, %select_n3A_113, %eq3A_117 : vector<256x1024xf32>
    %jit3A_119 = arith.constant 1024 : i32
    %broadcast_in_dim3A_120 = vector.broadcast %jit3A_119 : i32 to vector<256x1024xi32>
    %select_n3A_121 = arith.select %eq3A_118, %iota3A, %broadcast_in_dim3A_120 : vector<256x1024xi1>, vector<256x1024xi32>
    %reduce_min3A_122 = arith.constant dense<2147483647> : vector<256xi32>
    %reduce_min3A_123 = vector.multi_reduction <minsi>, %select_n3A_121, %reduce_min3A_122 [1] : vector<256x1024xi32> to vector<256xi32>
    %broadcast_in_dim3A_124 = vector.shape_cast %reduce_min3A_123 : vector<256xi32> to vector<256x1xi32>
    %slice3A_125 = vector.extract_strided_slice %dot_general3A_11 {offsets = [0, 2048], sizes = [256, 1024], strides = [1, 1]} : vector<256x4096xf32> to vector<256x1024xf32>
    %reduce_max3A_126 = arith.constant dense<0xFF800000> : vector<256xf32>
    %reduce_max3A_127 = vector.multi_reduction <maximumf>, %slice3A_125, %reduce_max3A_126 [1] : vector<256x1024xf32> to vector<256xf32>
    %broadcast_in_dim3A_128 = vector.shape_cast %reduce_max3A_127 : vector<256xf32> to vector<256x1xf32>
    %eq3A_129 = vector.broadcast %broadcast_in_dim3A_128 : vector<256x1xf32> to vector<256x1024xf32>
    %eq3A_130 = arith.cmpf oeq, %slice3A_125, %eq3A_129 : vector<256x1024xf32>
    %jit3A_131 = arith.constant 1024 : i32
    %broadcast_in_dim3A_132 = vector.broadcast %jit3A_131 : i32 to vector<256x1024xi32>
    %select_n3A_133 = arith.select %eq3A_130, %iota3A, %broadcast_in_dim3A_132 : vector<256x1024xi1>, vector<256x1024xi32>
    %reduce_min3A_134 = arith.constant dense<2147483647> : vector<256xi32>
    %reduce_min3A_135 = vector.multi_reduction <minsi>, %select_n3A_133, %reduce_min3A_134 [1] : vector<256x1024xi32> to vector<256xi32>
    %broadcast_in_dim3A_136 = vector.shape_cast %reduce_min3A_135 : vector<256xi32> to vector<256x1xi32>
    %eq3A_137 = vector.broadcast %broadcast_in_dim3A_136 : vector<256x1xi32> to vector<256x1024xi32>
    %eq3A_138 = arith.cmpi eq, %iota3A, %eq3A_137 : vector<256x1024xi32>
    %jit3A_139 = arith.constant 0xFF800000 : f32
    %broadcast_in_dim3A_140 = vector.broadcast %jit3A_139 : f32 to vector<256x1024xf32>
    %select_n3A_141 = arith.select %eq3A_138, %broadcast_in_dim3A_140, %slice3A_125 : vector<256x1024xi1>, vector<256x1024xf32>
    %reduce_max3A_142 = arith.constant dense<0xFF800000> : vector<256xf32>
    %reduce_max3A_143 = vector.multi_reduction <maximumf>, %select_n3A_141, %reduce_max3A_142 [1] : vector<256x1024xf32> to vector<256xf32>
    %broadcast_in_dim3A_144 = vector.shape_cast %reduce_max3A_143 : vector<256xf32> to vector<256x1xf32>
    %eq3A_145 = vector.broadcast %broadcast_in_dim3A_144 : vector<256x1xf32> to vector<256x1024xf32>
    %eq3A_146 = arith.cmpf oeq, %select_n3A_141, %eq3A_145 : vector<256x1024xf32>
    %jit3A_147 = arith.constant 1024 : i32
    %broadcast_in_dim3A_148 = vector.broadcast %jit3A_147 : i32 to vector<256x1024xi32>
    %select_n3A_149 = arith.select %eq3A_146, %iota3A, %broadcast_in_dim3A_148 : vector<256x1024xi1>, vector<256x1024xi32>
    %reduce_min3A_150 = arith.constant dense<2147483647> : vector<256xi32>
    %reduce_min3A_151 = vector.multi_reduction <minsi>, %select_n3A_149, %reduce_min3A_150 [1] : vector<256x1024xi32> to vector<256xi32>
    %broadcast_in_dim3A_152 = vector.shape_cast %reduce_min3A_151 : vector<256xi32> to vector<256x1xi32>
    %eq3A_153 = vector.broadcast %broadcast_in_dim3A_152 : vector<256x1xi32> to vector<256x1024xi32>
    %eq3A_154 = arith.cmpi eq, %iota3A, %eq3A_153 : vector<256x1024xi32>
    %jit3A_155 = arith.constant 0xFF800000 : f32
    %broadcast_in_dim3A_156 = vector.broadcast %jit3A_155 : f32 to vector<256x1024xf32>
    %select_n3A_157 = arith.select %eq3A_154, %broadcast_in_dim3A_156, %select_n3A_141 : vector<256x1024xi1>, vector<256x1024xf32>
    %reduce_max3A_158 = arith.constant dense<0xFF800000> : vector<256xf32>
    %reduce_max3A_159 = vector.multi_reduction <maximumf>, %select_n3A_157, %reduce_max3A_158 [1] : vector<256x1024xf32> to vector<256xf32>
    %broadcast_in_dim3A_160 = vector.shape_cast %reduce_max3A_159 : vector<256xf32> to vector<256x1xf32>
    %eq3A_161 = vector.broadcast %broadcast_in_dim3A_160 : vector<256x1xf32> to vector<256x1024xf32>
    %eq3A_162 = arith.cmpf oeq, %select_n3A_157, %eq3A_161 : vector<256x1024xf32>
    %jit3A_163 = arith.constant 1024 : i32
    %broadcast_in_dim3A_164 = vector.broadcast %jit3A_163 : i32 to vector<256x1024xi32>
    %select_n3A_165 = arith.select %eq3A_162, %iota3A, %broadcast_in_dim3A_164 : vector<256x1024xi1>, vector<256x1024xi32>
    %reduce_min3A_166 = arith.constant dense<2147483647> : vector<256xi32>
    %reduce_min3A_167 = vector.multi_reduction <minsi>, %select_n3A_165, %reduce_min3A_166 [1] : vector<256x1024xi32> to vector<256xi32>
    %broadcast_in_dim3A_168 = vector.shape_cast %reduce_min3A_167 : vector<256xi32> to vector<256x1xi32>
    %eq3A_169 = vector.broadcast %broadcast_in_dim3A_168 : vector<256x1xi32> to vector<256x1024xi32>
    %eq3A_170 = arith.cmpi eq, %iota3A, %eq3A_169 : vector<256x1024xi32>
    %jit3A_171 = arith.constant 0xFF800000 : f32
    %broadcast_in_dim3A_172 = vector.broadcast %jit3A_171 : f32 to vector<256x1024xf32>
    %select_n3A_173 = arith.select %eq3A_170, %broadcast_in_dim3A_172, %select_n3A_157 : vector<256x1024xi1>, vector<256x1024xf32>
    %reduce_max3A_174 = arith.constant dense<0xFF800000> : vector<256xf32>
    %reduce_max3A_175 = vector.multi_reduction <maximumf>, %select_n3A_173, %reduce_max3A_174 [1] : vector<256x1024xf32> to vector<256xf32>
    %broadcast_in_dim3A_176 = vector.shape_cast %reduce_max3A_175 : vector<256xf32> to vector<256x1xf32>
    %eq3A_177 = vector.broadcast %broadcast_in_dim3A_176 : vector<256x1xf32> to vector<256x1024xf32>
    %eq3A_178 = arith.cmpf oeq, %select_n3A_173, %eq3A_177 : vector<256x1024xf32>
    %jit3A_179 = arith.constant 1024 : i32
    %broadcast_in_dim3A_180 = vector.broadcast %jit3A_179 : i32 to vector<256x1024xi32>
    %select_n3A_181 = arith.select %eq3A_178, %iota3A, %broadcast_in_dim3A_180 : vector<256x1024xi1>, vector<256x1024xi32>
    %reduce_min3A_182 = arith.constant dense<2147483647> : vector<256xi32>
    %reduce_min3A_183 = vector.multi_reduction <minsi>, %select_n3A_181, %reduce_min3A_182 [1] : vector<256x1024xi32> to vector<256xi32>
    %broadcast_in_dim3A_184 = vector.shape_cast %reduce_min3A_183 : vector<256xi32> to vector<256x1xi32>
    %slice3A_185 = vector.extract_strided_slice %dot_general3A_11 {offsets = [0, 3072], sizes = [256, 1024], strides = [1, 1]} : vector<256x4096xf32> to vector<256x1024xf32>
    %reduce_max3A_186 = arith.constant dense<0xFF800000> : vector<256xf32>
    %reduce_max3A_187 = vector.multi_reduction <maximumf>, %slice3A_185, %reduce_max3A_186 [1] : vector<256x1024xf32> to vector<256xf32>
    %broadcast_in_dim3A_188 = vector.shape_cast %reduce_max3A_187 : vector<256xf32> to vector<256x1xf32>
    %eq3A_189 = vector.broadcast %broadcast_in_dim3A_188 : vector<256x1xf32> to vector<256x1024xf32>
    %eq3A_190 = arith.cmpf oeq, %slice3A_185, %eq3A_189 : vector<256x1024xf32>
    %jit3A_191 = arith.constant 1024 : i32
    %broadcast_in_dim3A_192 = vector.broadcast %jit3A_191 : i32 to vector<256x1024xi32>
    %select_n3A_193 = arith.select %eq3A_190, %iota3A, %broadcast_in_dim3A_192 : vector<256x1024xi1>, vector<256x1024xi32>
    %reduce_min3A_194 = arith.constant dense<2147483647> : vector<256xi32>
    %reduce_min3A_195 = vector.multi_reduction <minsi>, %select_n3A_193, %reduce_min3A_194 [1] : vector<256x1024xi32> to vector<256xi32>
    %broadcast_in_dim3A_196 = vector.shape_cast %reduce_min3A_195 : vector<256xi32> to vector<256x1xi32>
    %eq3A_197 = vector.broadcast %broadcast_in_dim3A_196 : vector<256x1xi32> to vector<256x1024xi32>
    %eq3A_198 = arith.cmpi eq, %iota3A, %eq3A_197 : vector<256x1024xi32>
    %jit3A_199 = arith.constant 0xFF800000 : f32
    %broadcast_in_dim3A_200 = vector.broadcast %jit3A_199 : f32 to vector<256x1024xf32>
    %select_n3A_201 = arith.select %eq3A_198, %broadcast_in_dim3A_200, %slice3A_185 : vector<256x1024xi1>, vector<256x1024xf32>
    %reduce_max3A_202 = arith.constant dense<0xFF800000> : vector<256xf32>
    %reduce_max3A_203 = vector.multi_reduction <maximumf>, %select_n3A_201, %reduce_max3A_202 [1] : vector<256x1024xf32> to vector<256xf32>
    %broadcast_in_dim3A_204 = vector.shape_cast %reduce_max3A_203 : vector<256xf32> to vector<256x1xf32>
    %eq3A_205 = vector.broadcast %broadcast_in_dim3A_204 : vector<256x1xf32> to vector<256x1024xf32>
    %eq3A_206 = arith.cmpf oeq, %select_n3A_201, %eq3A_205 : vector<256x1024xf32>
    %jit3A_207 = arith.constant 1024 : i32
    %broadcast_in_dim3A_208 = vector.broadcast %jit3A_207 : i32 to vector<256x1024xi32>
    %select_n3A_209 = arith.select %eq3A_206, %iota3A, %broadcast_in_dim3A_208 : vector<256x1024xi1>, vector<256x1024xi32>
    %reduce_min3A_210 = arith.constant dense<2147483647> : vector<256xi32>
    %reduce_min3A_211 = vector.multi_reduction <minsi>, %select_n3A_209, %reduce_min3A_210 [1] : vector<256x1024xi32> to vector<256xi32>
    %broadcast_in_dim3A_212 = vector.shape_cast %reduce_min3A_211 : vector<256xi32> to vector<256x1xi32>
    %eq3A_213 = vector.broadcast %broadcast_in_dim3A_212 : vector<256x1xi32> to vector<256x1024xi32>
    %eq3A_214 = arith.cmpi eq, %iota3A, %eq3A_213 : vector<256x1024xi32>
    %jit3A_215 = arith.constant 0xFF800000 : f32
    %broadcast_in_dim3A_216 = vector.broadcast %jit3A_215 : f32 to vector<256x1024xf32>
    %select_n3A_217 = arith.select %eq3A_214, %broadcast_in_dim3A_216, %select_n3A_201 : vector<256x1024xi1>, vector<256x1024xf32>
    %reduce_max3A_218 = arith.constant dense<0xFF800000> : vector<256xf32>
    %reduce_max3A_219 = vector.multi_reduction <maximumf>, %select_n3A_217, %reduce_max3A_218 [1] : vector<256x1024xf32> to vector<256xf32>
    %broadcast_in_dim3A_220 = vector.shape_cast %reduce_max3A_219 : vector<256xf32> to vector<256x1xf32>
    %eq3A_221 = vector.broadcast %broadcast_in_dim3A_220 : vector<256x1xf32> to vector<256x1024xf32>
    %eq3A_222 = arith.cmpf oeq, %select_n3A_217, %eq3A_221 : vector<256x1024xf32>
    %jit3A_223 = arith.constant 1024 : i32
    %broadcast_in_dim3A_224 = vector.broadcast %jit3A_223 : i32 to vector<256x1024xi32>
    %select_n3A_225 = arith.select %eq3A_222, %iota3A, %broadcast_in_dim3A_224 : vector<256x1024xi1>, vector<256x1024xi32>
    %reduce_min3A_226 = arith.constant dense<2147483647> : vector<256xi32>
    %reduce_min3A_227 = vector.multi_reduction <minsi>, %select_n3A_225, %reduce_min3A_226 [1] : vector<256x1024xi32> to vector<256xi32>
    %broadcast_in_dim3A_228 = vector.shape_cast %reduce_min3A_227 : vector<256xi32> to vector<256x1xi32>
    %eq3A_229 = vector.broadcast %broadcast_in_dim3A_228 : vector<256x1xi32> to vector<256x1024xi32>
    %eq3A_230 = arith.cmpi eq, %iota3A, %eq3A_229 : vector<256x1024xi32>
    %jit3A_231 = arith.constant 0xFF800000 : f32
    %broadcast_in_dim3A_232 = vector.broadcast %jit3A_231 : f32 to vector<256x1024xf32>
    %select_n3A_233 = arith.select %eq3A_230, %broadcast_in_dim3A_232, %select_n3A_217 : vector<256x1024xi1>, vector<256x1024xf32>
    %reduce_max3A_234 = arith.constant dense<0xFF800000> : vector<256xf32>
    %reduce_max3A_235 = vector.multi_reduction <maximumf>, %select_n3A_233, %reduce_max3A_234 [1] : vector<256x1024xf32> to vector<256xf32>
    %broadcast_in_dim3A_236 = vector.shape_cast %reduce_max3A_235 : vector<256xf32> to vector<256x1xf32>
    %eq3A_237 = vector.broadcast %broadcast_in_dim3A_236 : vector<256x1xf32> to vector<256x1024xf32>
    %eq3A_238 = arith.cmpf oeq, %select_n3A_233, %eq3A_237 : vector<256x1024xf32>
    %jit3A_239 = arith.constant 1024 : i32
    %broadcast_in_dim3A_240 = vector.broadcast %jit3A_239 : i32 to vector<256x1024xi32>
    %select_n3A_241 = arith.select %eq3A_238, %iota3A, %broadcast_in_dim3A_240 : vector<256x1024xi1>, vector<256x1024xi32>
    %reduce_min3A_242 = arith.constant dense<2147483647> : vector<256xi32>
    %reduce_min3A_243 = vector.multi_reduction <minsi>, %select_n3A_241, %reduce_min3A_242 [1] : vector<256x1024xi32> to vector<256xi32>
    %broadcast_in_dim3A_244 = vector.shape_cast %reduce_min3A_243 : vector<256xi32> to vector<256x1xi32>
    %concatenate3A = tpu.concatenate %broadcast_in_dim3A_16, %broadcast_in_dim3A_32, %broadcast_in_dim3A_48, %broadcast_in_dim3A_64, %broadcast_in_dim3A_76, %broadcast_in_dim3A_92, %broadcast_in_dim3A_108, %broadcast_in_dim3A_124, %broadcast_in_dim3A_136, %broadcast_in_dim3A_152, %broadcast_in_dim3A_168, %broadcast_in_dim3A_184, %broadcast_in_dim3A_196, %broadcast_in_dim3A_212, %broadcast_in_dim3A_228, %broadcast_in_dim3A_244 in 1 : vector<256x1xi32>, vector<256x1xi32>, vector<256x1xi32>, vector<256x1xi32>, vector<256x1xi32>, vector<256x1xi32>, vector<256x1xi32>, vector<256x1xi32>, vector<256x1xi32>, vector<256x1xi32>, vector<256x1xi32>, vector<256x1xi32>, vector<256x1xi32>, vector<256x1xi32>, vector<256x1xi32>, vector<256x1xi32> -> vector<256x16xi32>
    %swap3A = arith.constant 0 : index
    %swap3A_245 = arith.constant 0 : index
    %swap3A_246 = arith.constant 0 : index
    %swap3A_247 = arith.constant 0 : index
    %swap3A_248 = vector.load %arg5[%swap3A, %swap3A_245, %swap3A_246, %swap3A_247] : memref<1x1x256x16xi32, #tpu.memory_space<vmem>>, vector<1x1x256x16xi32>
    %swap3A_249 = vector.shape_cast %swap3A_248 : vector<1x1x256x16xi32> to vector<256x16xi32>
    %swap3A_250 = vector.shape_cast %concatenate3A : vector<256x16xi32> to vector<1x1x256x16xi32>
    tpu.vector_store %arg5[%swap3A, %swap3A_245, %swap3A_246, %swap3A_247], %swap3A_250 {strides = array<i32>} : memref<1x1x256x16xi32, #tpu.memory_space<vmem>>, vector<1x1x256x16xi32>,
    %add3A = arith.constant -33 : i32
    %add3A_251 = vector.broadcast %add3A : i32 to vector<256x16xi32>
    %add3A_252 = arith.addi %concatenate3A, %add3A_251 : vector<256x16xi32>
    %jit3A_253 = arith.constant 0 : i32
    %jit3A_254 = arith.constant 961 : i32
    %max3A = vector.broadcast %jit3A_253 : i32 to vector<256x16xi32>
    %max3A_255 = arith.maxsi %max3A, %add3A_252 : vector<256x16xi32>
    %min3A = vector.broadcast %jit3A_254 : i32 to vector<256x16xi32>
    %min3A_256 = arith.minsi %min3A, %max3A_255 : vector<256x16xi32>
    %jit3A_257 = arith.constant 32 : i32
    %div3A = vector.broadcast %jit3A_257 : i32 to vector<256x16xi32>
    %div3A_258 = arith.divsi %min3A_256, %div3A : vector<256x16xi32>
    %sign3A = arith.constant 0 : i32
    %sign3A_259 = vector.broadcast %sign3A : i32 to vector<256x16xi32>
    %sign3A_260 = arith.cmpi sgt, %min3A_256, %sign3A_259 : vector<256x16xi32>
    %sign3A_261 = arith.extui %sign3A_260 : vector<256x16xi1> to vector<256x16xi32>
    %sign3A_262 = arith.constant 0 : i32
    %sign3A_263 = vector.broadcast %sign3A_262 : i32 to vector<256x16xi32>
    %sign3A_264 = arith.cmpi slt, %min3A_256, %sign3A_263 : vector<256x16xi32>
    %sign3A_265 = arith.extui %sign3A_264 : vector<256x16xi1> to vector<256x16xi32>
    %sign3A_266 = arith.subi %sign3A_261, %sign3A_265 : vector<256x16xi32>
    %sign3A_267 = arith.constant 0 : i32
    %sign3A_268 = arith.cmpi sgt, %jit3A_257, %sign3A_267 : i32
    %sign3A_269 = arith.extui %sign3A_268 : i1 to i32
    %sign3A_270 = arith.constant 0 : i32
    %sign3A_271 = arith.cmpi slt, %jit3A_257, %sign3A_270 : i32
    %sign3A_272 = arith.extui %sign3A_271 : i1 to i32
    %sign3A_273 = arith.subi %sign3A_269, %sign3A_272 : i32
    %ne3A = vector.broadcast %sign3A_273 : i32 to vector<256x16xi32>
    %ne3A_274 = arith.cmpi ne, %sign3A_266, %ne3A : vector<256x16xi32>
    %rem3A = vector.broadcast %jit3A_257 : i32 to vector<256x16xi32>
    %rem3A_275 = arith.remsi %min3A_256, %rem3A : vector<256x16xi32>
    %ne3A_276 = arith.constant 0 : i32
    %ne3A_277 = vector.broadcast %ne3A_276 : i32 to vector<256x16xi32>
    %ne3A_278 = arith.cmpi ne, %rem3A_275, %ne3A_277 : vector<256x16xi32>
    %and3A = arith.andi %ne3A_274, %ne3A_278 : vector<256x16xi1>
    %sub3A = arith.constant 1 : i32
    %sub3A_279 = vector.broadcast %sub3A : i32 to vector<256x16xi32>
    %sub3A_280 = arith.subi %div3A_258, %sub3A_279 : vector<256x16xi32>
    %select_n3A_281 = arith.select %and3A, %sub3A_280, %div3A_258 : vector<256x16xi1>, vector<256x16xi32>
    %mul3A = arith.constant 32 : i32
    %mul3A_282 = vector.broadcast %mul3A : i32 to vector<256x16xi32>
    %mul3A_283 = arith.muli %select_n3A_281, %mul3A_282 : vector<256x16xi32>
    %sub3A_284 = arith.subi %min3A_256, %mul3A_283 : vector<256x16xi32>
    %add3A_285 = arith.constant -32 : i32
    %add3A_286 = vector.broadcast %add3A_285 : i32 to vector<256x16xi32>
    %add3A_287 = arith.addi %concatenate3A, %add3A_286 : vector<256x16xi32>
    %jit3A_288 = arith.constant 0 : i32
    %jit3A_289 = arith.constant 961 : i32
    %max3A_290 = vector.broadcast %jit3A_288 : i32 to vector<256x16xi32>
    %max3A_291 = arith.maxsi %max3A_290, %add3A_287 : vector<256x16xi32>
    %min3A_292 = vector.broadcast %jit3A_289 : i32 to vector<256x16xi32>
    %min3A_293 = arith.minsi %min3A_292, %max3A_291 : vector<256x16xi32>
    %jit3A_294 = arith.constant 32 : i32
    %div3A_295 = vector.broadcast %jit3A_294 : i32 to vector<256x16xi32>
    %div3A_296 = arith.divsi %min3A_293, %div3A_295 : vector<256x16xi32>
    %sign3A_297 = arith.constant 0 : i32
    %sign3A_298 = vector.broadcast %sign3A_297 : i32 to vector<256x16xi32>
    %sign3A_299 = arith.cmpi sgt, %min3A_293, %sign3A_298 : vector<256x16xi32>
    %sign3A_300 = arith.extui %sign3A_299 : vector<256x16xi1> to vector<256x16xi32>
    %sign3A_301 = arith.constant 0 : i32
    %sign3A_302 = vector.broadcast %sign3A_301 : i32 to vector<256x16xi32>
    %sign3A_303 = arith.cmpi slt, %min3A_293, %sign3A_302 : vector<256x16xi32>
    %sign3A_304 = arith.extui %sign3A_303 : vector<256x16xi1> to vector<256x16xi32>
    %sign3A_305 = arith.subi %sign3A_300, %sign3A_304 : vector<256x16xi32>
    %sign3A_306 = arith.constant 0 : i32
    %sign3A_307 = arith.cmpi sgt, %jit3A_294, %sign3A_306 : i32
    %sign3A_308 = arith.extui %sign3A_307 : i1 to i32
    %sign3A_309 = arith.constant 0 : i32
    %sign3A_310 = arith.cmpi slt, %jit3A_294, %sign3A_309 : i32
    %sign3A_311 = arith.extui %sign3A_310 : i1 to i32
    %sign3A_312 = arith.subi %sign3A_308, %sign3A_311 : i32
    %ne3A_313 = vector.broadcast %sign3A_312 : i32 to vector<256x16xi32>
    %ne3A_314 = arith.cmpi ne, %sign3A_305, %ne3A_313 : vector<256x16xi32>
    %rem3A_315 = vector.broadcast %jit3A_294 : i32 to vector<256x16xi32>
    %rem3A_316 = arith.remsi %min3A_293, %rem3A_315 : vector<256x16xi32>
    %ne3A_317 = arith.constant 0 : i32
    %ne3A_318 = vector.broadcast %ne3A_317 : i32 to vector<256x16xi32>
    %ne3A_319 = arith.cmpi ne, %rem3A_316, %ne3A_318 : vector<256x16xi32>
    %and3A_320 = arith.andi %ne3A_314, %ne3A_319 : vector<256x16xi1>
    %sub3A_321 = arith.constant 1 : i32
    %sub3A_322 = vector.broadcast %sub3A_321 : i32 to vector<256x16xi32>
    %sub3A_323 = arith.subi %div3A_296, %sub3A_322 : vector<256x16xi32>
    %select_n3A_324 = arith.select %and3A_320, %sub3A_323, %div3A_296 : vector<256x16xi1>, vector<256x16xi32>
    %mul3A_325 = arith.constant 32 : i32
    %mul3A_326 = vector.broadcast %mul3A_325 : i32 to vector<256x16xi32>
    %mul3A_327 = arith.muli %select_n3A_324, %mul3A_326 : vector<256x16xi32>
    %sub3A_328 = arith.subi %min3A_293, %mul3A_327 : vector<256x16xi32>
    %add3A_329 = arith.constant -31 : i32
    %add3A_330 = vector.broadcast %add3A_329 : i32 to vector<256x16xi32>
    %add3A_331 = arith.addi %concatenate3A, %add3A_330 : vector<256x16xi32>
    %jit3A_332 = arith.constant 0 : i32
    %jit3A_333 = arith.constant 961 : i32
    %max3A_334 = vector.broadcast %jit3A_332 : i32 to vector<256x16xi32>
    %max3A_335 = arith.maxsi %max3A_334, %add3A_331 : vector<256x16xi32>
    %min3A_336 = vector.broadcast %jit3A_333 : i32 to vector<256x16xi32>
    %min3A_337 = arith.minsi %min3A_336, %max3A_335 : vector<256x16xi32>
    %jit3A_338 = arith.constant 32 : i32
    %div3A_339 = vector.broadcast %jit3A_338 : i32 to vector<256x16xi32>
    %div3A_340 = arith.divsi %min3A_337, %div3A_339 : vector<256x16xi32>
    %sign3A_341 = arith.constant 0 : i32
    %sign3A_342 = vector.broadcast %sign3A_341 : i32 to vector<256x16xi32>
    %sign3A_343 = arith.cmpi sgt, %min3A_337, %sign3A_342 : vector<256x16xi32>
    %sign3A_344 = arith.extui %sign3A_343 : vector<256x16xi1> to vector<256x16xi32>
    %sign3A_345 = arith.constant 0 : i32
    %sign3A_346 = vector.broadcast %sign3A_345 : i32 to vector<256x16xi32>
    %sign3A_347 = arith.cmpi slt, %min3A_337, %sign3A_346 : vector<256x16xi32>
    %sign3A_348 = arith.extui %sign3A_347 : vector<256x16xi1> to vector<256x16xi32>
    %sign3A_349 = arith.subi %sign3A_344, %sign3A_348 : vector<256x16xi32>
    %sign3A_350 = arith.constant 0 : i32
    %sign3A_351 = arith.cmpi sgt, %jit3A_338, %sign3A_350 : i32
    %sign3A_352 = arith.extui %sign3A_351 : i1 to i32
    %sign3A_353 = arith.constant 0 : i32
    %sign3A_354 = arith.cmpi slt, %jit3A_338, %sign3A_353 : i32
    %sign3A_355 = arith.extui %sign3A_354 : i1 to i32
    %sign3A_356 = arith.subi %sign3A_352, %sign3A_355 : i32
    %ne3A_357 = vector.broadcast %sign3A_356 : i32 to vector<256x16xi32>
    %ne3A_358 = arith.cmpi ne, %sign3A_349, %ne3A_357 : vector<256x16xi32>
    %rem3A_359 = vector.broadcast %jit3A_338 : i32 to vector<256x16xi32>
    %rem3A_360 = arith.remsi %min3A_337, %rem3A_359 : vector<256x16xi32>
    %ne3A_361 = arith.constant 0 : i32
    %ne3A_362 = vector.broadcast %ne3A_361 : i32 to vector<256x16xi32>
    %ne3A_363 = arith.cmpi ne, %rem3A_360, %ne3A_362 : vector<256x16xi32>
    %and3A_364 = arith.andi %ne3A_358, %ne3A_363 : vector<256x16xi1>
    %sub3A_365 = arith.constant 1 : i32
    %sub3A_366 = vector.broadcast %sub3A_365 : i32 to vector<256x16xi32>
    %sub3A_367 = arith.subi %div3A_340, %sub3A_366 : vector<256x16xi32>
    %select_n3A_368 = arith.select %and3A_364, %sub3A_367, %div3A_340 : vector<256x16xi1>, vector<256x16xi32>
    %mul3A_369 = arith.constant 32 : i32
    %mul3A_370 = vector.broadcast %mul3A_369 : i32 to vector<256x16xi32>
    %mul3A_371 = arith.muli %select_n3A_368, %mul3A_370 : vector<256x16xi32>
    %sub3A_372 = arith.subi %min3A_337, %mul3A_371 : vector<256x16xi32>
    %add3A_373 = arith.constant -1 : i32
    %add3A_374 = vector.broadcast %add3A_373 : i32 to vector<256x16xi32>
    %add3A_375 = arith.addi %concatenate3A, %add3A_374 : vector<256x16xi32>
    %jit3A_376 = arith.constant 0 : i32
    %jit3A_377 = arith.constant 961 : i32
    %max3A_378 = vector.broadcast %jit3A_376 : i32 to vector<256x16xi32>
    %max3A_379 = arith.maxsi %max3A_378, %add3A_375 : vector<256x16xi32>
    %min3A_380 = vector.broadcast %jit3A_377 : i32 to vector<256x16xi32>
    %min3A_381 = arith.minsi %min3A_380, %max3A_379 : vector<256x16xi32>
    %jit3A_382 = arith.constant 32 : i32
    %div3A_383 = vector.broadcast %jit3A_382 : i32 to vector<256x16xi32>
    %div3A_384 = arith.divsi %min3A_381, %div3A_383 : vector<256x16xi32>
    %sign3A_385 = arith.constant 0 : i32
    %sign3A_386 = vector.broadcast %sign3A_385 : i32 to vector<256x16xi32>
    %sign3A_387 = arith.cmpi sgt, %min3A_381, %sign3A_386 : vector<256x16xi32>
    %sign3A_388 = arith.extui %sign3A_387 : vector<256x16xi1> to vector<256x16xi32>
    %sign3A_389 = arith.constant 0 : i32
    %sign3A_390 = vector.broadcast %sign3A_389 : i32 to vector<256x16xi32>
    %sign3A_391 = arith.cmpi slt, %min3A_381, %sign3A_390 : vector<256x16xi32>
    %sign3A_392 = arith.extui %sign3A_391 : vector<256x16xi1> to vector<256x16xi32>
    %sign3A_393 = arith.subi %sign3A_388, %sign3A_392 : vector<256x16xi32>
    %sign3A_394 = arith.constant 0 : i32
    %sign3A_395 = arith.cmpi sgt, %jit3A_382, %sign3A_394 : i32
    %sign3A_396 = arith.extui %sign3A_395 : i1 to i32
    %sign3A_397 = arith.constant 0 : i32
    %sign3A_398 = arith.cmpi slt, %jit3A_382, %sign3A_397 : i32
    %sign3A_399 = arith.extui %sign3A_398 : i1 to i32
    %sign3A_400 = arith.subi %sign3A_396, %sign3A_399 : i32
    %ne3A_401 = vector.broadcast %sign3A_400 : i32 to vector<256x16xi32>
    %ne3A_402 = arith.cmpi ne, %sign3A_393, %ne3A_401 : vector<256x16xi32>
    %rem3A_403 = vector.broadcast %jit3A_382 : i32 to vector<256x16xi32>
    %rem3A_404 = arith.remsi %min3A_381, %rem3A_403 : vector<256x16xi32>
    %ne3A_405 = arith.constant 0 : i32
    %ne3A_406 = vector.broadcast %ne3A_405 : i32 to vector<256x16xi32>
    %ne3A_407 = arith.cmpi ne, %rem3A_404, %ne3A_406 : vector<256x16xi32>
    %and3A_408 = arith.andi %ne3A_402, %ne3A_407 : vector<256x16xi1>
    %sub3A_409 = arith.constant 1 : i32
    %sub3A_410 = vector.broadcast %sub3A_409 : i32 to vector<256x16xi32>
    %sub3A_411 = arith.subi %div3A_384, %sub3A_410 : vector<256x16xi32>
    %select_n3A_412 = arith.select %and3A_408, %sub3A_411, %div3A_384 : vector<256x16xi1>, vector<256x16xi32>
    %mul3A_413 = arith.constant 32 : i32
    %mul3A_414 = vector.broadcast %mul3A_413 : i32 to vector<256x16xi32>
    %mul3A_415 = arith.muli %select_n3A_412, %mul3A_414 : vector<256x16xi32>
    %sub3A_416 = arith.subi %min3A_381, %mul3A_415 : vector<256x16xi32>
    %add3A_417 = arith.constant 0 : i32
    %add3A_418 = vector.broadcast %add3A_417 : i32 to vector<256x16xi32>
    %add3A_419 = arith.addi %concatenate3A, %add3A_418 : vector<256x16xi32>
    %jit3A_420 = arith.constant 0 : i32
    %jit3A_421 = arith.constant 961 : i32
    %max3A_422 = vector.broadcast %jit3A_420 : i32 to vector<256x16xi32>
    %max3A_423 = arith.maxsi %max3A_422, %add3A_419 : vector<256x16xi32>
    %min3A_424 = vector.broadcast %jit3A_421 : i32 to vector<256x16xi32>
    %min3A_425 = arith.minsi %min3A_424, %max3A_423 : vector<256x16xi32>
    %jit3A_426 = arith.constant 32 : i32
    %div3A_427 = vector.broadcast %jit3A_426 : i32 to vector<256x16xi32>
    %div3A_428 = arith.divsi %min3A_425, %div3A_427 : vector<256x16xi32>
    %sign3A_429 = arith.constant 0 : i32
    %sign3A_430 = vector.broadcast %sign3A_429 : i32 to vector<256x16xi32>
    %sign3A_431 = arith.cmpi sgt, %min3A_425, %sign3A_430 : vector<256x16xi32>
    %sign3A_432 = arith.extui %sign3A_431 : vector<256x16xi1> to vector<256x16xi32>
    %sign3A_433 = arith.constant 0 : i32
    %sign3A_434 = vector.broadcast %sign3A_433 : i32 to vector<256x16xi32>
    %sign3A_435 = arith.cmpi slt, %min3A_425, %sign3A_434 : vector<256x16xi32>
    %sign3A_436 = arith.extui %sign3A_435 : vector<256x16xi1> to vector<256x16xi32>
    %sign3A_437 = arith.subi %sign3A_432, %sign3A_436 : vector<256x16xi32>
    %sign3A_438 = arith.constant 0 : i32
    %sign3A_439 = arith.cmpi sgt, %jit3A_426, %sign3A_438 : i32
    %sign3A_440 = arith.extui %sign3A_439 : i1 to i32
    %sign3A_441 = arith.constant 0 : i32
    %sign3A_442 = arith.cmpi slt, %jit3A_426, %sign3A_441 : i32
    %sign3A_443 = arith.extui %sign3A_442 : i1 to i32
    %sign3A_444 = arith.subi %sign3A_440, %sign3A_443 : i32
    %ne3A_445 = vector.broadcast %sign3A_444 : i32 to vector<256x16xi32>
    %ne3A_446 = arith.cmpi ne, %sign3A_437, %ne3A_445 : vector<256x16xi32>
    %rem3A_447 = vector.broadcast %jit3A_426 : i32 to vector<256x16xi32>
    %rem3A_448 = arith.remsi %min3A_425, %rem3A_447 : vector<256x16xi32>
    %ne3A_449 = arith.constant 0 : i32
    %ne3A_450 = vector.broadcast %ne3A_449 : i32 to vector<256x16xi32>
    %ne3A_451 = arith.cmpi ne, %rem3A_448, %ne3A_450 : vector<256x16xi32>
    %and3A_452 = arith.andi %ne3A_446, %ne3A_451 : vector<256x16xi1>
    %sub3A_453 = arith.constant 1 : i32
    %sub3A_454 = vector.broadcast %sub3A_453 : i32 to vector<256x16xi32>
    %sub3A_455 = arith.subi %div3A_428, %sub3A_454 : vector<256x16xi32>
    %select_n3A_456 = arith.select %and3A_452, %sub3A_455, %div3A_428 : vector<256x16xi1>, vector<256x16xi32>
    %mul3A_457 = arith.constant 32 : i32
    %mul3A_458 = vector.broadcast %mul3A_457 : i32 to vector<256x16xi32>
    %mul3A_459 = arith.muli %select_n3A_456, %mul3A_458 : vector<256x16xi32>
    %sub3A_460 = arith.subi %min3A_425, %mul3A_459 : vector<256x16xi32>
    %add3A_461 = arith.constant 1 : i32
    %add3A_462 = vector.broadcast %add3A_461 : i32 to vector<256x16xi32>
    %add3A_463 = arith.addi %concatenate3A, %add3A_462 : vector<256x16xi32>
    %jit3A_464 = arith.constant 0 : i32
    %jit3A_465 = arith.constant 961 : i32
    %max3A_466 = vector.broadcast %jit3A_464 : i32 to vector<256x16xi32>
    %max3A_467 = arith.maxsi %max3A_466, %add3A_463 : vector<256x16xi32>
    %min3A_468 = vector.broadcast %jit3A_465 : i32 to vector<256x16xi32>
    %min3A_469 = arith.minsi %min3A_468, %max3A_467 : vector<256x16xi32>
    %jit3A_470 = arith.constant 32 : i32
    %div3A_471 = vector.broadcast %jit3A_470 : i32 to vector<256x16xi32>
    %div3A_472 = arith.divsi %min3A_469, %div3A_471 : vector<256x16xi32>
    %sign3A_473 = arith.constant 0 : i32
    %sign3A_474 = vector.broadcast %sign3A_473 : i32 to vector<256x16xi32>
    %sign3A_475 = arith.cmpi sgt, %min3A_469, %sign3A_474 : vector<256x16xi32>
    %sign3A_476 = arith.extui %sign3A_475 : vector<256x16xi1> to vector<256x16xi32>
    %sign3A_477 = arith.constant 0 : i32
    %sign3A_478 = vector.broadcast %sign3A_477 : i32 to vector<256x16xi32>
    %sign3A_479 = arith.cmpi slt, %min3A_469, %sign3A_478 : vector<256x16xi32>
    %sign3A_480 = arith.extui %sign3A_479 : vector<256x16xi1> to vector<256x16xi32>
    %sign3A_481 = arith.subi %sign3A_476, %sign3A_480 : vector<256x16xi32>
    %sign3A_482 = arith.constant 0 : i32
    %sign3A_483 = arith.cmpi sgt, %jit3A_470, %sign3A_482 : i32
    %sign3A_484 = arith.extui %sign3A_483 : i1 to i32
    %sign3A_485 = arith.constant 0 : i32
    %sign3A_486 = arith.cmpi slt, %jit3A_470, %sign3A_485 : i32
    %sign3A_487 = arith.extui %sign3A_486 : i1 to i32
    %sign3A_488 = arith.subi %sign3A_484, %sign3A_487 : i32
    %ne3A_489 = vector.broadcast %sign3A_488 : i32 to vector<256x16xi32>
    %ne3A_490 = arith.cmpi ne, %sign3A_481, %ne3A_489 : vector<256x16xi32>
    %rem3A_491 = vector.broadcast %jit3A_470 : i32 to vector<256x16xi32>
    %rem3A_492 = arith.remsi %min3A_469, %rem3A_491 : vector<256x16xi32>
    %ne3A_493 = arith.constant 0 : i32
    %ne3A_494 = vector.broadcast %ne3A_493 : i32 to vector<256x16xi32>
    %ne3A_495 = arith.cmpi ne, %rem3A_492, %ne3A_494 : vector<256x16xi32>
    %and3A_496 = arith.andi %ne3A_490, %ne3A_495 : vector<256x16xi1>
    %sub3A_497 = arith.constant 1 : i32
    %sub3A_498 = vector.broadcast %sub3A_497 : i32 to vector<256x16xi32>
    %sub3A_499 = arith.subi %div3A_472, %sub3A_498 : vector<256x16xi32>
    %select_n3A_500 = arith.select %and3A_496, %sub3A_499, %div3A_472 : vector<256x16xi1>, vector<256x16xi32>
    %mul3A_501 = arith.constant 32 : i32
    %mul3A_502 = vector.broadcast %mul3A_501 : i32 to vector<256x16xi32>
    %mul3A_503 = arith.muli %select_n3A_500, %mul3A_502 : vector<256x16xi32>
    %sub3A_504 = arith.subi %min3A_469, %mul3A_503 : vector<256x16xi32>
    %add3A_505 = arith.constant 31 : i32
    %add3A_506 = vector.broadcast %add3A_505 : i32 to vector<256x16xi32>
    %add3A_507 = arith.addi %concatenate3A, %add3A_506 : vector<256x16xi32>
    %jit3A_508 = arith.constant 0 : i32
    %jit3A_509 = arith.constant 961 : i32
    %max3A_510 = vector.broadcast %jit3A_508 : i32 to vector<256x16xi32>
    %max3A_511 = arith.maxsi %max3A_510, %add3A_507 : vector<256x16xi32>
    %min3A_512 = vector.broadcast %jit3A_509 : i32 to vector<256x16xi32>
    %min3A_513 = arith.minsi %min3A_512, %max3A_511 : vector<256x16xi32>
    %jit3A_514 = arith.constant 32 : i32
    %div3A_515 = vector.broadcast %jit3A_514 : i32 to vector<256x16xi32>
    %div3A_516 = arith.divsi %min3A_513, %div3A_515 : vector<256x16xi32>
    %sign3A_517 = arith.constant 0 : i32
    %sign3A_518 = vector.broadcast %sign3A_517 : i32 to vector<256x16xi32>
    %sign3A_519 = arith.cmpi sgt, %min3A_513, %sign3A_518 : vector<256x16xi32>
    %sign3A_520 = arith.extui %sign3A_519 : vector<256x16xi1> to vector<256x16xi32>
    %sign3A_521 = arith.constant 0 : i32
    %sign3A_522 = vector.broadcast %sign3A_521 : i32 to vector<256x16xi32>
    %sign3A_523 = arith.cmpi slt, %min3A_513, %sign3A_522 : vector<256x16xi32>
    %sign3A_524 = arith.extui %sign3A_523 : vector<256x16xi1> to vector<256x16xi32>
    %sign3A_525 = arith.subi %sign3A_520, %sign3A_524 : vector<256x16xi32>
    %sign3A_526 = arith.constant 0 : i32
    %sign3A_527 = arith.cmpi sgt, %jit3A_514, %sign3A_526 : i32
    %sign3A_528 = arith.extui %sign3A_527 : i1 to i32
    %sign3A_529 = arith.constant 0 : i32
    %sign3A_530 = arith.cmpi slt, %jit3A_514, %sign3A_529 : i32
    %sign3A_531 = arith.extui %sign3A_530 : i1 to i32
    %sign3A_532 = arith.subi %sign3A_528, %sign3A_531 : i32
    %ne3A_533 = vector.broadcast %sign3A_532 : i32 to vector<256x16xi32>
    %ne3A_534 = arith.cmpi ne, %sign3A_525, %ne3A_533 : vector<256x16xi32>
    %rem3A_535 = vector.broadcast %jit3A_514 : i32 to vector<256x16xi32>
    %rem3A_536 = arith.remsi %min3A_513, %rem3A_535 : vector<256x16xi32>
    %ne3A_537 = arith.constant 0 : i32
    %ne3A_538 = vector.broadcast %ne3A_537 : i32 to vector<256x16xi32>
    %ne3A_539 = arith.cmpi ne, %rem3A_536, %ne3A_538 : vector<256x16xi32>
    %and3A_540 = arith.andi %ne3A_534, %ne3A_539 : vector<256x16xi1>
    %sub3A_541 = arith.constant 1 : i32
    %sub3A_542 = vector.broadcast %sub3A_541 : i32 to vector<256x16xi32>
    %sub3A_543 = arith.subi %div3A_516, %sub3A_542 : vector<256x16xi32>
    %select_n3A_544 = arith.select %and3A_540, %sub3A_543, %div3A_516 : vector<256x16xi1>, vector<256x16xi32>
    %mul3A_545 = arith.constant 32 : i32
    %mul3A_546 = vector.broadcast %mul3A_545 : i32 to vector<256x16xi32>
    %mul3A_547 = arith.muli %select_n3A_544, %mul3A_546 : vector<256x16xi32>
    %sub3A_548 = arith.subi %min3A_513, %mul3A_547 : vector<256x16xi32>
    %add3A_549 = arith.constant 32 : i32
    %add3A_550 = vector.broadcast %add3A_549 : i32 to vector<256x16xi32>
    %add3A_551 = arith.addi %concatenate3A, %add3A_550 : vector<256x16xi32>
    %jit3A_552 = arith.constant 0 : i32
    %jit3A_553 = arith.constant 961 : i32
    %max3A_554 = vector.broadcast %jit3A_552 : i32 to vector<256x16xi32>
    %max3A_555 = arith.maxsi %max3A_554, %add3A_551 : vector<256x16xi32>
    %min3A_556 = vector.broadcast %jit3A_553 : i32 to vector<256x16xi32>
    %min3A_557 = arith.minsi %min3A_556, %max3A_555 : vector<256x16xi32>
    %jit3A_558 = arith.constant 32 : i32
    %div3A_559 = vector.broadcast %jit3A_558 : i32 to vector<256x16xi32>
    %div3A_560 = arith.divsi %min3A_557, %div3A_559 : vector<256x16xi32>
    %sign3A_561 = arith.constant 0 : i32
    %sign3A_562 = vector.broadcast %sign3A_561 : i32 to vector<256x16xi32>
    %sign3A_563 = arith.cmpi sgt, %min3A_557, %sign3A_562 : vector<256x16xi32>
    %sign3A_564 = arith.extui %sign3A_563 : vector<256x16xi1> to vector<256x16xi32>
    %sign3A_565 = arith.constant 0 : i32
    %sign3A_566 = vector.broadcast %sign3A_565 : i32 to vector<256x16xi32>
    %sign3A_567 = arith.cmpi slt, %min3A_557, %sign3A_566 : vector<256x16xi32>
    %sign3A_568 = arith.extui %sign3A_567 : vector<256x16xi1> to vector<256x16xi32>
    %sign3A_569 = arith.subi %sign3A_564, %sign3A_568 : vector<256x16xi32>
    %sign3A_570 = arith.constant 0 : i32
    %sign3A_571 = arith.cmpi sgt, %jit3A_558, %sign3A_570 : i32
    %sign3A_572 = arith.extui %sign3A_571 : i1 to i32
    %sign3A_573 = arith.constant 0 : i32
    %sign3A_574 = arith.cmpi slt, %jit3A_558, %sign3A_573 : i32
    %sign3A_575 = arith.extui %sign3A_574 : i1 to i32
    %sign3A_576 = arith.subi %sign3A_572, %sign3A_575 : i32
    %ne3A_577 = vector.broadcast %sign3A_576 : i32 to vector<256x16xi32>
    %ne3A_578 = arith.cmpi ne, %sign3A_569, %ne3A_577 : vector<256x16xi32>
    %rem3A_579 = vector.broadcast %jit3A_558 : i32 to vector<256x16xi32>
    %rem3A_580 = arith.remsi %min3A_557, %rem3A_579 : vector<256x16xi32>
    %ne3A_581 = arith.constant 0 : i32
    %ne3A_582 = vector.broadcast %ne3A_581 : i32 to vector<256x16xi32>
    %ne3A_583 = arith.cmpi ne, %rem3A_580, %ne3A_582 : vector<256x16xi32>
    %and3A_584 = arith.andi %ne3A_578, %ne3A_583 : vector<256x16xi1>
    %sub3A_585 = arith.constant 1 : i32
    %sub3A_586 = vector.broadcast %sub3A_585 : i32 to vector<256x16xi32>
    %sub3A_587 = arith.subi %div3A_560, %sub3A_586 : vector<256x16xi32>
    %select_n3A_588 = arith.select %and3A_584, %sub3A_587, %div3A_560 : vector<256x16xi1>, vector<256x16xi32>
    %mul3A_589 = arith.constant 32 : i32
    %mul3A_590 = vector.broadcast %mul3A_589 : i32 to vector<256x16xi32>
    %mul3A_591 = arith.muli %select_n3A_588, %mul3A_590 : vector<256x16xi32>
    %sub3A_592 = arith.subi %min3A_557, %mul3A_591 : vector<256x16xi32>
    %add3A_593 = arith.constant 33 : i32
    %add3A_594 = vector.broadcast %add3A_593 : i32 to vector<256x16xi32>
    %add3A_595 = arith.addi %concatenate3A, %add3A_594 : vector<256x16xi32>
    %jit3A_596 = arith.constant 0 : i32
    %jit3A_597 = arith.constant 961 : i32
    %max3A_598 = vector.broadcast %jit3A_596 : i32 to vector<256x16xi32>
    %max3A_599 = arith.maxsi %max3A_598, %add3A_595 : vector<256x16xi32>
    %min3A_600 = vector.broadcast %jit3A_597 : i32 to vector<256x16xi32>
    %min3A_601 = arith.minsi %min3A_600, %max3A_599 : vector<256x16xi32>
    %jit3A_602 = arith.constant 32 : i32
    %div3A_603 = vector.broadcast %jit3A_602 : i32 to vector<256x16xi32>
    %div3A_604 = arith.divsi %min3A_601, %div3A_603 : vector<256x16xi32>
    %sign3A_605 = arith.constant 0 : i32
    %sign3A_606 = vector.broadcast %sign3A_605 : i32 to vector<256x16xi32>
    %sign3A_607 = arith.cmpi sgt, %min3A_601, %sign3A_606 : vector<256x16xi32>
    %sign3A_608 = arith.extui %sign3A_607 : vector<256x16xi1> to vector<256x16xi32>
    %sign3A_609 = arith.constant 0 : i32
    %sign3A_610 = vector.broadcast %sign3A_609 : i32 to vector<256x16xi32>
    %sign3A_611 = arith.cmpi slt, %min3A_601, %sign3A_610 : vector<256x16xi32>
    %sign3A_612 = arith.extui %sign3A_611 : vector<256x16xi1> to vector<256x16xi32>
    %sign3A_613 = arith.subi %sign3A_608, %sign3A_612 : vector<256x16xi32>
    %sign3A_614 = arith.constant 0 : i32
    %sign3A_615 = arith.cmpi sgt, %jit3A_602, %sign3A_614 : i32
    %sign3A_616 = arith.extui %sign3A_615 : i1 to i32
    %sign3A_617 = arith.constant 0 : i32
    %sign3A_618 = arith.cmpi slt, %jit3A_602, %sign3A_617 : i32
    %sign3A_619 = arith.extui %sign3A_618 : i1 to i32
    %sign3A_620 = arith.subi %sign3A_616, %sign3A_619 : i32
    %ne3A_621 = vector.broadcast %sign3A_620 : i32 to vector<256x16xi32>
    %ne3A_622 = arith.cmpi ne, %sign3A_613, %ne3A_621 : vector<256x16xi32>
    %rem3A_623 = vector.broadcast %jit3A_602 : i32 to vector<256x16xi32>
    %rem3A_624 = arith.remsi %min3A_601, %rem3A_623 : vector<256x16xi32>
    %ne3A_625 = arith.constant 0 : i32
    %ne3A_626 = vector.broadcast %ne3A_625 : i32 to vector<256x16xi32>
    %ne3A_627 = arith.cmpi ne, %rem3A_624, %ne3A_626 : vector<256x16xi32>
    %and3A_628 = arith.andi %ne3A_622, %ne3A_627 : vector<256x16xi1>
    %sub3A_629 = arith.constant 1 : i32
    %sub3A_630 = vector.broadcast %sub3A_629 : i32 to vector<256x16xi32>
    %sub3A_631 = arith.subi %div3A_604, %sub3A_630 : vector<256x16xi32>
    %select_n3A_632 = arith.select %and3A_628, %sub3A_631, %div3A_604 : vector<256x16xi1>, vector<256x16xi32>
    %mul3A_633 = arith.constant 32 : i32
    %mul3A_634 = vector.broadcast %mul3A_633 : i32 to vector<256x16xi32>
    %mul3A_635 = arith.muli %select_n3A_632, %mul3A_634 : vector<256x16xi32>
    %sub3A_636 = arith.subi %min3A_601, %mul3A_635 : vector<256x16xi32>
    %concatenate3A_637 = tpu.concatenate %select_n3A_281, %select_n3A_324, %select_n3A_368, %select_n3A_412, %select_n3A_456, %select_n3A_500, %select_n3A_544, %select_n3A_588, %select_n3A_632 in 1 : vector<256x16xi32>, vector<256x16xi32>, vector<256x16xi32>, vector<256x16xi32>, vector<256x16xi32>, vector<256x16xi32>, vector<256x16xi32>, vector<256x16xi32>, vector<256x16xi32> -> vector<256x144xi32>
    %convert_element_type3A = arith.sitofp %concatenate3A_637 : vector<256x144xi32> to vector<256x144xf32>
    %mul3A_638 = arith.constant 3.125000e-02 : f32
    %mul3A_639 = vector.broadcast %mul3A_638 : f32 to vector<256x144xf32>
    %mul3A_640 = arith.mulf %convert_element_type3A, %mul3A_639 : vector<256x144xf32>
    %swap3A_641 = arith.constant 0 : index
    %swap3A_642 = arith.constant 0 : index
    %swap3A_643 = arith.constant 0 : index
    %swap3A_644 = arith.constant 0 : index
    %swap3A_645 = vector.load %arg6[%swap3A_641, %swap3A_642, %swap3A_643, %swap3A_644] : memref<1x1x256x144xf32, #tpu.memory_space<vmem>>, vector<1x1x256x144xf32>
    %swap3A_646 = vector.shape_cast %swap3A_645 : vector<1x1x256x144xf32> to vector<256x144xf32>
    %swap3A_647 = vector.shape_cast %mul3A_640 : vector<256x144xf32> to vector<1x1x256x144xf32>
    tpu.vector_store %arg6[%swap3A_641, %swap3A_642, %swap3A_643, %swap3A_644], %swap3A_647 {strides = array<i32>} : memref<1x1x256x144xf32, #tpu.memory_space<vmem>>, vector<1x1x256x144xf32>,
    %concatenate3A_648 = tpu.concatenate %sub3A_284, %sub3A_328, %sub3A_372, %sub3A_416, %sub3A_460, %sub3A_504, %sub3A_548, %sub3A_592, %sub3A_636 in 1 : vector<256x16xi32>, vector<256x16xi32>, vector<256x16xi32>, vector<256x16xi32>, vector<256x16xi32>, vector<256x16xi32>, vector<256x16xi32>, vector<256x16xi32>, vector<256x16xi32> -> vector<256x144xi32>
    %convert_element_type3A_649 = arith.sitofp %concatenate3A_648 : vector<256x144xi32> to vector<256x144xf32>
    %mul3A_650 = arith.constant 3.125000e-02 : f32
    %mul3A_651 = vector.broadcast %mul3A_650 : f32 to vector<256x144xf32>
    %mul3A_652 = arith.mulf %convert_element_type3A_649, %mul3A_651 : vector<256x144xf32>
    %swap3A_653 = arith.constant 0 : index
    %swap3A_654 = arith.constant 0 : index
    %swap3A_655 = arith.constant 0 : index
    %swap3A_656 = arith.constant 0 : index
    %swap3A_657 = vector.load %arg7[%swap3A_653, %swap3A_654, %swap3A_655, %swap3A_656] : memref<1x1x256x144xf32, #tpu.memory_space<vmem>>, vector<1x1x256x144xf32>
    %swap3A_658 = vector.shape_cast %swap3A_657 : vector<1x1x256x144xf32> to vector<256x144xf32>
    %swap3A_659 = vector.shape_cast %mul3A_652 : vector<256x144xf32> to vector<1x1x256x144xf32>
    tpu.vector_store %arg7[%swap3A_653, %swap3A_654, %swap3A_655, %swap3A_656], %swap3A_659 {strides = array<i32>} : memref<1x1x256x144xf32, #tpu.memory_space<vmem>>, vector<1x1x256x144xf32>,
    return
  }
  func.func @transform_0(%arg0: i32, %arg1: i32, %arg2: i32) -> (i32, i32, i32, i32) {
    %c0_i32 = arith.constant 0 : i32
    %c0_i32_0 = arith.constant 0 : i32
    return %arg0, %arg1, %arg2, %c0_i32 : i32, i32, i32, i32
  }
  func.func @transform_1(%arg0: i32, %arg1: i32, %arg2: i32) -> (i32, i32, i32, i32) {
    %c0_i32 = arith.constant 0 : i32
    %c0_i32_0 = arith.constant 0 : i32
    %c0_i32_1 = arith.constant 0 : i32
    return %arg0, %arg1, %c0_i32, %c0_i32_0 : i32, i32, i32, i32
  }
  func.func @transform_2(%arg0: i32, %arg1: i32, %arg2: i32) -> (i32, i32, i32, i32) {
    %c0_i32 = arith.constant 0 : i32
    %c0_i32_0 = arith.constant 0 : i32
    return %arg0, %arg1, %arg2, %c0_i32 : i32, i32, i32, i32
  }
  func.func @transform_3(%arg0: i32, %arg1: i32, %arg2: i32) -> (i32, i32, i32, i32) {
    %c0_i32 = arith.constant 0 : i32
    %c0_i32_0 = arith.constant 0 : i32
    return %arg0, %arg1, %arg2, %c0_i32 : i32, i32, i32, i32
  }
  func.func @transform_4(%arg0: i32, %arg1: i32, %arg2: i32) -> (i32, i32, i32, i32) {
    %c0_i32 = arith.constant 0 : i32
    %c0_i32_0 = arith.constant 0 : i32
    return %arg0, %arg1, %arg2, %c0_i32 : i32, i32, i32, i32
  }
}

module attributes {stable_mosaic.version = 14 : i64} {
  func.func @_table_body(%arg0: i32, %arg1: i32, %arg2: memref<1024x1024xf32, #tpu.memory_space<vmem>>, %arg3: memref<1x1x1024x256xf32, #tpu.memory_space<vmem>>, %arg4: memref<1x1x1024x256xf32, #tpu.memory_space<vmem>>) attributes {dimension_semantics = [#tpu.dimension_semantics<arbitrary>, #tpu.dimension_semantics<arbitrary>], iteration_bounds = array<i64: 2, 4>, scalar_prefetch = 0 : i64, scratch_operands = 0 : i64, tpu.core_type = #tpu.core_type<tc>, window_params = [{pipeline_mode = #tpu.pipeline_mode<synchronous>, transform_indices = @transform_0, window_bounds = array<i64: 1024, 1024>}, {transform_indices = @transform_1, window_bounds = array<i64: 1, 1, 1024, 256>}, {transform_indices = @transform_2, window_bounds = array<i64: 1, 1, 1024, 256>}]} {
    %get3A = arith.constant 0 : index
    %get3A_0 = arith.constant 0 : index
    %get3A_1 = vector.load %arg2[%get3A, %get3A_0] : memref<1024x1024xf32, #tpu.memory_space<vmem>>, vector<1024x1024xf32>
    %get3A_2 = arith.constant 0 : index
    %get3A_3 = arith.constant 0 : index
    %get3A_4 = arith.constant 0 : index
    %get3A_5 = arith.constant 0 : index
    %get3A_6 = vector.load %arg3[%get3A_2, %get3A_3, %get3A_4, %get3A_5] : memref<1x1x1024x256xf32, #tpu.memory_space<vmem>>, vector<1x1x1024x256xf32>
    %get3A_7 = vector.shape_cast %get3A_6 : vector<1x1x1024x256xf32> to vector<1024x256xf32>
    %dot_general3A = arith.constant dense<0.000000e+00> : vector<1024x256xf32>
    %dot_general3A_8 = tpu.matmul %get3A_1, %get3A_7, %dot_general3A {dimension_numbers = #tpu.dot_dimension_numbers<[1], [0], [0], [1], [0, 0, 1, 1], [], []>, transpose_lhs_hint = false} : vector<1024x1024xf32>, vector<1024x256xf32>, vector<1024x256xf32> -> vector<1024x256xf32>
    %swap3A = arith.constant 0 : index
    %swap3A_9 = arith.constant 0 : index
    %swap3A_10 = arith.constant 0 : index
    %swap3A_11 = arith.constant 0 : index
    %swap3A_12 = vector.load %arg4[%swap3A, %swap3A_9, %swap3A_10, %swap3A_11] : memref<1x1x1024x256xf32, #tpu.memory_space<vmem>>, vector<1x1x1024x256xf32>
    %swap3A_13 = vector.shape_cast %swap3A_12 : vector<1x1x1024x256xf32> to vector<1024x256xf32>
    %swap3A_14 = vector.shape_cast %dot_general3A_8 : vector<1024x256xf32> to vector<1x1x1024x256xf32>
    tpu.vector_store %arg4[%swap3A, %swap3A_9, %swap3A_10, %swap3A_11], %swap3A_14 {strides = array<i32>} : memref<1x1x1024x256xf32, #tpu.memory_space<vmem>>, vector<1x1x1024x256xf32>,
    return
  }
  func.func @transform_0(%arg0: i32, %arg1: i32) -> (i32, i32) {
    %c0_i32 = arith.constant 0 : i32
    %c0_i32_0 = arith.constant 0 : i32
    %c0_i32_1 = arith.constant 0 : i32
    return %c0_i32, %c0_i32_0 : i32, i32
  }
  func.func @transform_1(%arg0: i32, %arg1: i32) -> (i32, i32, i32, i32) {
    %c0_i32 = arith.constant 0 : i32
    %c0_i32_0 = arith.constant 0 : i32
    %c0_i32_1 = arith.constant 0 : i32
    return %arg0, %arg1, %c0_i32, %c0_i32_0 : i32, i32, i32, i32
  }
  func.func @transform_2(%arg0: i32, %arg1: i32) -> (i32, i32, i32, i32) {
    %c0_i32 = arith.constant 0 : i32
    %c0_i32_0 = arith.constant 0 : i32
    %c0_i32_1 = arith.constant 0 : i32
    return %arg0, %arg1, %c0_i32, %c0_i32_0 : i32, i32, i32, i32
  }
}

module attributes {stable_mosaic.version = 14 : i64} {
  func.func @_proj_body(%arg0: i32, %arg1: memref<2048x256xf32, #tpu.memory_space<vmem>>, %arg2: memref<256x256xf32, #tpu.memory_space<vmem>>, %arg3: memref<1x256xf32, #tpu.memory_space<vmem>>, %arg4: memref<2048x256xf32, #tpu.memory_space<vmem>>) attributes {dimension_semantics = [#tpu.dimension_semantics<arbitrary>], iteration_bounds = array<i64: 1>, scalar_prefetch = 0 : i64, scratch_operands = 0 : i64, tpu.core_type = #tpu.core_type<tc>, window_params = [{pipeline_mode = #tpu.pipeline_mode<synchronous>, transform_indices = @transform_0, window_bounds = array<i64: 2048, 256>}, {pipeline_mode = #tpu.pipeline_mode<synchronous>, transform_indices = @transform_1, window_bounds = array<i64: 256, 256>}, {pipeline_mode = #tpu.pipeline_mode<synchronous>, transform_indices = @transform_2, window_bounds = array<i64: 1, 256>}, {pipeline_mode = #tpu.pipeline_mode<synchronous>, transform_indices = @transform_3, window_bounds = array<i64: 2048, 256>}]} {
    %get3A = arith.constant 0 : index
    %get3A_0 = arith.constant 0 : index
    %get3A_1 = vector.load %arg1[%get3A, %get3A_0] : memref<2048x256xf32, #tpu.memory_space<vmem>>, vector<2048x256xf32>
    %get3A_2 = arith.constant 0 : index
    %get3A_3 = arith.constant 0 : index
    %get3A_4 = vector.load %arg2[%get3A_2, %get3A_3] : memref<256x256xf32, #tpu.memory_space<vmem>>, vector<256x256xf32>
    %dot_general3A = arith.constant dense<0.000000e+00> : vector<2048x256xf32>
    %dot_general3A_5 = tpu.matmul %get3A_1, %get3A_4, %dot_general3A {dimension_numbers = #tpu.dot_dimension_numbers<[1], [1], [0], [0], [0, 0, 1, 0], [], []>, transpose_lhs_hint = false} : vector<2048x256xf32>, vector<256x256xf32>, vector<2048x256xf32> -> vector<2048x256xf32>
    %get3A_6 = arith.constant 0 : index
    %get3A_7 = arith.constant 0 : index
    %get3A_8 = vector.load %arg3[%get3A_6, %get3A_7] : memref<1x256xf32, #tpu.memory_space<vmem>>, vector<1x256xf32>
    %add3A = vector.broadcast %get3A_8 : vector<1x256xf32> to vector<2048x256xf32>
    %add3A_9 = arith.addf %dot_general3A_5, %add3A : vector<2048x256xf32>
    %swap3A = arith.constant 0 : index
    %swap3A_10 = arith.constant 0 : index
    %swap3A_11 = vector.load %arg4[%swap3A, %swap3A_10] : memref<2048x256xf32, #tpu.memory_space<vmem>>, vector<2048x256xf32>
    tpu.vector_store %arg4[%swap3A, %swap3A_10], %add3A_9 {strides = array<i32>} : memref<2048x256xf32, #tpu.memory_space<vmem>>, vector<2048x256xf32>,
    return
  }
  func.func @transform_0(%arg0: i32) -> (i32, i32) {
    %c0_i32 = arith.constant 0 : i32
    %c0_i32_0 = arith.constant 0 : i32
    %c0_i32_1 = arith.constant 0 : i32
    return %c0_i32, %c0_i32_0 : i32, i32
  }
  func.func @transform_1(%arg0: i32) -> (i32, i32) {
    %c0_i32 = arith.constant 0 : i32
    %c0_i32_0 = arith.constant 0 : i32
    %c0_i32_1 = arith.constant 0 : i32
    return %c0_i32, %c0_i32_0 : i32, i32
  }
  func.func @transform_2(%arg0: i32) -> (i32, i32) {
    %c0_i32 = arith.constant 0 : i32
    %c0_i32_0 = arith.constant 0 : i32
    %c0_i32_1 = arith.constant 0 : i32
    return %c0_i32, %c0_i32_0 : i32, i32
  }
  func.func @transform_3(%arg0: i32) -> (i32, i32) {
    %c0_i32 = arith.constant 0 : i32
    %c0_i32_0 = arith.constant 0 : i32
    %c0_i32_1 = arith.constant 0 : i32
    return %c0_i32, %c0_i32_0 : i32, i32
  }
}

</mosaic_0001>

<sc_bundles>
// kernel: kernel.6.cloned.1.call-start
scs
__scs_entry_jumppad:
0x0: {  	(pc) =	sbr.rel $0x88, $3  }
0x1: {  	(tag) =	ssettag $0x0;
	lr =	simm.s32 $0x1  }
0x2: {  	[smem:$0x3F9D] =	sst lr;
	_ =	strace $0xD0000000  }
0x3: {  	_ = 	snop  }
0x4: {  	_ = 	snop  }
0x5: {  	_ = 	snop  }
0x6: {  	_ = 	snop  }
0x7: {  	_ = 	snop  }
__scs_overlays_trampoline_lowered:
0x8: {  	[smem:$0x3FAC] =	sst s0  }
0x9: {  	[smem:$0x3FAD] =	sst s1  }
0xa: {  	[smem:$0x3FAE] =	sst s2  }
0xb: {  	[smem:$0x3FAF] =	sst s3  }
0xc: {  	[smem:$0x3FB0] =	sst s4  }
0xd: {  	[smem:$0x3FB1] =	sst s5  }
0xe: {  	[smem:$0x3FB2] =	sst s6  }
0xf: {  	[smem:$0x3FB3] =	sst s7  }
0x10: {  	[smem:$0x3FB4] =	sst s8  }
0x11: {  	[smem:$0x3FB5] =	sst s9;
	s0 =	simm.s32 @!p0 $0x0  }
0x12: {  	s1 =	sld [smem:$0x3F9B];
	s0 =	simm.s32 @p0 $0x1  }
0x13: {  	[smem:$0x3FB6] =	sst s0;
	s0 =	simm.s32 @!p1 $0x0  }
0x14: {  	s2 =	sld [smem:$0x3F9A];
	s0 =	simm.s32 @p1 $0x1  }
0x15: {  	[smem:$0x3FB7] =	sst s0;
	s0 =	simm.s32 @!p2 $0x0  }
0x16: {  	s3 =	sld [smem:$0x3FDB];
	s0 =	simm.s32 @p2 $0x1  }
0x17: {  	s4 =	simm.s32 $0x1BF5;
	[smem:$0x3FB9] =	sst s0  }
0x18: {  	s0 =	sld [smem:$0x3F9C];
	_ =	swait.ge [sflag:s4], $0x0  }
0x19: {  	s7 =	sld [smem:$0x3F9D]  }
0x1a: {  	s8 =	sadd.s32 $0xFFFFE003, lr  }
0x1b: {  	s9 =	sadd.s32 $0xFFFFFEF7, lr;
	s5 =	simm.s32 $0xFFFFFFFF;
	p2 =	slt.u32 s8, $0xFFFFF086  }
0x1c: {  	p1 =	slt.u32 s9, $0xF7A;
	s5 =	simm.s32 @!p2 $0x0  }
0x1d: {  	s5 =	simm.s32 @p1 $0x1;
	p0 =	seq.s32 s7, s2  }
0x1e: {  	s7 =	smul.u32 @!p0 $0xF7A, s2;
	p2 =	seq.s32 @!p0 s5, $0x0  }
0x1f: {  	s9 =	smul.u32 $0xF7A, s1;
	s8 =	simm.s32 @!p0 $0x1BF5;
	p2 =	por !p2, p0  }
0x20: {  	[sflag:s8] =	ssyncset.s32 @!p0 $0xFFFFF086;
	s6 =	sadd.s32 @!p0 s3, s7;
	s7 =	simm.s32 @!p0 $0x108  }
0x21: {  	s3 =	sadd.s32 s3, s9;
	s6 =	sadd.s32 @!p0 $0x88, s6;
	s7 =	simm.s32 @p2 $0x1082  }
0x22: {  	[simem:s7], [sflag:s8] =	dma.local @!p0 [hbm:s6], $0xF7A  }
0x23: {  	s9 =	sor.u32 $0xD0000000, s2;
	s6 =	simm.s32 $0x108;
	_ =	swait.ge @!p0 [sflag:s8], $0x0  }
0x24: {  	s3 =	sadd.s32 $0x88, s3;
	s6 =	simm.s32 @!p1 $0x1082;
	[sflag:s4] =	ssyncset.s32 $0xFFFFF086  }
0x25: {  	[simem:s6], [sflag:s4] =	dma.local [hbm:s3], $0xF7A  }
0x26: {  	[smem:$0x3F9D] =	sst s1;
	(tag) =	ssettag s2;
	_ =	strace s9  }
0x27: {  	s1 =	sld [smem:$0x3FAD]  }
0x28: {  	s2 =	sld [smem:$0x3FAE]  }
0x29: {  	s4 =	sld [smem:$0x3FB0]  }
0x2a: {  	p0 =	seq.s32 s5, $0x0;
	s5 =	sld [smem:$0x3FB1]  }
0x2b: {  	s6 =	sld [smem:$0x3FB2]  }
0x2c: {  	s7 =	sld [smem:$0x3FB3]  }
0x2d: {  	s3 =	simm.s32 $0x108;
	s8 =	sld [smem:$0x3FB4]  }
0x2e: {  	s3 =	simm.s32 @!p0 $0x1082;
	s9 =	sld [smem:$0x3FB5]  }
0x2f: {  	lr =	sadd.s32 s0, s3;
	s0 =	sld [smem:$0x3FAC]  }
0x30: {  	s3 =	sld [smem:$0x3FAF]  }
0x31: {  	[smem:$0x3FB8] =	sst s10  }
0x32: {  	s10 =	sld [smem:$0x3FB6];
	_ =	sdelay $0x3  }
0x33: {  	p0 =	seq.s32 s10, $0x1;
	s10 =	sld [smem:$0x3FB8];
	_ =	sdelay $0x3  }
0x34: {  	[smem:$0x3FB8] =	sst s10  }
0x35: {  	s10 =	sld [smem:$0x3FB7];
	_ =	sdelay $0x3  }
0x36: {  	p1 =	seq.s32 s10, $0x1;
	s10 =	sld [smem:$0x3FB8];
	_ =	sdelay $0x3  }
0x37: {  	[smem:$0x3FB8] =	sst s10  }
0x38: {  	s10 =	sld [smem:$0x3FB9]  }
0x39: {  	_ = 	snop;
	(pc) =	sbr.ind lr, $3  }
0x3a: {  	_ = 	snop  }
0x3b: {  	_ = 	snop  }
0x3c: {  	p2 =	seq.s32 s10, $0x1;
	s10 =	sld [smem:$0x3FB8]  }
0x3d: {  	_ =	shalt  }
0x3e: {  	_ =	shalt  }
0x3f: {  	_ =	shalt  }
0x40: {  	_ =	shalt  }
0x41: {  	_ =	shalt  }
0x42: {  	_ =	shalt  }
0x43: {  	_ =	shalt  }
0x44: {  	_ =	shalt  }
0x45: {  	_ =	shalt  }
0x46: {  	_ =	shalt  }
0x47: {  	_ =	shalt  }
0x48: {  	_ =	shalt  }
0x49: {  	_ =	shalt  }
0x4a: {  	_ =	shalt  }
0x4b: {  	_ =	shalt  }
0x4c: {  	_ =	shalt  }
0x4d: {  	_ =	shalt  }
0x4e: {  	_ =	shalt  }
0x4f: {  	_ =	shalt  }
0x50: {  	_ =	shalt  }
0x51: {  	_ =	shalt  }
0x52: {  	_ =	shalt  }
0x53: {  	_ =	shalt  }
0x54: {  	_ =	shalt  }
0x55: {  	_ =	shalt  }
0x56: {  	_ =	shalt  }
0x57: {  	_ =	shalt  }
0x58: {  	_ =	shalt  }
0x59: {  	_ =	shalt  }
0x5a: {  	_ =	shalt  }
0x5b: {  	_ =	shalt  }
0x5c: {  	_ =	shalt  }
0x5d: {  	_ =	shalt  }
0x5e: {  	_ =	shalt  }
0x5f: {  	_ =	shalt  }
0x60: {  	_ =	shalt  }
0x61: {  	_ =	shalt  }
0x62: {  	_ =	shalt  }
0x63: {  	_ =	shalt  }
0x64: {  	_ =	shalt  }
0x65: {  	_ =	shalt  }
0x66: {  	_ =	shalt  }
0x67: {  	_ =	shalt  }
0x68: {  	_ =	shalt  }
0x69: {  	_ =	shalt  }
0x6a: {  	_ =	shalt  }
0x6b: {  	_ =	shalt  }
0x6c: {  	_ =	shalt  }
0x6d: {  	_ =	shalt  }
0x6e: {  	_ =	shalt  }
0x6f: {  	_ =	shalt  }
0x70: {  	_ =	shalt  }
0x71: {  	_ =	shalt  }
0x72: {  	_ =	shalt  }
0x73: {  	_ =	shalt  }
0x74: {  	_ =	shalt  }
0x75: {  	_ =	shalt  }
0x76: {  	_ =	shalt  }
0x77: {  	_ =	shalt  }
0x78: {  	_ =	shalt  }
0x79: {  	_ =	shalt  }
0x7a: {  	_ =	shalt  }
0x7b: {  	_ =	shalt  }
0x7c: {  	_ =	shalt  }
0x7d: {  	_ =	shalt  }
0x7e: {  	_ =	shalt  }
0x7f: {  	_ =	shalt  }
0x80: {  	_ =	shalt  }
0x81: {  	_ =	shalt  }
0x82: {  	_ =	shalt  }
0x83: {  	_ =	shalt  }
0x84: {  	_ =	shalt  }
0x85: {  	_ =	shalt  }
0x86: {  	_ =	shalt  }
0x87: {  	_ =	shalt  }
.Lfunc_end0:
.L_simem_size_0:
called_computation_lowered:
.L_overlay_start_0:
0x88: {  	s2 =	sld [smem:$0x3FD9]  }
0x89: {  	s3 =	sld [smem:$0x3FFE];
	_ =	sdelay $0x1  }
0x8a: {  	s1 =	srdreg.scid  }
0x8b: {  	s0 =	sand.u32 $0x1, s1  }
0x8c: {  	s14 =	sshll.u32 s0, $0xA;
	s2 =	sadd.s32 s3, s2  }
0x8d: {  	s2 =	sadd.s32 s2, s14  }
0x8e: {  	[smem:$0x3FC4] =	sst s2  }
0x8f: {  	_ = 	snop  }
0x90: {  	s2 =	sld [smem:$0x3FD0];
	_ =	sdelay $0x2  }
0x91: {  	s15 =	simm.s32 $0xA;
	s4 =	simm.s32 $0x10  }
0x92: {  	[smem:s4], [sflag:s15] =	dma.local [hbm:s2], $0x1  }
0x93: {  	_ =	swait.eq [sflag:s15], $0x1  }
0x94: {  	[sflag:s15] =	ssyncset.done $0x0  }
0x95: {  	[sflag:s15] =	ssyncadd.s32 $0xFFFFFFFF  }
0x96: {  	s16 =	sld [smem:$0x10];
	(tm) =	ssettm $0x1  }
0x97: {  	s17 =	sld [smem:$0x3FFB];
	_ =	sdelay $0x3  }
0x98: {  	_ =	strace s17  }
0x99: {  	s3 =	sld [smem:$0x3FFC];
	_ =	sdelay $0x3  }
0x9a: {  	_ =	strace s3  }
0x9b: {  	s3 =	sld [smem:$0x3FFD];
	_ =	sdelay $0x3  }
0x9c: {  	_ =	strace s3  }
0x9d: {  	_ =	strace $0x8FFFFFFF  }
0x9e: {  	s18 =	sld [smem:$0x3FDB];
	_ =	sdelay $0x1  }
0x9f: {  	s19 =	simm.s32 $_scs_section_size  }
0xa0: {  	s5 =	simm.s32 $_size__tile_overlayer_lowered;
	s6 =	simm.s32 $_tile_overlayer_lowered  }
0xa1: {  	s22 =	simm.s32 $0x1BFF;
	s21 =	sshll.u32 s6, $0x1;
	s3 =	sadd.s32 s19, s18  }
0xa2: {  	s7 =	simm.s32 $0x0;
	s20 =	sshll.u32 s5, $0x1;
	s5 =	sadd.s32 s21, s3  }
0xa3: {  	[timem:s7], [sflag:s22] =	dma.local [hbm:s5], s20  }
0xa4: {  	_ =	swait.ge [sflag:s22], s20  }
0xa5: {  	s4 =	ssub.s32 $0x0, s20;
	[sflag:s22] =	ssyncset.done $0x0  }
0xa6: {  	[sflag:s22] =	ssyncadd.s32 s4;
	_ =	sdelay $0x1  }
0xa7: {  	s23 =	simm.s32 $0x1B8B  }
0xa8: {  	_ =	swait.ge [sflag:s23], $0x1  }
0xa9: {  	[sflag:s23] =	ssyncset.done $0x0  }
0xaa: {  	s25 =	simm.s32 $0x1B8E;
	s24 =	sld [smem:$0x3FFE];
	[sflag:s23] =	ssyncadd.s32 $0xFFFFFFFF  }
0xab: {  	s26 =	simm.s32 $execute0_lowered;
	[smem:$0x3FD2] =	sst s25  }
0xac: {  	s5 =	sshll.u32 s26, $0x1;
	_ =	strace $0x80000046;
	[dreg:$0x1] =	wrdreg $0xFFFFFFFF  }
0xad: {  	s28 =	simm.s32 $_size_execute0_lowered;
	s3 =	sadd.s32 s3, s5;
	[dreg:$0x0] =	wrdreg $0x0  }
0xae: {  	s5 =	sshll.u32 s28, $0x1;
	[dreg:$0x2] =	wrdreg s3  }
0xaf: {  	[dreg:$0x3] =	wrdreg s5  }
0xb0: {  	[dreg:$0x4] =	wrdreg $0xC0  }
0xb1: {  	_ =	task [dreg:s7], $0x5FFFF  }
0xb2: {  	[dreg:$0x1] =	wrdreg $0xFFFFFFFF  }
0xb3: {  	[dreg:$0x0] =	wrdreg $0x60  }
0xb4: {  	[dreg:$0x2] =	wrdreg s24  }
0xb5: {  	[dreg:$0x3] =	wrdreg s16  }
0xb6: {  	[dreg:$0x4] =	wrdreg $0x9  }
0xb7: {  	_ =	task.clear_ibuf [dreg:s7], $0x5FFFF;
	_ =	strace $0x90000046  }
0xb8: {  	s29 =	simm.s32 $0x9;
	_ =	strace $0x80000048  }
0xb9: {  	_ =	swait.ge [sflag:s29], $0x1  }
0xba: {  	[sflag:s29] =	ssyncadd.s32 $0xFFFFFFFF  }
0xbb: {  	_ =	strace $0x90000048  }
0xbc: {  	_ =	sfence  }
0xbd: {  	s30 =	sld [smem:$0x0];
	_ =	sdelay $0x2  }
0xbe: {  	s31 =	sshll.u32 s1, $0xD;
	s1 =	sshrl.u32 s1, $0x2  }
0xbf: {  	s3 =	sand.u32 $0x4000, s31;
	s1 =	sadd.s32 s1, s30  }
0xc0: {  	s0 =	sor.u32 s3, s0;
	s1 =	sshll.u32 s1, $0x11  }
0xc1: {  	s0 =	sor.u32 s1, s0  }
0xc2: {  	s0 =	sadd.s32 $0x8F2B, s0  }
0xc3: {  	[sflag:s0] =	ssyncadd.remote.s32 $0x1  }
0xc4: {  	_ =	sfence.sel $0xFFFF  }
0xc5: {  	[dreg:$0x0] =	wrdreg $0xFFFFFFFF;
	(pc) =	sbr.abs _section_cstart, $3  }
0xc6: {  	[dreg:$0x1] =	wrdreg $0xFFFFFFFF  }
0xc7: {  	_ =	task.clear_ibuf [dreg:s7], $0x2FFFF;
	_ =	strace $0x9FFFFFFF  }
0xc8: {  	(tm) =	ssettm $0x7FFFFFFF  }
0xc9: {  	_ =	shalt  }
tec
execute0_lowered:
.L_overlay_start_1:
0x0: {  	(tag) =	ssettag $0x1  }
0x1: {  	s0 =	rddreg [dreg:$0x0]  }
0x2: {  	s1 =	rddreg [dreg:$0x1];
	s2 =	simm.s32 $0x0  }
0x3: {  	s3 =	srdreg.scid;
	s8 =	stileid.u32;
	s9 =	simm.s32 $0x80  }
0x4: {  	s10 =	simm.s32 $0x400;
	s11 =	simm.s32 $0x800;
	s12 =	simm.s32 $0x480  }
0x5: {  	s13 =	simm.s32 $0x1800;
	s14 =	simm.s32 $0x500;
	s15 =	simm.s32 $0x2800  }
0x6: {  	s16 =	simm.s32 $0x580;
	s17 =	simm.s32 $0x3800;
	s18 =	simm.s32 $0x600  }
0x7: {  	s19 =	simm.s32 $0x4800;
	s20 =	simm.s32 $0x680;
	s21 =	simm.s32 $0x5800  }
0x8: {  	s22 =	simm.s32 $0x700;
	s23 =	simm.s32 $0x6800;
	s24 =	simm.s32 $0x780  }
0x9: {  	s28 =	simm.s32 $0x8800;
	s29 =	simm.s32 $0x0;
	[smem:$0x7FF] =	sst s2  }
0xa: {  	s3 =	sand.u32 $0x1, s3;
	s4 =	sadd.s32 $0x9600, s0;
	s5 =	sadd.s32 $0x1600, s0  }
0xb: {  	v0 =	vlaneseq.u32;
	s26 =	sshll.u32 s8, $0xC;
	s30 =	sshll.u32 s8, $0xA;
	s6 =	ssub.s32 $0x2, s3  }
0xc: {  	v0 =	vshrl.u32 v0, $0x2;
	_ =	strace $0x80000047;
	s3 =	sshll.u32 s3, $0x9;
	s7 =	sshrl.u32 s6, $0x1  }
0xd: {  	s8 =	sor.u32 s8, s26;
	v0 =	vmul.u32 $0x2000, v0;
	s26 =	simm.s32 $0x1;
	s25 =	ssub.s32 s6, s7  }
0xe: {  	s31 =	sand.u32 $0x8007, s8;
	s8 =	simm.s32 $0x2;
	s0 =	smax.u32 s25, $0x1  }
0xf: {  	s6 =	sor.u32 s3, s30;
	v0 =	vor.u32 s31, v0;
	s25 =	simm.s32 $0x7800;
	[dreg:$0x3] =	wrdreg s0  }
.LBB2_1:
0x10: {  	s30 =	simm.s32 $0x0  }
.LBB2_2:
0x11: {  	s0 =	sshll.u32 s30, $0x6  }
0x12: {  	s31 =	sadd.s32 s6, s0  }
0x13: {  	s0 =	sshll.u32 s31, $0x1  }
0x14: {  	s3 =	simm.s32 $0x0;
	s0 =	sadd.s32 s5, s0  }
0x15: {  	[tilespmem:s3], [sflag:$0x2] =	stream.linear.gather [hbm4b:s0+s3], $0x400, $0x38;
	[tilespmem:$0x9000] =	vst v63  }
0x16: {  	_ =	swait.ge [sflag:s8], $0x400  }
0x17: {  	[sflag:s8] =	ssyncset.done $0x0  }
0x18: {  	[sflag:s8] =	ssyncadd.s32 $0xFFFFFC00  }
0x19: {  	v1 =	vld [tilespmem:$0x0]  }
0x1a: {  	v2 =	vld [tilespmem:$0x10]  }
0x1b: {  	v3 =	vld [tilespmem:$0x20]  }
0x1c: {  	v4 =	vld [tilespmem:$0x30]  }
0x1d: {  	v5 =	vld [tilespmem:$0x40]  }
0x1e: {  	v6 =	vld [tilespmem:$0x50];
	v1 =	vshll.u32 v1, $0x3  }
0x1f: {  	v7 =	vld [tilespmem:$0x60];
	v2 =	vshll.u32 v2, $0x3;
	v1 =	vadd.s32 v0, v1  }
0x20: {  	[tilespmem:$0x400] =	vst v1;
	v1 =	vadd.s32 v0, v2;
	v2 =	vshll.u32 v3, $0x3;
	v3 =	vld [tilespmem:$0x70]  }
0x21: {  	v51 =	vld [tilespmem:$0x80];
	[tilespmem:$0x410] =	vst v1;
	v1 =	vadd.s32 v0, v2;
	v2 =	vshll.u32 v4, $0x3  }
0x22: {  	v52 =	vld [tilespmem:$0x90];
	[tilespmem:$0x420] =	vst v1;
	v1 =	vadd.s32 v0, v2;
	v2 =	vshll.u32 v5, $0x3  }
0x23: {  	v53 =	vld [tilespmem:$0xA0];
	[tilespmem:$0x430] =	vst v1;
	v1 =	vadd.s32 v0, v2;
	v2 =	vshll.u32 v6, $0x3  }
0x24: {  	v54 =	vld [tilespmem:$0xB0];
	[tilespmem:$0x440] =	vst v1;
	v1 =	vadd.s32 v0, v2;
	v2 =	vshll.u32 v7, $0x3  }
0x25: {  	[tilespmem:$0x450] =	vst v1;
	v1 =	vadd.s32 v0, v2;
	v2 =	vshll.u32 v3, $0x3;
	v3 =	vld [tilespmem:$0xC0]  }
0x26: {  	v55 =	vld [tilespmem:$0xD0];
	[tilespmem:$0x460] =	vst v1;
	v1 =	vadd.s32 v0, v2;
	v2 =	vshll.u32 v51, $0x3  }
0x27: {  	v56 =	vld [tilespmem:$0xE0];
	[tilespmem:$0x470] =	vst v1;
	v1 =	vadd.s32 v0, v2;
	v2 =	vshll.u32 v52, $0x3  }
0x28: {  	v57 =	vld [tilespmem:$0xF0];
	[tilespmem:$0x480] =	vst v1;
	v1 =	vadd.s32 v0, v2;
	v2 =	vshll.u32 v53, $0x3  }
0x29: {  	v58 =	vld [tilespmem:$0x100];
	[tilespmem:$0x490] =	vst v1;
	v1 =	vadd.s32 v0, v2;
	v2 =	vshll.u32 v54, $0x3  }
0x2a: {  	[tilespmem:$0x4A0] =	vst v1;
	v1 =	vadd.s32 v0, v2;
	v2 =	vshll.u32 v3, $0x3;
	v3 =	vld [tilespmem:$0x110]  }
0x2b: {  	v59 =	vld [tilespmem:$0x120];
	[tilespmem:$0x4B0] =	vst v1;
	v1 =	vadd.s32 v0, v2;
	v2 =	vshll.u32 v55, $0x3  }
0x2c: {  	v60 =	vld [tilespmem:$0x130];
	[tilespmem:$0x4C0] =	vst v1;
	v1 =	vadd.s32 v0, v2;
	v2 =	vshll.u32 v56, $0x3  }
0x2d: {  	v61 =	vld [tilespmem:$0x140];
	[tilespmem:$0x4D0] =	vst v1;
	v1 =	vadd.s32 v0, v2;
	v2 =	vshll.u32 v57, $0x3  }
0x2e: {  	v62 =	vld [tilespmem:$0x150];
	[tilespmem:$0x4E0] =	vst v1;
	v1 =	vadd.s32 v0, v2;
	v2 =	vshll.u32 v58, $0x3  }
0x2f: {  	[tilespmem:$0x4F0] =	vst v1;
	v1 =	vadd.s32 v0, v2;
	v2 =	vshll.u32 v3, $0x3;
	v3 =	vld [tilespmem:$0x160]  }
0x30: {  	v63 =	vld [tilespmem:$0x170];
	[tilespmem:$0x500] =	vst v1;
	v1 =	vadd.s32 v0, v2;
	v2 =	vshll.u32 v59, $0x3  }
0x31: {  	v9 =	vld [tilespmem:$0x180];
	[tilespmem:$0x510] =	vst v1;
	v1 =	vadd.s32 v0, v2;
	v2 =	vshll.u32 v60, $0x3  }
0x32: {  	v10 =	vld [tilespmem:$0x190];
	[tilespmem:$0x520] =	vst v1;
	v1 =	vadd.s32 v0, v2;
	v2 =	vshll.u32 v61, $0x3  }
0x33: {  	v11 =	vld [tilespmem:$0x1A0];
	[tilespmem:$0x530] =	vst v1;
	v1 =	vadd.s32 v0, v2;
	v2 =	vshll.u32 v62, $0x3  }
0x34: {  	[tilespmem:$0x540] =	vst v1;
	v1 =	vadd.s32 v0, v2;
	v2 =	vshll.u32 v3, $0x3;
	v3 =	vld [tilespmem:$0x1B0]  }
0x35: {  	v12 =	vld [tilespmem:$0x1C0];
	[tilespmem:$0x550] =	vst v1;
	v1 =	vadd.s32 v0, v2;
	v2 =	vshll.u32 v63, $0x3  }
0x36: {  	v13 =	vld [tilespmem:$0x1D0];
	[tilespmem:$0x560] =	vst v1;
	v1 =	vadd.s32 v0, v2;
	v2 =	vshll.u32 v9, $0x3  }
0x37: {  	v14 =	vld [tilespmem:$0x1E0];
	[tilespmem:$0x570] =	vst v1;
	v1 =	vadd.s32 v0, v2;
	v2 =	vshll.u32 v10, $0x3  }
0x38: {  	v15 =	vld [tilespmem:$0x1F0];
	[tilespmem:$0x580] =	vst v1;
	v1 =	vadd.s32 v0, v2;
	v2 =	vshll.u32 v11, $0x3  }
0x39: {  	[tilespmem:$0x590] =	vst v1;
	v1 =	vadd.s32 v0, v2;
	v2 =	vshll.u32 v3, $0x3;
	v3 =	vld [tilespmem:$0x200]  }
0x3a: {  	v16 =	vld [tilespmem:$0x210];
	[tilespmem:$0x5A0] =	vst v1;
	v1 =	vadd.s32 v0, v2;
	v2 =	vshll.u32 v12, $0x3  }
0x3b: {  	v17 =	vld [tilespmem:$0x220];
	[tilespmem:$0x5B0] =	vst v1;
	v1 =	vadd.s32 v0, v2;
	v2 =	vshll.u32 v13, $0x3  }
0x3c: {  	v18 =	vld [tilespmem:$0x230];
	[tilespmem:$0x5C0] =	vst v1;
	v1 =	vadd.s32 v0, v2;
	v2 =	vshll.u32 v14, $0x3  }
0x3d: {  	v19 =	vld [tilespmem:$0x240];
	[tilespmem:$0x5D0] =	vst v1;
	v1 =	vadd.s32 v0, v2;
	v2 =	vshll.u32 v15, $0x3  }
0x3e: {  	[tilespmem:$0x5E0] =	vst v1;
	v1 =	vadd.s32 v0, v2;
	v2 =	vshll.u32 v3, $0x3;
	v3 =	vld [tilespmem:$0x250]  }
0x3f: {  	v20 =	vld [tilespmem:$0x260];
	[tilespmem:$0x5F0] =	vst v1;
	v1 =	vadd.s32 v0, v2;
	v2 =	vshll.u32 v16, $0x3  }
0x40: {  	v21 =	vld [tilespmem:$0x270];
	[tilespmem:$0x600] =	vst v1;
	v1 =	vadd.s32 v0, v2;
	v2 =	vshll.u32 v17, $0x3  }
0x41: {  	v22 =	vld [tilespmem:$0x280];
	[tilespmem:$0x610] =	vst v1;
	v1 =	vadd.s32 v0, v2;
	v2 =	vshll.u32 v18, $0x3  }
0x42: {  	v23 =	vld [tilespmem:$0x290];
	[tilespmem:$0x620] =	vst v1;
	v1 =	vadd.s32 v0, v2;
	v2 =	vshll.u32 v19, $0x3  }
0x43: {  	[tilespmem:$0x630] =	vst v1;
	v1 =	vadd.s32 v0, v2;
	v2 =	vshll.u32 v3, $0x3;
	v3 =	vld [tilespmem:$0x2A0]  }
0x44: {  	v24 =	vld [tilespmem:$0x2B0];
	[tilespmem:$0x640] =	vst v1;
	v1 =	vadd.s32 v0, v2;
	v2 =	vshll.u32 v20, $0x3  }
0x45: {  	v25 =	vld [tilespmem:$0x2C0];
	[tilespmem:$0x650] =	vst v1;
	v1 =	vadd.s32 v0, v2;
	v2 =	vshll.u32 v21, $0x3  }
0x46: {  	v26 =	vld [tilespmem:$0x2D0];
	[tilespmem:$0x660] =	vst v1;
	v1 =	vadd.s32 v0, v2;
	v2 =	vshll.u32 v22, $0x3  }
0x47: {  	v27 =	vld [tilespmem:$0x2E0];
	[tilespmem:$0x670] =	vst v1;
	v1 =	vadd.s32 v0, v2;
	v2 =	vshll.u32 v23, $0x3  }
0x48: {  	[tilespmem:$0x680] =	vst v1;
	v1 =	vadd.s32 v0, v2;
	v2 =	vshll.u32 v3, $0x3;
	v3 =	vld [tilespmem:$0x2F0]  }
0x49: {  	v28 =	vld [tilespmem:$0x300];
	[tilespmem:$0x690] =	vst v1;
	v1 =	vadd.s32 v0, v2;
	v2 =	vshll.u32 v24, $0x3  }
0x4a: {  	v29 =	vld [tilespmem:$0x310];
	[tilespmem:$0x6A0] =	vst v1;
	v1 =	vadd.s32 v0, v2;
	v2 =	vshll.u32 v25, $0x3  }
0x4b: {  	v30 =	vld [tilespmem:$0x320];
	[tilespmem:$0x6B0] =	vst v1;
	v1 =	vadd.s32 v0, v2;
	v2 =	vshll.u32 v26, $0x3  }
0x4c: {  	v31 =	vld [tilespmem:$0x330];
	[tilespmem:$0x6C0] =	vst v1;
	v1 =	vadd.s32 v0, v2;
	v2 =	vshll.u32 v27, $0x3  }
0x4d: {  	[tilespmem:$0x6D0] =	vst v1;
	v1 =	vadd.s32 v0, v2;
	v2 =	vshll.u32 v3, $0x3;
	v3 =	vld [tilespmem:$0x340]  }
0x4e: {  	v32 =	vld [tilespmem:$0x350];
	[tilespmem:$0x6E0] =	vst v1;
	v1 =	vadd.s32 v0, v2;
	v2 =	vshll.u32 v28, $0x3  }
0x4f: {  	v33 =	vld [tilespmem:$0x360];
	[tilespmem:$0x6F0] =	vst v1;
	v1 =	vadd.s32 v0, v2;
	v2 =	vshll.u32 v29, $0x3  }
0x50: {  	v34 =	vld [tilespmem:$0x370];
	[tilespmem:$0x700] =	vst v1;
	v1 =	vadd.s32 v0, v2;
	v2 =	vshll.u32 v30, $0x3  }
0x51: {  	v35 =	vld [tilespmem:$0x380];
	[tilespmem:$0x710] =	vst v1;
	v1 =	vadd.s32 v0, v2;
	v2 =	vshll.u32 v31, $0x3  }
0x52: {  	[tilespmem:$0x720] =	vst v1;
	v1 =	vadd.s32 v0, v2;
	v2 =	vshll.u32 v3, $0x3;
	v3 =	vld [tilespmem:$0x390]  }
0x53: {  	v36 =	vld [tilespmem:$0x3A0];
	[tilespmem:$0x730] =	vst v1;
	v1 =	vadd.s32 v0, v2;
	v2 =	vshll.u32 v32, $0x3  }
0x54: {  	v37 =	vld [tilespmem:$0x3B0];
	[tilespmem:$0x740] =	vst v1;
	v1 =	vadd.s32 v0, v2;
	v2 =	vshll.u32 v33, $0x3  }
0x55: {  	v38 =	vld [tilespmem:$0x3C0];
	[tilespmem:$0x750] =	vst v1;
	v1 =	vadd.s32 v0, v2;
	v2 =	vshll.u32 v34, $0x3  }
0x56: {  	v39 =	vld [tilespmem:$0x3D0];
	[tilespmem:$0x760] =	vst v1;
	v1 =	vadd.s32 v0, v2;
	v2 =	vshll.u32 v35, $0x3  }
0x57: {  	[tilespmem:$0x770] =	vst v1;
	v1 =	vadd.s32 v0, v2;
	v2 =	vshll.u32 v3, $0x3;
	v3 =	vld [tilespmem:$0x3E0]  }
0x58: {  	v40 =	vld [tilespmem:$0x3F0];
	[tilespmem:$0x780] =	vst v1;
	v1 =	vadd.s32 v0, v2;
	v2 =	vshll.u32 v36, $0x3  }
0x59: {  	[tilespmem:$0x790] =	vst v1;
	v1 =	vadd.s32 v0, v2;
	v2 =	vshll.u32 v37, $0x3  }
0x5a: {  	[tilespmem:$0x7A0] =	vst v1;
	v1 =	vadd.s32 v0, v2;
	v2 =	vshll.u32 v38, $0x3  }
0x5b: {  	[tilespmem:$0x7B0] =	vst v1;
	v1 =	vadd.s32 v0, v2;
	v2 =	vshll.u32 v39, $0x3  }
0x5c: {  	[tilespmem:$0x7C0] =	vst v1;
	v1 =	vadd.s32 v0, v2;
	v2 =	vshll.u32 v3, $0x3  }
0x5d: {  	[tilespmem:$0x7D0] =	vst v1;
	v1 =	vadd.s32 v0, v2;
	v2 =	vshll.u32 v40, $0x3  }
0x5e: {  	[tilespmem:$0x7E0] =	vst v1;
	v1 =	vadd.s32 v0, v2  }
0x5f: {  	[tilespmem:$0x7F0] =	vst v1  }
0x60: {  	[tilespmem:s11], [sflag:$0x1] =	stream.indirect.gather [hbm4b:s4+s9], $0x20, s10, s9, $0xb8;
	[tilespmem:$0x9000] =	vst v63  }
0x61: {  	_ = 	snop  }
0x62: {  	[tilespmem:s13], [sflag:$0x1] =	stream.indirect.gather [hbm4b:s4+s9], $0x20, s12, s9, $0xb8;
	[tilespmem:$0x9000] =	vst v63  }
0x63: {  	_ = 	snop  }
0x64: {  	[tilespmem:s15], [sflag:$0x1] =	stream.indirect.gather [hbm4b:s4+s9], $0x20, s14, s9, $0xb8;
	[tilespmem:$0x9000] =	vst v63  }
0x65: {  	_ = 	snop  }
0x66: {  	[tilespmem:s17], [sflag:$0x1] =	stream.indirect.gather [hbm4b:s4+s9], $0x20, s16, s9, $0xb8;
	[tilespmem:$0x9000] =	vst v63  }
0x67: {  	_ = 	snop  }
0x68: {  	[tilespmem:s19], [sflag:$0x1] =	stream.indirect.gather [hbm4b:s4+s9], $0x20, s18, s9, $0xb8;
	[tilespmem:$0x9000] =	vst v63  }
0x69: {  	_ = 	snop  }
0x6a: {  	[tilespmem:s21], [sflag:$0x1] =	stream.indirect.gather [hbm4b:s4+s9], $0x20, s20, s9, $0xb8;
	[tilespmem:$0x9000] =	vst v63  }
0x6b: {  	_ = 	snop  }
0x6c: {  	[tilespmem:s23], [sflag:$0x1] =	stream.indirect.gather [hbm4b:s4+s9], $0x20, s22, s9, $0xb8;
	[tilespmem:$0x9000] =	vst v63  }
0x6d: {  	_ = 	snop  }
0x6e: {  	[tilespmem:s25], [sflag:$0x1] =	stream.indirect.gather [hbm4b:s4+s9], $0x20, s24, s9, $0xb8;
	[tilespmem:$0x9000] =	vst v63  }
0x6f: {  	_ =	swait.ge [sflag:s26], $0x1000  }
0x70: {  	[sflag:s26] =	ssyncset.done $0x0  }
0x71: {  	[sflag:s26] =	ssyncadd.s32 $0xFFFFF000  }
0x72: {  	_ =	swait.ge [sflag:s26], $0x1000  }
0x73: {  	[sflag:s26] =	ssyncset.done $0x0  }
0x74: {  	[sflag:s26] =	ssyncadd.s32 $0xFFFFF000  }
0x75: {  	_ =	swait.ge [sflag:s26], $0x1000  }
0x76: {  	[sflag:s26] =	ssyncset.done $0x0  }
0x77: {  	[sflag:s26] =	ssyncadd.s32 $0xFFFFF000  }
0x78: {  	_ =	swait.ge [sflag:s26], $0x1000  }
0x79: {  	[sflag:s26] =	ssyncset.done $0x0  }
0x7a: {  	[sflag:s26] =	ssyncadd.s32 $0xFFFFF000  }
0x7b: {  	_ =	swait.ge [sflag:s26], $0x1000  }
0x7c: {  	[sflag:s26] =	ssyncset.done $0x0  }
0x7d: {  	[sflag:s26] =	ssyncadd.s32 $0xFFFFF000  }
0x7e: {  	_ =	swait.ge [sflag:s26], $0x1000  }
0x7f: {  	[sflag:s26] =	ssyncset.done $0x0  }
0x80: {  	[sflag:s26] =	ssyncadd.s32 $0xFFFFF000  }
0x81: {  	_ =	swait.ge [sflag:s26], $0x1000  }
0x82: {  	[sflag:s26] =	ssyncset.done $0x0  }
0x83: {  	[sflag:s26] =	ssyncadd.s32 $0xFFFFF000  }
0x84: {  	_ =	swait.ge [sflag:s26], $0x1000  }
0x85: {  	[sflag:s26] =	ssyncset.done $0x0  }
0x86: {  	s0 =	simm.s32 $0x900;
	[sflag:s26] =	ssyncadd.s32 $0xFFFFF000  }
0x87: {  	v1 =	vld [tilespmem:s0+$0xFFFFFF30]  }
0x88: {  	v2 =	vld [tilespmem:s0+$0xFFFFFF00]  }
0x89: {  	v3 =	vld [tilespmem:s0+$0xFFFFFF20]  }
0x8a: {  	v41 =	vld [tilespmem:s0+$0xFFFFFF10]  }
0x8b: {  	v42 =	vld [tilespmem:s0+$0xFFFFFF40]  }
0x8c: {  	v43 =	vld [tilespmem:s0+$0xFFFFFF50]  }
0x8d: {  	v44 =	vld [tilespmem:s0+$0xFFFFFF60]  }
0x8e: {  	v8 =	vld [tilespmem:s0+$0xFFFFFF80];
	v2 =	vadd.f32 v3, v2  }
0x8f: {  	v3 =	vld [tilespmem:s0+$0xFFFFFF70]  }
0x90: {  	v45 =	vld [tilespmem:s0+$0xFFFFFF90];
	v1 =	vadd.f32 v1, v41;
	v2 =	vadd.f32 v42, v2  }
0x91: {  	v46 =	vld [tilespmem:s0+$0xFFFFFFA0]  }
0x92: {  	v47 =	vld [tilespmem:s0+$0xFFFFFFB0];
	v1 =	vadd.f32 v43, v1;
	v2 =	vadd.f32 v44, v2  }
0x93: {  	v48 =	vld [tilespmem:s0+$0xFFFFFFC0]  }
0x94: {  	v49 =	vld [tilespmem:s0+$0xFFFFFFE0];
	v1 =	vadd.f32 v3, v1;
	v2 =	vadd.f32 v8, v2  }
0x95: {  	v3 =	vld [tilespmem:s0+$0xFFFFFFD0]  }
0x96: {  	v50 =	vld [tilespmem:s0+$0xFFFFFFF0];
	v1 =	vadd.f32 v45, v1;
	v2 =	vadd.f32 v46, v2  }
0x97: {  	v51 =	vld [tilespmem:s0+$0x0]  }
0x98: {  	v52 =	vld [tilespmem:s0+$0x10];
	v1 =	vadd.f32 v47, v1;
	v2 =	vadd.f32 v48, v2  }
0x99: {  	v53 =	vld [tilespmem:s0+$0x20]  }
0x9a: {  	v54 =	vld [tilespmem:s0+$0x40];
	v1 =	vadd.f32 v3, v1;
	v2 =	vadd.f32 v49, v2  }
0x9b: {  	v3 =	vld [tilespmem:s0+$0x30]  }
0x9c: {  	v55 =	vld [tilespmem:s0+$0x50];
	v1 =	vadd.f32 v50, v1;
	v2 =	vadd.f32 v51, v2  }
0x9d: {  	v56 =	vld [tilespmem:s0+$0x60]  }
0x9e: {  	v57 =	vld [tilespmem:s0+$0x70];
	v1 =	vadd.f32 v52, v1;
	v2 =	vadd.f32 v53, v2  }
0x9f: {  	v58 =	vld [tilespmem:s0+$0x80]  }
0xa0: {  	v59 =	vld [tilespmem:s0+$0xA0];
	v1 =	vadd.f32 v3, v1;
	v2 =	vadd.f32 v54, v2  }
0xa1: {  	v3 =	vld [tilespmem:s0+$0x90]  }
0xa2: {  	v60 =	vld [tilespmem:s0+$0xB0];
	v1 =	vadd.f32 v55, v1;
	v2 =	vadd.f32 v56, v2  }
0xa3: {  	v61 =	vld [tilespmem:s0+$0xC0]  }
0xa4: {  	v62 =	vld [tilespmem:s0+$0xD0];
	v1 =	vadd.f32 v57, v1;
	v2 =	vadd.f32 v58, v2  }
0xa5: {  	v63 =	vld [tilespmem:s0+$0xE0]  }
0xa6: {  	v1 =	vadd.f32 v3, v1;
	v2 =	vadd.f32 v59, v2  }
0xa7: {  	v3 =	vld [tilespmem:s0+$0xF0]  }
0xa8: {  	v1 =	vadd.f32 v60, v1;
	v2 =	vadd.f32 v61, v2;
	_ =	sdelay $0x1  }
0xa9: {  	v1 =	vadd.f32 v62, v1;
	v2 =	vadd.f32 v63, v2  }
0xaa: {  	s7 =	simm.s32 $0x0  }
0xab: {  	s3 =	simm.s32 $0x80;
	v1 =	vadd.f32 v3, v1;
	[tilespmem:s7+$0x8800] =	vst v2  }
.LBB2_3:
0xac: {  	p0 =	sne.s32 s3, $0x1F80  }
0xad: {  	[tilespmem:s7+$0x8810] =	vst v1;
	s0 =	sadd.s32 $0x200, s0;
	s7 =	smov.u32 s3;
	s3 =	sadd.s32 $0x80, s3  }
0xae: {  	v1 =	vld [tilespmem:s0+$0xFFFFFF30]  }
0xaf: {  	v2 =	vld [tilespmem:s0+$0xFFFFFF00]  }
0xb0: {  	v3 =	vld [tilespmem:s0+$0xFFFFFF20]  }
0xb1: {  	v4 =	vld [tilespmem:s0+$0xFFFFFF10]  }
0xb2: {  	v5 =	vld [tilespmem:s0+$0xFFFFFF40]  }
0xb3: {  	v6 =	vld [tilespmem:s0+$0xFFFFFF50]  }
0xb4: {  	v7 =	vld [tilespmem:s0+$0xFFFFFF60]  }
0xb5: {  	v2 =	vadd.f32 v3, v2;
	v3 =	vld [tilespmem:s0+$0xFFFFFF70]  }
0xb6: {  	v1 =	vadd.f32 v1, v4;
	v4 =	vld [tilespmem:s0+$0xFFFFFF80]  }
0xb7: {  	v2 =	vadd.f32 v5, v2;
	v5 =	vld [tilespmem:s0+$0xFFFFFF90]  }
0xb8: {  	v1 =	vadd.f32 v6, v1;
	v6 =	vld [tilespmem:s0+$0xFFFFFFA0]  }
0xb9: {  	v2 =	vadd.f32 v7, v2;
	v7 =	vld [tilespmem:s0+$0xFFFFFFB0]  }
0xba: {  	v1 =	vadd.f32 v3, v1;
	v3 =	vld [tilespmem:s0+$0xFFFFFFC0]  }
0xbb: {  	v2 =	vadd.f32 v4, v2;
	v4 =	vld [tilespmem:s0+$0xFFFFFFD0]  }
0xbc: {  	v1 =	vadd.f32 v5, v1;
	v5 =	vld [tilespmem:s0+$0xFFFFFFE0]  }
0xbd: {  	v2 =	vadd.f32 v6, v2;
	v6 =	vld [tilespmem:s0+$0xFFFFFFF0]  }
0xbe: {  	v1 =	vadd.f32 v7, v1;
	v7 =	vld [tilespmem:s0+$0x0]  }
0xbf: {  	v2 =	vadd.f32 v3, v2;
	v3 =	vld [tilespmem:s0+$0x10]  }
0xc0: {  	v1 =	vadd.f32 v4, v1;
	v4 =	vld [tilespmem:s0+$0x20]  }
0xc1: {  	v2 =	vadd.f32 v5, v2;
	v5 =	vld [tilespmem:s0+$0x30]  }
0xc2: {  	v1 =	vadd.f32 v6, v1;
	v6 =	vld [tilespmem:s0+$0x40]  }
0xc3: {  	v2 =	vadd.f32 v7, v2;
	v7 =	vld [tilespmem:s0+$0x50]  }
0xc4: {  	v1 =	vadd.f32 v3, v1;
	v3 =	vld [tilespmem:s0+$0x60]  }
0xc5: {  	v2 =	vadd.f32 v4, v2;
	v4 =	vld [tilespmem:s0+$0x70]  }
0xc6: {  	v1 =	vadd.f32 v5, v1;
	v5 =	vld [tilespmem:s0+$0x80]  }
0xc7: {  	v2 =	vadd.f32 v6, v2;
	v6 =	vld [tilespmem:s0+$0x90]  }
0xc8: {  	v1 =	vadd.f32 v7, v1;
	v7 =	vld [tilespmem:s0+$0xA0]  }
0xc9: {  	v2 =	vadd.f32 v3, v2;
	v3 =	vld [tilespmem:s0+$0xB0]  }
0xca: {  	v1 =	vadd.f32 v4, v1;
	v4 =	vld [tilespmem:s0+$0xC0]  }
0xcb: {  	v2 =	vadd.f32 v5, v2;
	v5 =	vld [tilespmem:s0+$0xD0]  }
0xcc: {  	v1 =	vadd.f32 v6, v1;
	v6 =	vld [tilespmem:s0+$0xE0]  }
0xcd: {  	v2 =	vadd.f32 v7, v2;
	v7 =	vld [tilespmem:s0+$0xF0]  }
0xce: {  	v1 =	vadd.f32 v3, v1  }
.Ltmp0:
0xcf: {  	v2 =	vadd.f32 v4, v2;
	(pc) =	sbr.rel @p0 .LBB2_3-.Ltmp0, $4  }
0xd0: {  	v1 =	vadd.f32 v5, v1  }
0xd1: {  	v2 =	vadd.f32 v6, v2  }
0xd2: {  	s7 =	sshra.s32 s7, $0x2;
	v1 =	vadd.f32 v7, v1  }
0xd3: {  	[tilespmem:s7+$0x8800] =	vst v2  }
0xd4: {  	s30 =	sadd.s32 $0x1, s30  }
0xd5: {  	s0 =	sshll.u32 s31, $0x2;
	p0 =	sne.s32 s30, $0x8  }
.Ltmp1:
0xd6: {  	[tilespmem:s7+$0x8810] =	vst v1;
	s0 =	sadd.s32 s1, s0;
	(pc) =	sbr.rel @p0 .LBB2_2-.Ltmp1, $4  }
0xd7: {  	[hbm4b:s0+s2] =	stream.linear.scatter [tilespmem:s28], [sflag:$0x2], $0x800, $0x38;
	[tilespmem:$0x9000] =	vst v63  }
0xd8: {  	_ =	swait.ge [sflag:s8], $0x800  }
0xd9: {  	[sflag:s8] =	ssyncset.done $0x0  }
0xda: {  	[sflag:s8] =	ssyncadd.s32 $0xFFFFF800  }
0xdb: {  	s29 =	sadd.s32 $0x1, s29;
	s0 =	rddreg [dreg:$0x3]  }
0xdc: {  	p0 =	sne.s32 s29, s0  }
.Ltmp2:
0xdd: {  	_ = 	snop;
	(pc) =	sbr.rel @p0 .LBB2_1-.Ltmp2, $1  }
0xde: {  	_ =	sdelay $0x3  }
0xdf: {  	_ =	sfence.sel $0x180000  }
0xe0: {  	[bflag:$0x0] =	sbarrier.arrive $0xFFFF  }
0xe1: {  	_ =	strace $0x90000047  }
0xe2: {  	s0 =	stileid.u32;
	[bflag:$0x2] =	sbarrier.arrive $0xFFFF  }
0xe3: {  	p0 =	sne.s32 s0, $0x0;
	s0 =	rddreg [dreg:$0x2]  }
0xe4: {  	s0 =	sadd.s32 @!p0 $0x100000, s0  }
0xe5: {  	[sflag:s0] =	ssyncadd.tile.s32 @!p0 $0x1;
	_ =	shalt  }
.Lfunc_end2:
_tile_overlayer_lowered:
.L_overlay_start_2:
0xe6: {  	(tag) =	ssettag $0x2  }
0xe7: {  	s0 =	rddreg [dreg:$0x0];
	s2 =	stileid.u32  }
0xe8: {  	s1 =	rddreg [dreg:$0x1];
	p0 =	sne.s32 s2, $0x0  }
0xe9: {  	s3 =	rddreg [dreg:$0x2];
	[bflag:$0x3] =	sbarrier.arrive $0xFFFF;
	s2 =	simm.s32 @!p0 $0x1C02  }
0xea: {  	[timem:s3], [sflag:s2] =	dma.local @!p0 [hbm:s0], s1  }
0xeb: {  	s0 =	simm.s32 @!p0 $0x2  }
0xec: {  	_ =	swait.ge @!p0 [sflag:s0], s1  }
0xed: {  	s1 =	ssub.s32 @!p0 $0x0, s1;
	[sflag:s0] =	ssyncset.done @!p0 $0x0  }
0xee: {  	[sflag:s0] =	ssyncadd.s32 @!p0 s1  }
0xef: {  	[bflag:$0x3] =	sbarrier.arrive $0xFFFF  }
0xf0: {  	_ =	shalt  }

</sc_bundles>
